<compile_context>
chip_gen: v7x
topology: tpu7x:2x2x1
jax: 0.10.2.dev20260603
libtpu: 0.0.44.dev20260713+nightly
codegen_flags: <defaults>
</compile_context>

<pallas_src>
import functools

import jax
import jax.numpy as jnp
from jax import lax
from jax.experimental import pallas as pl
from jax.experimental.pallas import tpu as pltpu
from jax.experimental.pallas import tpu_sc as plsc

N = 10000
D = 128
E = 640000
L = 100000

NPAD = 10112
CHUNK = 128
TILES = 16
EPT = 40064
EPAD = EPT * TILES
CPT = EPT // CHUNK
ZROWS = NPAD // TILES

LPAD = 102400
LPW = LPAD // 32
LCPW = LPW // CHUNK

_HI = jax.lax.Precision.HIGHEST


HD = D // 2


def _seg_sum_sc(with_counts):
  mesh = plsc.VectorSubcoreMesh(core_axis_name="c", subcore_axis_name="s")
  out_type = [jax.ShapeDtypeStruct((NPAD, HD), jnp.float32)
              for _ in range(4)]
  if with_counts:
    out_type += [
        jax.ShapeDtypeStruct((NPAD, 16), jnp.float32),
        jax.ShapeDtypeStruct((NPAD, 16), jnp.float32),
    ]
  scratch = [
      pltpu.VMEM((CHUNK,), jnp.int32),
      pltpu.VMEM((CHUNK,), jnp.int32),
      pltpu.VMEM((CHUNK, HD), jnp.float32),
      pltpu.VMEM((CHUNK, 16), jnp.float32),
      pltpu.VMEM((ZROWS, HD), jnp.float32),
      pltpu.VMEM((ZROWS, 16), jnp.float32),
      pltpu.VMEM_SHARED((NPAD, HD), jnp.float32),
      pltpu.VMEM_SHARED((NPAD, 16), jnp.float32),
      pltpu.SemaphoreType.DMA,
  ]

  def body(xa_lo, xa_hi, xb_lo, xb_hi, src_a, dst_a, src_b, dst_b,
           z64, z16, ones_h, *refs):
    if with_counts:
      out_a_lo, out_a_hi, out_b_lo, out_b_hi, cnt_a, cnt_b = refs[:6]
      scr = refs[6:]
    else:
      out_a_lo, out_a_hi, out_b_lo, out_b_hi = refs[:4]
      scr = refs[4:]
    sidx, didx, rows, ones_v, stage, stage16, acc, cacc, sem = scr
    cid = lax.axis_index("c")
    sid = lax.axis_index("s")
    r0 = sid * ZROWS

    if with_counts:
      pltpu.sync_copy(ones_h, ones_v)

    for phase in range(2):
      do_cnt = with_counts and phase == 0
      tab_a = xa_lo if phase == 0 else xa_hi
      tab_b = xb_lo if phase == 0 else xb_hi
      out_a = out_a_lo if phase == 0 else out_a_hi
      out_b = out_b_lo if phase == 0 else out_b_hi

      pltpu.sync_copy(z64.at[pl.ds(r0, ZROWS)], stage)
      pltpu.sync_copy(stage, acc.at[pl.ds(r0, ZROWS)])
      if do_cnt:
        pltpu.sync_copy(z16.at[pl.ds(r0, ZROWS)], stage16)
        pltpu.sync_copy(stage16, cacc.at[pl.ds(r0, ZROWS)])
      plsc.subcore_barrier()

      def make_loop(src_h, dst_h, tab_h, count_now):
        def step(c, _):
          off = sid * EPT + c * CHUNK
          pltpu.sync_copy(src_h.at[pl.ds(off, CHUNK)], sidx)
          pltpu.sync_copy(dst_h.at[pl.ds(off, CHUNK)], didx)
          pltpu.async_copy(tab_h.at[sidx], rows, sem).wait()
          pltpu.sync_copy(rows, acc.at[didx], add=True)
          if count_now:
            pltpu.sync_copy(ones_v, cacc.at[didx], add=True)
          return 0
        return step

      @pl.when(cid == 0)
      def _():
        lax.fori_loop(0, CPT, make_loop(src_a, dst_a, tab_a, do_cnt), 0)

      @pl.when(cid == 1)
      def _():
        lax.fori_loop(0, CPT, make_loop(src_b, dst_b, tab_b, do_cnt), 0)

      plsc.subcore_barrier()

      pltpu.sync_copy(acc.at[pl.ds(r0, ZROWS)], stage)
      if do_cnt:
        pltpu.sync_copy(cacc.at[pl.ds(r0, ZROWS)], stage16)

      @pl.when(cid == 0)
      def _():
        pltpu.sync_copy(stage, out_a.at[pl.ds(r0, ZROWS)])
        if do_cnt:
          pltpu.sync_copy(stage16, cnt_a.at[pl.ds(r0, ZROWS)])

      @pl.when(cid == 1)
      def _():
        pltpu.sync_copy(stage, out_b.at[pl.ds(r0, ZROWS)])
        if do_cnt:
          pltpu.sync_copy(stage16, cnt_b.at[pl.ds(r0, ZROWS)])

      if phase == 0:
        plsc.subcore_barrier()

  return pl.kernel(
      body, out_type=out_type, mesh=mesh, scratch_types=scratch,
      compiler_params=pltpu.CompilerParams(use_tc_tiling_on_sc=False))


def _head_gather_sc():
  mesh = plsc.VectorSubcoreMesh(core_axis_name="c", subcore_axis_name="s")
  out_type = [
      jax.ShapeDtypeStruct((LPAD, D), jnp.float32),
      jax.ShapeDtypeStruct((LPAD, D), jnp.float32),
  ]
  scratch = [
      pltpu.VMEM((CHUNK,), jnp.int32),
      pltpu.VMEM((CHUNK, D), jnp.float32),
      pltpu.SemaphoreType.DMA,
  ]

  def body(u_tab, i_tab, ls, ld, hs, hd, idx, rows, sem):
    cid = lax.axis_index("c")
    sid = lax.axis_index("s")
    wid = sid * 2 + cid

    def step(c, _):
      off = wid * LPW + c * CHUNK
      pltpu.sync_copy(ls.at[pl.ds(off, CHUNK)], idx)
      pltpu.async_copy(u_tab.at[idx], rows, sem).wait()
      pltpu.sync_copy(rows, hs.at[pl.ds(off, CHUNK)])
      pltpu.sync_copy(ld.at[pl.ds(off, CHUNK)], idx)
      pltpu.async_copy(i_tab.at[idx], rows, sem).wait()
      pltpu.sync_copy(rows, hd.at[pl.ds(off, CHUNK)])
      return 0

    lax.fori_loop(0, LCPW, step, 0)

  return pl.kernel(body, out_type=out_type, mesh=mesh, scratch_types=scratch)


_DROWS = 632


def _tc_dense_body(si, ci, su, cu, wi, wua, wub, bu, mi, mu):
  inv_i = 1.0 / jnp.maximum(ci[:, 0:1], 1.0)
  mi[:] = jnp.dot(si[:] * inv_i, wi[:], precision=_HI)
  inv_u = 1.0 / jnp.maximum(cu[:, 0:1], 1.0)
  wu = jnp.dot(wua[:], wub[:], precision=_HI)
  mu[:] = jnp.dot(su[:] * inv_u, wu, precision=_HI) + bu[:]


def _tc_dense(si, ci, su, cu, wi, wua, wub, bu):
  grid = NPAD // _DROWS
  blk_nd = pl.BlockSpec((_DROWS, D), lambda i: (i, 0))
  blk_cnt = pl.BlockSpec((_DROWS, 16), lambda i: (i, 0))
  blk_w = pl.BlockSpec((D, D), lambda i: (0, 0))
  blk_b = pl.BlockSpec((1, D), lambda i: (0, 0))
  return pl.pallas_call(
      _tc_dense_body,
      grid=(grid,),
      in_specs=[blk_nd, blk_cnt, blk_nd, blk_cnt, blk_w, blk_w, blk_w, blk_b],
      out_specs=[blk_nd, blk_nd],
      out_shape=[
          jax.ShapeDtypeStruct((NPAD, D), jnp.float32),
          jax.ShapeDtypeStruct((NPAD, D), jnp.float32),
      ],
  )(si, ci, su, cu, wi, wua, wub, bu)


_HROWS = 2048


def _tc_head_body(hs, hd, wp, bp, out):
  w = jnp.sum(wp[:], axis=1)
  c = jnp.sum(bp[:])
  p = hs[:] * hd[:] * w[None, :]
  out[:] = jnp.sum(p, axis=1, keepdims=True) + c


def _tc_head(hs, hd, wp, bp):
  grid = LPAD // _HROWS
  blk = pl.BlockSpec((_HROWS, D), lambda i: (i, 0))
  return pl.pallas_call(
      _tc_head_body,
      grid=(grid,),
      in_specs=[blk, blk,
                pl.BlockSpec((D, 2), lambda i: (0, 0)),
                pl.BlockSpec((1, 2), lambda i: (0, 0))],
      out_specs=pl.BlockSpec((_HROWS, 1), lambda i: (i, 0)),
      out_shape=jax.ShapeDtypeStruct((LPAD, 1), jnp.float32),
  )(hs, hd, wp, bp)


def _pad_edges(ei, pad_to):
  src = ei[0].astype(jnp.int32)
  dst = ei[1].astype(jnp.int32)
  pad = pad_to - src.shape[0]
  src = jnp.concatenate([src, jnp.zeros((pad,), jnp.int32)])
  dst = jnp.concatenate([dst, jnp.full((pad,), NPAD - 1, jnp.int32)])
  return src, dst


def kernel(x_user, x_item, edge_index_buys, edge_index_rev, edge_label_index,
           snap, W1_buys, W1_rev, Wp1, bp1, a1_Wu, a1_bu, a1_qu, a1_Wi, a1_bi,
           a1_qi, W2_buys, W2_rev, Wp2, bp2, a2_Wu, a2_bu, a2_qu, a2_Wi,
           a2_bi, a2_qi, W_post, b_post):
  eb_src, eb_dst = _pad_edges(edge_index_buys, EPAD)
  er_src, er_dst = _pad_edges(edge_index_rev, EPAD)
  z64 = jnp.zeros((NPAD, HD), jnp.float32)
  z16 = jnp.zeros((NPAD, 16), jnp.float32)
  ones_h = jnp.ones((CHUNK, 16), jnp.float32)

  si_lo, si_hi, su_lo, su_hi, cnt_i, cnt_u = _seg_sum_sc(True)(
      x_user[:, :HD], x_user[:, HD:], x_item[:, :HD], x_item[:, HD:],
      eb_src, eb_dst, er_src, er_dst, z64, z16, ones_h)
  sums_i1 = jnp.concatenate([si_lo, si_hi], axis=1)
  sums_u1 = jnp.concatenate([su_lo, su_hi], axis=1)
  m_item1, m_user1 = _tc_dense(sums_i1, cnt_i, sums_u1, cnt_u,
                               W1_buys, W1_rev, Wp1, bp1.reshape(1, D))

  si_lo2, si_hi2, su_lo2, su_hi2 = _seg_sum_sc(False)(
      m_user1[:, :HD], m_user1[:, HD:], m_item1[:, :HD], m_item1[:, HD:],
      eb_src, eb_dst, er_src, er_dst, z64, z16, ones_h)
  sums_i2 = jnp.concatenate([si_lo2, si_hi2], axis=1)
  sums_u2 = jnp.concatenate([su_lo2, su_hi2], axis=1)
  m_item2, m_user2 = _tc_dense(sums_i2, cnt_i, sums_u2, cnt_u,
                               W2_buys, W2_rev, Wp2, bp2.reshape(1, D))

  lpad = LPAD - L
  ls = jnp.concatenate([edge_label_index[0].astype(jnp.int32),
                        jnp.zeros((lpad,), jnp.int32)])
  ld = jnp.concatenate([edge_label_index[1].astype(jnp.int32),
                        jnp.zeros((lpad,), jnp.int32)])
  hs, hd = _head_gather_sc()(m_user2, m_item2, ls, ld)
  h = _tc_head(hs, hd, W_post, b_post.reshape(1, 2))[:L, 0]

  return (h, m_user1[:N], m_item1[:N], m_user2[:N], m_item2[:N])

# --- scband reference (transcript-rebuilt; emitter-appended) ---
"""Pipeline reference for scband-taobaodurendal-35132832481402 (READ-ONLY COPY).

The authoritative reference and input builder live on the scoring server;
editing this copy changes nothing except your own understanding.
"""

import jax, jax.numpy as jnp
import numpy as np

NU = 10000
NI = 10000
E = 640000
L = 100000
D = 128
H1 = 128
H2 = 128

def _seg_mean(data, seg, num):
    s = jax.ops.segment_sum(data, seg, num_segments=num)
    c = jax.ops.segment_sum(jnp.ones((data.shape[0], 1), data.dtype), seg, num_segments=num)
    return s / jnp.maximum(c, 1.0)

def _sem_agg(h_list, W, b, q):
    # semantic (relation-level) attention aggregation, HAN-style
    h = jnp.stack(h_list, axis=0)  # [R, N, d]
    s = jnp.tanh(h @ W + b).mean(axis=1) @ q  # [R]
    beta = jax.nn.softmax(s)
    return jnp.einsum('r,rnd->nd', beta, h)

def setup_inputs(seed: int = 0) -> dict:
    key = jax.random.key(seed)
    ks = jax.random.split(key, 32)
    sc = 0.05
    inp = {}
    inp['x_user'] = jax.random.normal(ks[0], (NU, D), dtype=jnp.float32)
    inp['x_item'] = jax.random.normal(ks[1], (NI, D), dtype=jnp.float32)
    inp['edge_index_buys'] = jax.random.randint(ks[2], (2, E), 0, NU)  # row0: user src, row1: item dst
    inp['edge_index_rev'] = jax.random.randint(ks[3], (2, E), 0, NI)   # row0: item src, row1: user dst
    inp['edge_label_index'] = jax.random.randint(ks[4], (2, L), 0, NU)
    inp['snap'] = 0
    inp['W1_buys'] = jax.random.normal(ks[5], (D, H1), dtype=jnp.float32) * sc
    inp['W1_rev'] = jax.random.normal(ks[6], (D, H1), dtype=jnp.float32) * sc
    inp['Wp1'] = jax.random.normal(ks[7], (H1, H1), dtype=jnp.float32) * sc
    inp['bp1'] = jnp.zeros((H1,), dtype=jnp.float32)
    inp['a1_Wu'] = jax.random.normal(ks[8], (H1, H1), dtype=jnp.float32) * sc
    inp['a1_bu'] = jnp.zeros((H1,), dtype=jnp.float32)
    inp['a1_qu'] = jax.random.normal(ks[9], (H1,), dtype=jnp.float32) * sc
    inp['a1_Wi'] = jax.random.normal(ks[10], (H1, H1), dtype=jnp.float32) * sc
    inp['a1_bi'] = jnp.zeros((H1,), dtype=jnp.float32)
    inp['a1_qi'] = jax.random.normal(ks[11], (H1,), dtype=jnp.float32) * sc
    inp['W2_buys'] = jax.random.normal(ks[12], (H1, H2), dtype=jnp.float32) * sc
    inp['W2_rev'] = jax.random.normal(ks[13], (H1, H2), dtype=jnp.float32) * sc
    inp['Wp2'] = jax.random.normal(ks[14], (H2, H2), dtype=jnp.float32) * sc
    inp['bp2'] = jnp.zeros((H2,), dtype=jnp.float32)
    inp['a2_Wu'] = jax.random.normal(ks[15], (H2, H2), dtype=jnp.float32) * sc
    inp['a2_bu'] = jnp.zeros((H2,), dtype=jnp.float32)
    inp['a2_qu'] = jax.random.normal(ks[16], (H2,), dtype=jnp.float32) * sc
    inp['a2_Wi'] = jax.random.normal(ks[17], (H2, H2), dtype=jnp.float32) * sc
    inp['a2_bi'] = jnp.zeros((H2,), dtype=jnp.float32)
    inp['a2_qi'] = jax.random.normal(ks[18], (H2,), dtype=jnp.float32) * sc
    inp['W_post'] = jax.random.normal(ks[19], (H2, 2), dtype=jnp.float32) * sc
    inp['b_post'] = jnp.zeros((2,), dtype=jnp.float32)
    return inp

def reference(x_user, x_item, edge_index_buys, edge_index_rev, edge_label_index, snap,
              W1_buys, W1_rev, Wp1, bp1, a1_Wu, a1_bu, a1_qu, a1_Wi, a1_bi, a1_qi,
              W2_buys, W2_rev, Wp2, bp2, a2_Wu, a2_bu, a2_qu, a2_Wi, a2_bi, a2_qi,
              W_post, b_post):
    # ---- DurendalConv layer 1: per-relation message passing (hetero) ----
    m_item1 = _seg_mean(jnp.take(x_user, edge_index_buys[0], axis=0) @ W1_buys, edge_index_buys[1], NI)
    m_user1 = _seg_mean(jnp.take(x_item, edge_index_rev[0], axis=0) @ W1_rev, edge_index_rev[1], NU)
    # projuser1 applied to every user relation embedding
    m_user1 = m_user1 @ Wp1 + bp1
    # snap == 0 -> no temporal weighted-average update (past dicts absent)
    # ---- SemanticAggregation 1 ----
    u1 = _sem_agg([m_user1], a1_Wu, a1_bu, a1_qu)
    i1 = _sem_agg([m_item1], a1_Wi, a1_bi, a1_qi)
    # ---- DurendalConv layer 2 ----
    m_item2 = _seg_mean(jnp.take(u1, edge_index_buys[0], axis=0) @ W2_buys, edge_index_buys[1], NI)
    m_user2 = _seg_mean(jnp.take(i1, edge_index_rev[0], axis=0) @ W2_rev, edge_index_rev[1], NU)
    m_user2 = m_user2 @ Wp2 + bp2
    # ---- SemanticAggregation 2 ----
    u2 = _sem_agg([m_user2], a2_Wu, a2_bu, a2_qu)
    i2 = _sem_agg([m_item2], a2_Wi, a2_bi, a2_qi)
    # ---- link prediction head ----
    h_src = jnp.take(u2, edge_label_index[0], axis=0)
    h_dst = jnp.take(i2, edge_label_index[1], axis=0)
    h = (h_src * h_dst) @ W_post + b_post
    h = jnp.sum(h, axis=-1)
    return (h, m_user1, m_item1, m_user2, m_item2)

if __name__ == "__main__":
    import jax
    _d = setup_inputs()
    print(jax.jit(kernel)(*tuple(_d.values())))

</pallas_src>

<mosaic_0001>
#map = affine_map<(d0, d1) -> (0, 0)>
#map1 = affine_map<(d0, d1) -> (0)>
module attributes {stable_mosaic.version = 14 : i64} {
  func.func @body(%arg0: i32, %arg1: i32, %arg2: memref<10000x64xf32, #tpu.memory_space<hbm>>, %arg3: memref<10000x64xf32, #tpu.memory_space<hbm>>, %arg4: memref<10000x64xf32, #tpu.memory_space<hbm>>, %arg5: memref<10000x64xf32, #tpu.memory_space<hbm>>, %arg6: memref<641024xi32, #tpu.memory_space<hbm>>, %arg7: memref<641024xi32, #tpu.memory_space<hbm>>, %arg8: memref<641024xi32, #tpu.memory_space<hbm>>, %arg9: memref<641024xi32, #tpu.memory_space<hbm>>, %arg10: memref<10112x64xf32, #tpu.memory_space<hbm>>, %arg11: memref<10112x16xf32, #tpu.memory_space<hbm>>, %arg12: memref<128x16xf32, #tpu.memory_space<hbm>>, %arg13: memref<10112x64xf32, #tpu.memory_space<hbm>>, %arg14: memref<10112x64xf32, #tpu.memory_space<hbm>>, %arg15: memref<10112x64xf32, #tpu.memory_space<hbm>>, %arg16: memref<10112x64xf32, #tpu.memory_space<hbm>>, %arg17: memref<10112x16xf32, #tpu.memory_space<hbm>>, %arg18: memref<10112x16xf32, #tpu.memory_space<hbm>>, %arg19: memref<128xi32, #tpu.memory_space<vmem>>, %arg20: memref<128xi32, #tpu.memory_space<vmem>>, %arg21: memref<128x64xf32, #tpu.memory_space<vmem>>, %arg22: memref<128x16xf32, #tpu.memory_space<vmem>>, %arg23: memref<632x64xf32, #tpu.memory_space<vmem>>, %arg24: memref<632x16xf32, #tpu.memory_space<vmem>>, %arg25: memref<10112x64xf32, #tpu.memory_space<vmem_shared>>, %arg26: memref<10112x16xf32, #tpu.memory_space<vmem_shared>>, %arg27: memref<!tpu.dma_semaphore, #tpu.memory_space<semaphore_mem>>) attributes {dimension_semantics = [#tpu.dimension_semantics<core_parallel>, #tpu.dimension_semantics<subcore_parallel>], iteration_bounds = array<i64: 2, 16>, scalar_prefetch = 0 : i64, scratch_operands = 9 : i64, tpu.core_type = #tpu.core_type<sc_vector_subcore>, window_params = [{transform_indices = #map}, {transform_indices = #map}, {transform_indices = #map}, {transform_indices = #map}, {transform_indices = #map1}, {transform_indices = #map1}, {transform_indices = #map1}, {transform_indices = #map1}, {transform_indices = #map}, {transform_indices = #map}, {transform_indices = #map}, {transform_indices = #map}, {transform_indices = #map}, {transform_indices = #map}, {transform_indices = #map}, {transform_indices = #map}, {transform_indices = #map}]} {
    %mul3A = arith.constant 632 : i32
    %mul3A_0 = arith.muli %arg1, %mul3A : i32
    "tpu.region"() ({
      %run_scoped3A = tpu.sem_alloc : memref<!tpu.dma_semaphore, #tpu.memory_space<semaphore_mem>>
      tpu.enqueue_dma source(%arg12 : memref<128x16xf32, #tpu.memory_space<hbm>>) target(%arg22 : memref<128x16xf32, #tpu.memory_space<vmem>>) target_semaphore(%run_scoped3A : memref<!tpu.dma_semaphore, #tpu.memory_space<semaphore_mem>>)
      tpu.wait_dma2 semaphore(%run_scoped3A : memref<!tpu.dma_semaphore, #tpu.memory_space<semaphore_mem>>) src(%arg12 : memref<128x16xf32, #tpu.memory_space<hbm>>) dst(%arg22 : memref<128x16xf32, #tpu.memory_space<vmem>>)
      tpu.yield
    }) : () -> ()
    "tpu.region"() ({
      %run_scoped3A = tpu.sem_alloc : memref<!tpu.dma_semaphore, #tpu.memory_space<semaphore_mem>>
      %dma_start3A = arith.constant 0 : i32
      %dma_start3A_42 = tpu.memref_slice %arg10[%mul3A_0, %dma_start3A] : memref<10112x64xf32, #tpu.memory_space<hbm>> -> memref<632x64xf32, #tpu.memory_space<hbm>>
      %dma_start3A_43 = arith.constant 0 : i32
      %dma_start3A_44 = tpu.memref_slice %arg10[%mul3A_0, %dma_start3A_43] : memref<10112x64xf32, #tpu.memory_space<hbm>> -> memref<632x64xf32, #tpu.memory_space<hbm>>
      tpu.enqueue_dma source(%dma_start3A_44 : memref<632x64xf32, #tpu.memory_space<hbm>>) target(%arg23 : memref<632x64xf32, #tpu.memory_space<vmem>>) target_semaphore(%run_scoped3A : memref<!tpu.dma_semaphore, #tpu.memory_space<semaphore_mem>>)
      %dma_wait3A = arith.constant 0 : i32
      %dma_wait3A_45 = tpu.memref_slice %arg10[%mul3A_0, %dma_wait3A] : memref<10112x64xf32, #tpu.memory_space<hbm>> -> memref<632x64xf32, #tpu.memory_space<hbm>>
      %dma_wait3A_46 = arith.constant 0 : i32
      %dma_wait3A_47 = tpu.memref_slice %arg10[%mul3A_0, %dma_wait3A_46] : memref<10112x64xf32, #tpu.memory_space<hbm>> -> memref<632x64xf32, #tpu.memory_space<hbm>>
      tpu.wait_dma2 semaphore(%run_scoped3A : memref<!tpu.dma_semaphore, #tpu.memory_space<semaphore_mem>>) src(%dma_wait3A_47 : memref<632x64xf32, #tpu.memory_space<hbm>>) dst(%arg23 : memref<632x64xf32, #tpu.memory_space<vmem>>)
      tpu.yield
    }) : () -> ()
    "tpu.region"() ({
      %run_scoped3A = tpu.sem_alloc : memref<!tpu.dma_semaphore, #tpu.memory_space<semaphore_mem>>
      %dma_start3A = arith.constant 0 : i32
      %dma_start3A_42 = tpu.memref_slice %arg25[%mul3A_0, %dma_start3A] : memref<10112x64xf32, #tpu.memory_space<vmem_shared>> -> memref<632x64xf32, #tpu.memory_space<vmem_shared>>
      %dma_start3A_43 = arith.constant 0 : i32
      %dma_start3A_44 = tpu.memref_slice %arg25[%mul3A_0, %dma_start3A_43] : memref<10112x64xf32, #tpu.memory_space<vmem_shared>> -> memref<632x64xf32, #tpu.memory_space<vmem_shared>>
      tpu.enqueue_dma source(%arg23 : memref<632x64xf32, #tpu.memory_space<vmem>>) target(%dma_start3A_44 : memref<632x64xf32, #tpu.memory_space<vmem_shared>>) target_semaphore(%run_scoped3A : memref<!tpu.dma_semaphore, #tpu.memory_space<semaphore_mem>>)
      %dma_wait3A = arith.constant 0 : i32
      %dma_wait3A_45 = tpu.memref_slice %arg25[%mul3A_0, %dma_wait3A] : memref<10112x64xf32, #tpu.memory_space<vmem_shared>> -> memref<632x64xf32, #tpu.memory_space<vmem_shared>>
      %dma_wait3A_46 = arith.constant 0 : i32
      %dma_wait3A_47 = tpu.memref_slice %arg25[%mul3A_0, %dma_wait3A_46] : memref<10112x64xf32, #tpu.memory_space<vmem_shared>> -> memref<632x64xf32, #tpu.memory_space<vmem_shared>>
      tpu.wait_dma2 semaphore(%run_scoped3A : memref<!tpu.dma_semaphore, #tpu.memory_space<semaphore_mem>>) src(%arg23 : memref<632x64xf32, #tpu.memory_space<vmem>>) dst(%dma_wait3A_47 : memref<632x64xf32, #tpu.memory_space<vmem_shared>>)
      tpu.yield
    }) : () -> ()
    "tpu.region"() ({
      %run_scoped3A = tpu.sem_alloc : memref<!tpu.dma_semaphore, #tpu.memory_space<semaphore_mem>>
      %dma_start3A = arith.constant 0 : i32
      %dma_start3A_42 = tpu.memref_slice %arg11[%mul3A_0, %dma_start3A] : memref<10112x16xf32, #tpu.memory_space<hbm>> -> memref<632x16xf32, #tpu.memory_space<hbm>>
      %dma_start3A_43 = arith.constant 0 : i32
      %dma_start3A_44 = tpu.memref_slice %arg11[%mul3A_0, %dma_start3A_43] : memref<10112x16xf32, #tpu.memory_space<hbm>> -> memref<632x16xf32, #tpu.memory_space<hbm>>
      tpu.enqueue_dma source(%dma_start3A_44 : memref<632x16xf32, #tpu.memory_space<hbm>>) target(%arg24 : memref<632x16xf32, #tpu.memory_space<vmem>>) target_semaphore(%run_scoped3A : memref<!tpu.dma_semaphore, #tpu.memory_space<semaphore_mem>>)
      %dma_wait3A = arith.constant 0 : i32
      %dma_wait3A_45 = tpu.memref_slice %arg11[%mul3A_0, %dma_wait3A] : memref<10112x16xf32, #tpu.memory_space<hbm>> -> memref<632x16xf32, #tpu.memory_space<hbm>>
      %dma_wait3A_46 = arith.constant 0 : i32
      %dma_wait3A_47 = tpu.memref_slice %arg11[%mul3A_0, %dma_wait3A_46] : memref<10112x16xf32, #tpu.memory_space<hbm>> -> memref<632x16xf32, #tpu.memory_space<hbm>>
      tpu.wait_dma2 semaphore(%run_scoped3A : memref<!tpu.dma_semaphore, #tpu.memory_space<semaphore_mem>>) src(%dma_wait3A_47 : memref<632x16xf32, #tpu.memory_space<hbm>>) dst(%arg24 : memref<632x16xf32, #tpu.memory_space<vmem>>)
      tpu.yield
    }) : () -> ()
    "tpu.region"() ({
      %run_scoped3A = tpu.sem_alloc : memref<!tpu.dma_semaphore, #tpu.memory_space<semaphore_mem>>
      %dma_start3A = arith.constant 0 : i32
      %dma_start3A_42 = tpu.memref_slice %arg26[%mul3A_0, %dma_start3A] : memref<10112x16xf32, #tpu.memory_space<vmem_shared>> -> memref<632x16xf32, #tpu.memory_space<vmem_shared>>
      %dma_start3A_43 = arith.constant 0 : i32
      %dma_start3A_44 = tpu.memref_slice %arg26[%mul3A_0, %dma_start3A_43] : memref<10112x16xf32, #tpu.memory_space<vmem_shared>> -> memref<632x16xf32, #tpu.memory_space<vmem_shared>>
      tpu.enqueue_dma source(%arg24 : memref<632x16xf32, #tpu.memory_space<vmem>>) target(%dma_start3A_44 : memref<632x16xf32, #tpu.memory_space<vmem_shared>>) target_semaphore(%run_scoped3A : memref<!tpu.dma_semaphore, #tpu.memory_space<semaphore_mem>>)
      %dma_wait3A = arith.constant 0 : i32
      %dma_wait3A_45 = tpu.memref_slice %arg26[%mul3A_0, %dma_wait3A] : memref<10112x16xf32, #tpu.memory_space<vmem_shared>> -> memref<632x16xf32, #tpu.memory_space<vmem_shared>>
      %dma_wait3A_46 = arith.constant 0 : i32
      %dma_wait3A_47 = tpu.memref_slice %arg26[%mul3A_0, %dma_wait3A_46] : memref<10112x16xf32, #tpu.memory_space<vmem_shared>> -> memref<632x16xf32, #tpu.memory_space<vmem_shared>>
      tpu.wait_dma2 semaphore(%run_scoped3A : memref<!tpu.dma_semaphore, #tpu.memory_space<semaphore_mem>>) src(%arg24 : memref<632x16xf32, #tpu.memory_space<vmem>>) dst(%dma_wait3A_47 : memref<632x16xf32, #tpu.memory_space<vmem_shared>>)
      tpu.yield
    }) : () -> ()
    %barrier3A = arith.constant 0 : index
    tpu.barrier barrier_id(%barrier3A)
    %eq3A = arith.constant 0 : i32
    %eq3A_1 = arith.cmpi eq, %arg0, %eq3A : i32
    %convert_element_type3A = arith.extui %eq3A_1 : i1 to i32
    %cond3A = arith.constant 0 : i32
    %cond3A_2 = arith.cmpi ne, %convert_element_type3A, %cond3A : i32
    scf.if %cond3A_2 {
      %scan3A = arith.constant 0 : i32
      %scan3A_42 = arith.constant 0 : i32
      %scan3A_43 = arith.constant 313 : i32
      %scan3A_44 = arith.addi %scan3A_42, %scan3A_43 : i32
      %scan3A_45 = arith.constant 1 : i32
      %scan3A_46 = scf.for %scan3A_48 = %scan3A_42 to %scan3A_44 step %scan3A_45 iter_args(%scan3A_49 = %scan3A) -> (i32)  : i32 {
        %mul3A_50 = arith.constant 40064 : i32
        %mul3A_51 = arith.muli %arg1, %mul3A_50 : i32
        %mul3A_52 = arith.constant 128 : i32
        %mul3A_53 = arith.muli %scan3A_48, %mul3A_52 : i32
        %add3A = arith.addi %mul3A_51, %mul3A_53 : i32
        "tpu.region"() ({
          %run_scoped3A = tpu.sem_alloc : memref<!tpu.dma_semaphore, #tpu.memory_space<semaphore_mem>>
          %dma_start3A_59 = tpu.memref_slice %arg6[%add3A] : memref<641024xi32, #tpu.memory_space<hbm>> -> memref<128xi32, #tpu.memory_space<hbm>>
          %dma_start3A_60 = tpu.memref_slice %arg6[%add3A] : memref<641024xi32, #tpu.memory_space<hbm>> -> memref<128xi32, #tpu.memory_space<hbm>>
          tpu.enqueue_dma source(%dma_start3A_60 : memref<128xi32, #tpu.memory_space<hbm>>) target(%arg19 : memref<128xi32, #tpu.memory_space<vmem>>) target_semaphore(%run_scoped3A : memref<!tpu.dma_semaphore, #tpu.memory_space<semaphore_mem>>)
          %dma_wait3A_61 = tpu.memref_slice %arg6[%add3A] : memref<641024xi32, #tpu.memory_space<hbm>> -> memref<128xi32, #tpu.memory_space<hbm>>
          %dma_wait3A_62 = tpu.memref_slice %arg6[%add3A] : memref<641024xi32, #tpu.memory_space<hbm>> -> memref<128xi32, #tpu.memory_space<hbm>>
          tpu.wait_dma2 semaphore(%run_scoped3A : memref<!tpu.dma_semaphore, #tpu.memory_space<semaphore_mem>>) src(%dma_wait3A_62 : memref<128xi32, #tpu.memory_space<hbm>>) dst(%arg19 : memref<128xi32, #tpu.memory_space<vmem>>)
          tpu.yield
        }) : () -> ()
        "tpu.region"() ({
          %run_scoped3A = tpu.sem_alloc : memref<!tpu.dma_semaphore, #tpu.memory_space<semaphore_mem>>
          %dma_start3A_59 = tpu.memref_slice %arg7[%add3A] : memref<641024xi32, #tpu.memory_space<hbm>> -> memref<128xi32, #tpu.memory_space<hbm>>
          %dma_start3A_60 = tpu.memref_slice %arg7[%add3A] : memref<641024xi32, #tpu.memory_space<hbm>> -> memref<128xi32, #tpu.memory_space<hbm>>
          tpu.enqueue_dma source(%dma_start3A_60 : memref<128xi32, #tpu.memory_space<hbm>>) target(%arg20 : memref<128xi32, #tpu.memory_space<vmem>>) target_semaphore(%run_scoped3A : memref<!tpu.dma_semaphore, #tpu.memory_space<semaphore_mem>>)
          %dma_wait3A_61 = tpu.memref_slice %arg7[%add3A] : memref<641024xi32, #tpu.memory_space<hbm>> -> memref<128xi32, #tpu.memory_space<hbm>>
          %dma_wait3A_62 = tpu.memref_slice %arg7[%add3A] : memref<641024xi32, #tpu.memory_space<hbm>> -> memref<128xi32, #tpu.memory_space<hbm>>
          tpu.wait_dma2 semaphore(%run_scoped3A : memref<!tpu.dma_semaphore, #tpu.memory_space<semaphore_mem>>) src(%dma_wait3A_62 : memref<128xi32, #tpu.memory_space<hbm>>) dst(%arg20 : memref<128xi32, #tpu.memory_space<vmem>>)
          tpu.yield
        }) : () -> ()
        %dma_start3A = arith.constant 0 : i32
        %dma_start3A_54 = arith.constant 0 : i32
        %dma_start3A_55 = tpu.memref_slice %arg2[%dma_start3A, %dma_start3A_54] : memref<10000x64xf32, #tpu.memory_space<hbm>> -> memref<10000x64xf32, #tpu.memory_space<hbm>>
        tpu.enqueue_indirect_dma source(%dma_start3A_55 : memref<10000x64xf32, #tpu.memory_space<hbm>>) target(%arg21 : memref<128x64xf32, #tpu.memory_space<vmem>>) offsets(%arg19 : memref<128xi32, #tpu.memory_space<vmem>>) semaphore(%arg27 : memref<!tpu.dma_semaphore, #tpu.memory_space<semaphore_mem>>)
        %dma_wait3A = arith.constant 0 : i32
        %dma_wait3A_56 = arith.constant 0 : i32
        %dma_wait3A_57 = tpu.memref_slice %arg2[%dma_wait3A, %dma_wait3A_56] : memref<10000x64xf32, #tpu.memory_space<hbm>> -> memref<10000x64xf32, #tpu.memory_space<hbm>>
        tpu.wait_indirect_dma semaphore(%arg27 : memref<!tpu.dma_semaphore, #tpu.memory_space<semaphore_mem>>) src(%dma_wait3A_57 : memref<10000x64xf32, #tpu.memory_space<hbm>>) dst(%arg21 : memref<128x64xf32, #tpu.memory_space<vmem>>)
        "tpu.region"() ({
          %run_scoped3A = tpu.sem_alloc : memref<!tpu.dma_semaphore, #tpu.memory_space<semaphore_mem>>
          %dma_start3A_59 = arith.constant 0 : i32
          %dma_start3A_60 = arith.constant 0 : i32
          %dma_start3A_61 = tpu.memref_slice %arg25[%dma_start3A_59, %dma_start3A_60] : memref<10112x64xf32, #tpu.memory_space<vmem_shared>> -> memref<10112x64xf32, #tpu.memory_space<vmem_shared>>
          tpu.enqueue_indirect_dma source(%arg21 : memref<128x64xf32, #tpu.memory_space<vmem>>) target(%dma_start3A_61 : memref<10112x64xf32, #tpu.memory_space<vmem_shared>>) offsets(%arg20 : memref<128xi32, #tpu.memory_space<vmem>>) semaphore(%run_scoped3A : memref<!tpu.dma_semaphore, #tpu.memory_space<semaphore_mem>>) {add = true}
          %dma_wait3A_62 = arith.constant 0 : i32
          %dma_wait3A_63 = arith.constant 0 : i32
          %dma_wait3A_64 = tpu.memref_slice %arg25[%dma_wait3A_62, %dma_wait3A_63] : memref<10112x64xf32, #tpu.memory_space<vmem_shared>> -> memref<10112x64xf32, #tpu.memory_space<vmem_shared>>
          tpu.wait_indirect_dma semaphore(%run_scoped3A : memref<!tpu.dma_semaphore, #tpu.memory_space<semaphore_mem>>) src(%arg21 : memref<128x64xf32, #tpu.memory_space<vmem>>) dst(%dma_wait3A_64 : memref<10112x64xf32, #tpu.memory_space<vmem_shared>>)
          tpu.yield
        }) : () -> ()
        "tpu.region"() ({
          %run_scoped3A = tpu.sem_alloc : memref<!tpu.dma_semaphore, #tpu.memory_space<semaphore_mem>>
          %dma_start3A_59 = arith.constant 0 : i32
          %dma_start3A_60 = arith.constant 0 : i32
          %dma_start3A_61 = tpu.memref_slice %arg26[%dma_start3A_59, %dma_start3A_60] : memref<10112x16xf32, #tpu.memory_space<vmem_shared>> -> memref<10112x16xf32, #tpu.memory_space<vmem_shared>>
          tpu.enqueue_indirect_dma source(%arg22 : memref<128x16xf32, #tpu.memory_space<vmem>>) target(%dma_start3A_61 : memref<10112x16xf32, #tpu.memory_space<vmem_shared>>) offsets(%arg20 : memref<128xi32, #tpu.memory_space<vmem>>) semaphore(%run_scoped3A : memref<!tpu.dma_semaphore, #tpu.memory_space<semaphore_mem>>) {add = true}
          %dma_wait3A_62 = arith.constant 0 : i32
          %dma_wait3A_63 = arith.constant 0 : i32
          %dma_wait3A_64 = tpu.memref_slice %arg26[%dma_wait3A_62, %dma_wait3A_63] : memref<10112x16xf32, #tpu.memory_space<vmem_shared>> -> memref<10112x16xf32, #tpu.memory_space<vmem_shared>>
          tpu.wait_indirect_dma semaphore(%run_scoped3A : memref<!tpu.dma_semaphore, #tpu.memory_space<semaphore_mem>>) src(%arg22 : memref<128x16xf32, #tpu.memory_space<vmem>>) dst(%dma_wait3A_64 : memref<10112x16xf32, #tpu.memory_space<vmem_shared>>)
          tpu.yield
        }) : () -> ()
        %scan3A_58 = arith.constant 0 : i32
        scf.yield %scan3A_58 : i32
      }
      %scan3A_47 = arith.constant 313 : i32
    } else {
    }
    %eq3A_3 = arith.constant 1 : i32
    %eq3A_4 = arith.cmpi eq, %arg0, %eq3A_3 : i32
    %convert_element_type3A_5 = arith.extui %eq3A_4 : i1 to i32
    %cond3A_6 = arith.constant 0 : i32
    %cond3A_7 = arith.cmpi ne, %convert_element_type3A_5, %cond3A_6 : i32
    scf.if %cond3A_7 {
      %scan3A = arith.constant 0 : i32
      %scan3A_42 = arith.constant 0 : i32
      %scan3A_43 = arith.constant 313 : i32
      %scan3A_44 = arith.addi %scan3A_42, %scan3A_43 : i32
      %scan3A_45 = arith.constant 1 : i32
      %scan3A_46 = scf.for %scan3A_48 = %scan3A_42 to %scan3A_44 step %scan3A_45 iter_args(%scan3A_49 = %scan3A) -> (i32)  : i32 {
        %mul3A_50 = arith.constant 40064 : i32
        %mul3A_51 = arith.muli %arg1, %mul3A_50 : i32
        %mul3A_52 = arith.constant 128 : i32
        %mul3A_53 = arith.muli %scan3A_48, %mul3A_52 : i32
        %add3A = arith.addi %mul3A_51, %mul3A_53 : i32
        "tpu.region"() ({
          %run_scoped3A = tpu.sem_alloc : memref<!tpu.dma_semaphore, #tpu.memory_space<semaphore_mem>>
          %dma_start3A_59 = tpu.memref_slice %arg8[%add3A] : memref<641024xi32, #tpu.memory_space<hbm>> -> memref<128xi32, #tpu.memory_space<hbm>>
          %dma_start3A_60 = tpu.memref_slice %arg8[%add3A] : memref<641024xi32, #tpu.memory_space<hbm>> -> memref<128xi32, #tpu.memory_space<hbm>>
          tpu.enqueue_dma source(%dma_start3A_60 : memref<128xi32, #tpu.memory_space<hbm>>) target(%arg19 : memref<128xi32, #tpu.memory_space<vmem>>) target_semaphore(%run_scoped3A : memref<!tpu.dma_semaphore, #tpu.memory_space<semaphore_mem>>)
          %dma_wait3A_61 = tpu.memref_slice %arg8[%add3A] : memref<641024xi32, #tpu.memory_space<hbm>> -> memref<128xi32, #tpu.memory_space<hbm>>
          %dma_wait3A_62 = tpu.memref_slice %arg8[%add3A] : memref<641024xi32, #tpu.memory_space<hbm>> -> memref<128xi32, #tpu.memory_space<hbm>>
          tpu.wait_dma2 semaphore(%run_scoped3A : memref<!tpu.dma_semaphore, #tpu.memory_space<semaphore_mem>>) src(%dma_wait3A_62 : memref<128xi32, #tpu.memory_space<hbm>>) dst(%arg19 : memref<128xi32, #tpu.memory_space<vmem>>)
          tpu.yield
        }) : () -> ()
        "tpu.region"() ({
          %run_scoped3A = tpu.sem_alloc : memref<!tpu.dma_semaphore, #tpu.memory_space<semaphore_mem>>
          %dma_start3A_59 = tpu.memref_slice %arg9[%add3A] : memref<641024xi32, #tpu.memory_space<hbm>> -> memref<128xi32, #tpu.memory_space<hbm>>
          %dma_start3A_60 = tpu.memref_slice %arg9[%add3A] : memref<641024xi32, #tpu.memory_space<hbm>> -> memref<128xi32, #tpu.memory_space<hbm>>
          tpu.enqueue_dma source(%dma_start3A_60 : memref<128xi32, #tpu.memory_space<hbm>>) target(%arg20 : memref<128xi32, #tpu.memory_space<vmem>>) target_semaphore(%run_scoped3A : memref<!tpu.dma_semaphore, #tpu.memory_space<semaphore_mem>>)
          %dma_wait3A_61 = tpu.memref_slice %arg9[%add3A] : memref<641024xi32, #tpu.memory_space<hbm>> -> memref<128xi32, #tpu.memory_space<hbm>>
          %dma_wait3A_62 = tpu.memref_slice %arg9[%add3A] : memref<641024xi32, #tpu.memory_space<hbm>> -> memref<128xi32, #tpu.memory_space<hbm>>
          tpu.wait_dma2 semaphore(%run_scoped3A : memref<!tpu.dma_semaphore, #tpu.memory_space<semaphore_mem>>) src(%dma_wait3A_62 : memref<128xi32, #tpu.memory_space<hbm>>) dst(%arg20 : memref<128xi32, #tpu.memory_space<vmem>>)
          tpu.yield
        }) : () -> ()
        %dma_start3A = arith.constant 0 : i32
        %dma_start3A_54 = arith.constant 0 : i32
        %dma_start3A_55 = tpu.memref_slice %arg4[%dma_start3A, %dma_start3A_54] : memref<10000x64xf32, #tpu.memory_space<hbm>> -> memref<10000x64xf32, #tpu.memory_space<hbm>>
        tpu.enqueue_indirect_dma source(%dma_start3A_55 : memref<10000x64xf32, #tpu.memory_space<hbm>>) target(%arg21 : memref<128x64xf32, #tpu.memory_space<vmem>>) offsets(%arg19 : memref<128xi32, #tpu.memory_space<vmem>>) semaphore(%arg27 : memref<!tpu.dma_semaphore, #tpu.memory_space<semaphore_mem>>)
        %dma_wait3A = arith.constant 0 : i32
        %dma_wait3A_56 = arith.constant 0 : i32
        %dma_wait3A_57 = tpu.memref_slice %arg4[%dma_wait3A, %dma_wait3A_56] : memref<10000x64xf32, #tpu.memory_space<hbm>> -> memref<10000x64xf32, #tpu.memory_space<hbm>>
        tpu.wait_indirect_dma semaphore(%arg27 : memref<!tpu.dma_semaphore, #tpu.memory_space<semaphore_mem>>) src(%dma_wait3A_57 : memref<10000x64xf32, #tpu.memory_space<hbm>>) dst(%arg21 : memref<128x64xf32, #tpu.memory_space<vmem>>)
        "tpu.region"() ({
          %run_scoped3A = tpu.sem_alloc : memref<!tpu.dma_semaphore, #tpu.memory_space<semaphore_mem>>
          %dma_start3A_59 = arith.constant 0 : i32
          %dma_start3A_60 = arith.constant 0 : i32
          %dma_start3A_61 = tpu.memref_slice %arg25[%dma_start3A_59, %dma_start3A_60] : memref<10112x64xf32, #tpu.memory_space<vmem_shared>> -> memref<10112x64xf32, #tpu.memory_space<vmem_shared>>
          tpu.enqueue_indirect_dma source(%arg21 : memref<128x64xf32, #tpu.memory_space<vmem>>) target(%dma_start3A_61 : memref<10112x64xf32, #tpu.memory_space<vmem_shared>>) offsets(%arg20 : memref<128xi32, #tpu.memory_space<vmem>>) semaphore(%run_scoped3A : memref<!tpu.dma_semaphore, #tpu.memory_space<semaphore_mem>>) {add = true}
          %dma_wait3A_62 = arith.constant 0 : i32
          %dma_wait3A_63 = arith.constant 0 : i32
          %dma_wait3A_64 = tpu.memref_slice %arg25[%dma_wait3A_62, %dma_wait3A_63] : memref<10112x64xf32, #tpu.memory_space<vmem_shared>> -> memref<10112x64xf32, #tpu.memory_space<vmem_shared>>
          tpu.wait_indirect_dma semaphore(%run_scoped3A : memref<!tpu.dma_semaphore, #tpu.memory_space<semaphore_mem>>) src(%arg21 : memref<128x64xf32, #tpu.memory_space<vmem>>) dst(%dma_wait3A_64 : memref<10112x64xf32, #tpu.memory_space<vmem_shared>>)
          tpu.yield
        }) : () -> ()
        "tpu.region"() ({
          %run_scoped3A = tpu.sem_alloc : memref<!tpu.dma_semaphore, #tpu.memory_space<semaphore_mem>>
          %dma_start3A_59 = arith.constant 0 : i32
          %dma_start3A_60 = arith.constant 0 : i32
          %dma_start3A_61 = tpu.memref_slice %arg26[%dma_start3A_59, %dma_start3A_60] : memref<10112x16xf32, #tpu.memory_space<vmem_shared>> -> memref<10112x16xf32, #tpu.memory_space<vmem_shared>>
          tpu.enqueue_indirect_dma source(%arg22 : memref<128x16xf32, #tpu.memory_space<vmem>>) target(%dma_start3A_61 : memref<10112x16xf32, #tpu.memory_space<vmem_shared>>) offsets(%arg20 : memref<128xi32, #tpu.memory_space<vmem>>) semaphore(%run_scoped3A : memref<!tpu.dma_semaphore, #tpu.memory_space<semaphore_mem>>) {add = true}
          %dma_wait3A_62 = arith.constant 0 : i32
          %dma_wait3A_63 = arith.constant 0 : i32
          %dma_wait3A_64 = tpu.memref_slice %arg26[%dma_wait3A_62, %dma_wait3A_63] : memref<10112x16xf32, #tpu.memory_space<vmem_shared>> -> memref<10112x16xf32, #tpu.memory_space<vmem_shared>>
          tpu.wait_indirect_dma semaphore(%run_scoped3A : memref<!tpu.dma_semaphore, #tpu.memory_space<semaphore_mem>>) src(%arg22 : memref<128x16xf32, #tpu.memory_space<vmem>>) dst(%dma_wait3A_64 : memref<10112x16xf32, #tpu.memory_space<vmem_shared>>)
          tpu.yield
        }) : () -> ()
        %scan3A_58 = arith.constant 0 : i32
        scf.yield %scan3A_58 : i32
      }
      %scan3A_47 = arith.constant 313 : i32
    } else {
    }
    %barrier3A_8 = arith.constant 0 : index
    tpu.barrier barrier_id(%barrier3A_8)
    "tpu.region"() ({
      %run_scoped3A = tpu.sem_alloc : memref<!tpu.dma_semaphore, #tpu.memory_space<semaphore_mem>>
      %dma_start3A = arith.constant 0 : i32
      %dma_start3A_42 = tpu.memref_slice %arg25[%mul3A_0, %dma_start3A] : memref<10112x64xf32, #tpu.memory_space<vmem_shared>> -> memref<632x64xf32, #tpu.memory_space<vmem_shared>>
      %dma_start3A_43 = arith.constant 0 : i32
      %dma_start3A_44 = tpu.memref_slice %arg25[%mul3A_0, %dma_start3A_43] : memref<10112x64xf32, #tpu.memory_space<vmem_shared>> -> memref<632x64xf32, #tpu.memory_space<vmem_shared>>
      tpu.enqueue_dma source(%dma_start3A_44 : memref<632x64xf32, #tpu.memory_space<vmem_shared>>) target(%arg23 : memref<632x64xf32, #tpu.memory_space<vmem>>) target_semaphore(%run_scoped3A : memref<!tpu.dma_semaphore, #tpu.memory_space<semaphore_mem>>)
      %dma_wait3A = arith.constant 0 : i32
      %dma_wait3A_45 = tpu.memref_slice %arg25[%mul3A_0, %dma_wait3A] : memref<10112x64xf32, #tpu.memory_space<vmem_shared>> -> memref<632x64xf32, #tpu.memory_space<vmem_shared>>
      %dma_wait3A_46 = arith.constant 0 : i32
      %dma_wait3A_47 = tpu.memref_slice %arg25[%mul3A_0, %dma_wait3A_46] : memref<10112x64xf32, #tpu.memory_space<vmem_shared>> -> memref<632x64xf32, #tpu.memory_space<vmem_shared>>
      tpu.wait_dma2 semaphore(%run_scoped3A : memref<!tpu.dma_semaphore, #tpu.memory_space<semaphore_mem>>) src(%dma_wait3A_47 : memref<632x64xf32, #tpu.memory_space<vmem_shared>>) dst(%arg23 : memref<632x64xf32, #tpu.memory_space<vmem>>)
      tpu.yield
    }) : () -> ()
    "tpu.region"() ({
      %run_scoped3A = tpu.sem_alloc : memref<!tpu.dma_semaphore, #tpu.memory_space<semaphore_mem>>
      %dma_start3A = arith.constant 0 : i32
      %dma_start3A_42 = tpu.memref_slice %arg26[%mul3A_0, %dma_start3A] : memref<10112x16xf32, #tpu.memory_space<vmem_shared>> -> memref<632x16xf32, #tpu.memory_space<vmem_shared>>
      %dma_start3A_43 = arith.constant 0 : i32
      %dma_start3A_44 = tpu.memref_slice %arg26[%mul3A_0, %dma_start3A_43] : memref<10112x16xf32, #tpu.memory_space<vmem_shared>> -> memref<632x16xf32, #tpu.memory_space<vmem_shared>>
      tpu.enqueue_dma source(%dma_start3A_44 : memref<632x16xf32, #tpu.memory_space<vmem_shared>>) target(%arg24 : memref<632x16xf32, #tpu.memory_space<vmem>>) target_semaphore(%run_scoped3A : memref<!tpu.dma_semaphore, #tpu.memory_space<semaphore_mem>>)
      %dma_wait3A = arith.constant 0 : i32
      %dma_wait3A_45 = tpu.memref_slice %arg26[%mul3A_0, %dma_wait3A] : memref<10112x16xf32, #tpu.memory_space<vmem_shared>> -> memref<632x16xf32, #tpu.memory_space<vmem_shared>>
      %dma_wait3A_46 = arith.constant 0 : i32
      %dma_wait3A_47 = tpu.memref_slice %arg26[%mul3A_0, %dma_wait3A_46] : memref<10112x16xf32, #tpu.memory_space<vmem_shared>> -> memref<632x16xf32, #tpu.memory_space<vmem_shared>>
      tpu.wait_dma2 semaphore(%run_scoped3A : memref<!tpu.dma_semaphore, #tpu.memory_space<semaphore_mem>>) src(%dma_wait3A_47 : memref<632x16xf32, #tpu.memory_space<vmem_shared>>) dst(%arg24 : memref<632x16xf32, #tpu.memory_space<vmem>>)
      tpu.yield
    }) : () -> ()
    %eq3A_9 = arith.constant 0 : i32
    %eq3A_10 = arith.cmpi eq, %arg0, %eq3A_9 : i32
    %convert_element_type3A_11 = arith.extui %eq3A_10 : i1 to i32
    %cond3A_12 = arith.constant 0 : i32
    %cond3A_13 = arith.cmpi ne, %convert_element_type3A_11, %cond3A_12 : i32
    scf.if %cond3A_13 {
      "tpu.region"() ({
        %run_scoped3A = tpu.sem_alloc : memref<!tpu.dma_semaphore, #tpu.memory_space<semaphore_mem>>
        %dma_start3A = arith.constant 0 : i32
        %dma_start3A_42 = tpu.memref_slice %arg13[%mul3A_0, %dma_start3A] : memref<10112x64xf32, #tpu.memory_space<hbm>> -> memref<632x64xf32, #tpu.memory_space<hbm>>
        %dma_start3A_43 = arith.constant 0 : i32
        %dma_start3A_44 = tpu.memref_slice %arg13[%mul3A_0, %dma_start3A_43] : memref<10112x64xf32, #tpu.memory_space<hbm>> -> memref<632x64xf32, #tpu.memory_space<hbm>>
        tpu.enqueue_dma source(%arg23 : memref<632x64xf32, #tpu.memory_space<vmem>>) target(%dma_start3A_44 : memref<632x64xf32, #tpu.memory_space<hbm>>) target_semaphore(%run_scoped3A : memref<!tpu.dma_semaphore, #tpu.memory_space<semaphore_mem>>)
        %dma_wait3A = arith.constant 0 : i32
        %dma_wait3A_45 = tpu.memref_slice %arg13[%mul3A_0, %dma_wait3A] : memref<10112x64xf32, #tpu.memory_space<hbm>> -> memref<632x64xf32, #tpu.memory_space<hbm>>
        %dma_wait3A_46 = arith.constant 0 : i32
        %dma_wait3A_47 = tpu.memref_slice %arg13[%mul3A_0, %dma_wait3A_46] : memref<10112x64xf32, #tpu.memory_space<hbm>> -> memref<632x64xf32, #tpu.memory_space<hbm>>
        tpu.wait_dma2 semaphore(%run_scoped3A : memref<!tpu.dma_semaphore, #tpu.memory_space<semaphore_mem>>) src(%arg23 : memref<632x64xf32, #tpu.memory_space<vmem>>) dst(%dma_wait3A_47 : memref<632x64xf32, #tpu.memory_space<hbm>>)
        tpu.yield
      }) : () -> ()
      "tpu.region"() ({
        %run_scoped3A = tpu.sem_alloc : memref<!tpu.dma_semaphore, #tpu.memory_space<semaphore_mem>>
        %dma_start3A = arith.constant 0 : i32
        %dma_start3A_42 = tpu.memref_slice %arg17[%mul3A_0, %dma_start3A] : memref<10112x16xf32, #tpu.memory_space<hbm>> -> memref<632x16xf32, #tpu.memory_space<hbm>>
        %dma_start3A_43 = arith.constant 0 : i32
        %dma_start3A_44 = tpu.memref_slice %arg17[%mul3A_0, %dma_start3A_43] : memref<10112x16xf32, #tpu.memory_space<hbm>> -> memref<632x16xf32, #tpu.memory_space<hbm>>
        tpu.enqueue_dma source(%arg24 : memref<632x16xf32, #tpu.memory_space<vmem>>) target(%dma_start3A_44 : memref<632x16xf32, #tpu.memory_space<hbm>>) target_semaphore(%run_scoped3A : memref<!tpu.dma_semaphore, #tpu.memory_space<semaphore_mem>>)
        %dma_wait3A = arith.constant 0 : i32
        %dma_wait3A_45 = tpu.memref_slice %arg17[%mul3A_0, %dma_wait3A] : memref<10112x16xf32, #tpu.memory_space<hbm>> -> memref<632x16xf32, #tpu.memory_space<hbm>>
        %dma_wait3A_46 = arith.constant 0 : i32
        %dma_wait3A_47 = tpu.memref_slice %arg17[%mul3A_0, %dma_wait3A_46] : memref<10112x16xf32, #tpu.memory_space<hbm>> -> memref<632x16xf32, #tpu.memory_space<hbm>>
        tpu.wait_dma2 semaphore(%run_scoped3A : memref<!tpu.dma_semaphore, #tpu.memory_space<semaphore_mem>>) src(%arg24 : memref<632x16xf32, #tpu.memory_space<vmem>>) dst(%dma_wait3A_47 : memref<632x16xf32, #tpu.memory_space<hbm>>)
        tpu.yield
      }) : () -> ()
    } else {
    }
    %eq3A_14 = arith.constant 1 : i32
    %eq3A_15 = arith.cmpi eq, %arg0, %eq3A_14 : i32
    %convert_element_type3A_16 = arith.extui %eq3A_15 : i1 to i32
    %cond3A_17 = arith.constant 0 : i32
    %cond3A_18 = arith.cmpi ne, %convert_element_type3A_16, %cond3A_17 : i32
    scf.if %cond3A_18 {
      "tpu.region"() ({
        %run_scoped3A = tpu.sem_alloc : memref<!tpu.dma_semaphore, #tpu.memory_space<semaphore_mem>>
        %dma_start3A = arith.constant 0 : i32
        %dma_start3A_42 = tpu.memref_slice %arg15[%mul3A_0, %dma_start3A] : memref<10112x64xf32, #tpu.memory_space<hbm>> -> memref<632x64xf32, #tpu.memory_space<hbm>>
        %dma_start3A_43 = arith.constant 0 : i32
        %dma_start3A_44 = tpu.memref_slice %arg15[%mul3A_0, %dma_start3A_43] : memref<10112x64xf32, #tpu.memory_space<hbm>> -> memref<632x64xf32, #tpu.memory_space<hbm>>
        tpu.enqueue_dma source(%arg23 : memref<632x64xf32, #tpu.memory_space<vmem>>) target(%dma_start3A_44 : memref<632x64xf32, #tpu.memory_space<hbm>>) target_semaphore(%run_scoped3A : memref<!tpu.dma_semaphore, #tpu.memory_space<semaphore_mem>>)
        %dma_wait3A = arith.constant 0 : i32
        %dma_wait3A_45 = tpu.memref_slice %arg15[%mul3A_0, %dma_wait3A] : memref<10112x64xf32, #tpu.memory_space<hbm>> -> memref<632x64xf32, #tpu.memory_space<hbm>>
        %dma_wait3A_46 = arith.constant 0 : i32
        %dma_wait3A_47 = tpu.memref_slice %arg15[%mul3A_0, %dma_wait3A_46] : memref<10112x64xf32, #tpu.memory_space<hbm>> -> memref<632x64xf32, #tpu.memory_space<hbm>>
        tpu.wait_dma2 semaphore(%run_scoped3A : memref<!tpu.dma_semaphore, #tpu.memory_space<semaphore_mem>>) src(%arg23 : memref<632x64xf32, #tpu.memory_space<vmem>>) dst(%dma_wait3A_47 : memref<632x64xf32, #tpu.memory_space<hbm>>)
        tpu.yield
      }) : () -> ()
      "tpu.region"() ({
        %run_scoped3A = tpu.sem_alloc : memref<!tpu.dma_semaphore, #tpu.memory_space<semaphore_mem>>
        %dma_start3A = arith.constant 0 : i32
        %dma_start3A_42 = tpu.memref_slice %arg18[%mul3A_0, %dma_start3A] : memref<10112x16xf32, #tpu.memory_space<hbm>> -> memref<632x16xf32, #tpu.memory_space<hbm>>
        %dma_start3A_43 = arith.constant 0 : i32
        %dma_start3A_44 = tpu.memref_slice %arg18[%mul3A_0, %dma_start3A_43] : memref<10112x16xf32, #tpu.memory_space<hbm>> -> memref<632x16xf32, #tpu.memory_space<hbm>>
        tpu.enqueue_dma source(%arg24 : memref<632x16xf32, #tpu.memory_space<vmem>>) target(%dma_start3A_44 : memref<632x16xf32, #tpu.memory_space<hbm>>) target_semaphore(%run_scoped3A : memref<!tpu.dma_semaphore, #tpu.memory_space<semaphore_mem>>)
        %dma_wait3A = arith.constant 0 : i32
        %dma_wait3A_45 = tpu.memref_slice %arg18[%mul3A_0, %dma_wait3A] : memref<10112x16xf32, #tpu.memory_space<hbm>> -> memref<632x16xf32, #tpu.memory_space<hbm>>
        %dma_wait3A_46 = arith.constant 0 : i32
        %dma_wait3A_47 = tpu.memref_slice %arg18[%mul3A_0, %dma_wait3A_46] : memref<10112x16xf32, #tpu.memory_space<hbm>> -> memref<632x16xf32, #tpu.memory_space<hbm>>
        tpu.wait_dma2 semaphore(%run_scoped3A : memref<!tpu.dma_semaphore, #tpu.memory_space<semaphore_mem>>) src(%arg24 : memref<632x16xf32, #tpu.memory_space<vmem>>) dst(%dma_wait3A_47 : memref<632x16xf32, #tpu.memory_space<hbm>>)
        tpu.yield
      }) : () -> ()
    } else {
    }
    %barrier3A_19 = arith.constant 0 : index
    tpu.barrier barrier_id(%barrier3A_19)
    "tpu.region"() ({
      %run_scoped3A = tpu.sem_alloc : memref<!tpu.dma_semaphore, #tpu.memory_space<semaphore_mem>>
      %dma_start3A = arith.constant 0 : i32
      %dma_start3A_42 = tpu.memref_slice %arg10[%mul3A_0, %dma_start3A] : memref<10112x64xf32, #tpu.memory_space<hbm>> -> memref<632x64xf32, #tpu.memory_space<hbm>>
      %dma_start3A_43 = arith.constant 0 : i32
      %dma_start3A_44 = tpu.memref_slice %arg10[%mul3A_0, %dma_start3A_43] : memref<10112x64xf32, #tpu.memory_space<hbm>> -> memref<632x64xf32, #tpu.memory_space<hbm>>
      tpu.enqueue_dma source(%dma_start3A_44 : memref<632x64xf32, #tpu.memory_space<hbm>>) target(%arg23 : memref<632x64xf32, #tpu.memory_space<vmem>>) target_semaphore(%run_scoped3A : memref<!tpu.dma_semaphore, #tpu.memory_space<semaphore_mem>>)
      %dma_wait3A = arith.constant 0 : i32
      %dma_wait3A_45 = tpu.memref_slice %arg10[%mul3A_0, %dma_wait3A] : memref<10112x64xf32, #tpu.memory_space<hbm>> -> memref<632x64xf32, #tpu.memory_space<hbm>>
      %dma_wait3A_46 = arith.constant 0 : i32
      %dma_wait3A_47 = tpu.memref_slice %arg10[%mul3A_0, %dma_wait3A_46] : memref<10112x64xf32, #tpu.memory_space<hbm>> -> memref<632x64xf32, #tpu.memory_space<hbm>>
      tpu.wait_dma2 semaphore(%run_scoped3A : memref<!tpu.dma_semaphore, #tpu.memory_space<semaphore_mem>>) src(%dma_wait3A_47 : memref<632x64xf32, #tpu.memory_space<hbm>>) dst(%arg23 : memref<632x64xf32, #tpu.memory_space<vmem>>)
      tpu.yield
    }) : () -> ()
    "tpu.region"() ({
      %run_scoped3A = tpu.sem_alloc : memref<!tpu.dma_semaphore, #tpu.memory_space<semaphore_mem>>
      %dma_start3A = arith.constant 0 : i32
      %dma_start3A_42 = tpu.memref_slice %arg25[%mul3A_0, %dma_start3A] : memref<10112x64xf32, #tpu.memory_space<vmem_shared>> -> memref<632x64xf32, #tpu.memory_space<vmem_shared>>
      %dma_start3A_43 = arith.constant 0 : i32
      %dma_start3A_44 = tpu.memref_slice %arg25[%mul3A_0, %dma_start3A_43] : memref<10112x64xf32, #tpu.memory_space<vmem_shared>> -> memref<632x64xf32, #tpu.memory_space<vmem_shared>>
      tpu.enqueue_dma source(%arg23 : memref<632x64xf32, #tpu.memory_space<vmem>>) target(%dma_start3A_44 : memref<632x64xf32, #tpu.memory_space<vmem_shared>>) target_semaphore(%run_scoped3A : memref<!tpu.dma_semaphore, #tpu.memory_space<semaphore_mem>>)
      %dma_wait3A = arith.constant 0 : i32
      %dma_wait3A_45 = tpu.memref_slice %arg25[%mul3A_0, %dma_wait3A] : memref<10112x64xf32, #tpu.memory_space<vmem_shared>> -> memref<632x64xf32, #tpu.memory_space<vmem_shared>>
      %dma_wait3A_46 = arith.constant 0 : i32
      %dma_wait3A_47 = tpu.memref_slice %arg25[%mul3A_0, %dma_wait3A_46] : memref<10112x64xf32, #tpu.memory_space<vmem_shared>> -> memref<632x64xf32, #tpu.memory_space<vmem_shared>>
      tpu.wait_dma2 semaphore(%run_scoped3A : memref<!tpu.dma_semaphore, #tpu.memory_space<semaphore_mem>>) src(%arg23 : memref<632x64xf32, #tpu.memory_space<vmem>>) dst(%dma_wait3A_47 : memref<632x64xf32, #tpu.memory_space<vmem_shared>>)
      tpu.yield
    }) : () -> ()
    %barrier3A_20 = arith.constant 0 : index
    tpu.barrier barrier_id(%barrier3A_20)
    %eq3A_21 = arith.constant 0 : i32
    %eq3A_22 = arith.cmpi eq, %arg0, %eq3A_21 : i32
    %convert_element_type3A_23 = arith.extui %eq3A_22 : i1 to i32
    %cond3A_24 = arith.constant 0 : i32
    %cond3A_25 = arith.cmpi ne, %convert_element_type3A_23, %cond3A_24 : i32
    scf.if %cond3A_25 {
      %scan3A = arith.constant 0 : i32
      %scan3A_42 = arith.constant 0 : i32
      %scan3A_43 = arith.constant 313 : i32
      %scan3A_44 = arith.addi %scan3A_42, %scan3A_43 : i32
      %scan3A_45 = arith.constant 1 : i32
      %scan3A_46 = scf.for %scan3A_48 = %scan3A_42 to %scan3A_44 step %scan3A_45 iter_args(%scan3A_49 = %scan3A) -> (i32)  : i32 {
        %mul3A_50 = arith.constant 40064 : i32
        %mul3A_51 = arith.muli %arg1, %mul3A_50 : i32
        %mul3A_52 = arith.constant 128 : i32
        %mul3A_53 = arith.muli %scan3A_48, %mul3A_52 : i32
        %add3A = arith.addi %mul3A_51, %mul3A_53 : i32
        "tpu.region"() ({
          %run_scoped3A = tpu.sem_alloc : memref<!tpu.dma_semaphore, #tpu.memory_space<semaphore_mem>>
          %dma_start3A_59 = tpu.memref_slice %arg6[%add3A] : memref<641024xi32, #tpu.memory_space<hbm>> -> memref<128xi32, #tpu.memory_space<hbm>>
          %dma_start3A_60 = tpu.memref_slice %arg6[%add3A] : memref<641024xi32, #tpu.memory_space<hbm>> -> memref<128xi32, #tpu.memory_space<hbm>>
          tpu.enqueue_dma source(%dma_start3A_60 : memref<128xi32, #tpu.memory_space<hbm>>) target(%arg19 : memref<128xi32, #tpu.memory_space<vmem>>) target_semaphore(%run_scoped3A : memref<!tpu.dma_semaphore, #tpu.memory_space<semaphore_mem>>)
          %dma_wait3A_61 = tpu.memref_slice %arg6[%add3A] : memref<641024xi32, #tpu.memory_space<hbm>> -> memref<128xi32, #tpu.memory_space<hbm>>
          %dma_wait3A_62 = tpu.memref_slice %arg6[%add3A] : memref<641024xi32, #tpu.memory_space<hbm>> -> memref<128xi32, #tpu.memory_space<hbm>>
          tpu.wait_dma2 semaphore(%run_scoped3A : memref<!tpu.dma_semaphore, #tpu.memory_space<semaphore_mem>>) src(%dma_wait3A_62 : memref<128xi32, #tpu.memory_space<hbm>>) dst(%arg19 : memref<128xi32, #tpu.memory_space<vmem>>)
          tpu.yield
        }) : () -> ()
        "tpu.region"() ({
          %run_scoped3A = tpu.sem_alloc : memref<!tpu.dma_semaphore, #tpu.memory_space<semaphore_mem>>
          %dma_start3A_59 = tpu.memref_slice %arg7[%add3A] : memref<641024xi32, #tpu.memory_space<hbm>> -> memref<128xi32, #tpu.memory_space<hbm>>
          %dma_start3A_60 = tpu.memref_slice %arg7[%add3A] : memref<641024xi32, #tpu.memory_space<hbm>> -> memref<128xi32, #tpu.memory_space<hbm>>
          tpu.enqueue_dma source(%dma_start3A_60 : memref<128xi32, #tpu.memory_space<hbm>>) target(%arg20 : memref<128xi32, #tpu.memory_space<vmem>>) target_semaphore(%run_scoped3A : memref<!tpu.dma_semaphore, #tpu.memory_space<semaphore_mem>>)
          %dma_wait3A_61 = tpu.memref_slice %arg7[%add3A] : memref<641024xi32, #tpu.memory_space<hbm>> -> memref<128xi32, #tpu.memory_space<hbm>>
          %dma_wait3A_62 = tpu.memref_slice %arg7[%add3A] : memref<641024xi32, #tpu.memory_space<hbm>> -> memref<128xi32, #tpu.memory_space<hbm>>
          tpu.wait_dma2 semaphore(%run_scoped3A : memref<!tpu.dma_semaphore, #tpu.memory_space<semaphore_mem>>) src(%dma_wait3A_62 : memref<128xi32, #tpu.memory_space<hbm>>) dst(%arg20 : memref<128xi32, #tpu.memory_space<vmem>>)
          tpu.yield
        }) : () -> ()
        %dma_start3A = arith.constant 0 : i32
        %dma_start3A_54 = arith.constant 0 : i32
        %dma_start3A_55 = tpu.memref_slice %arg3[%dma_start3A, %dma_start3A_54] : memref<10000x64xf32, #tpu.memory_space<hbm>> -> memref<10000x64xf32, #tpu.memory_space<hbm>>
        tpu.enqueue_indirect_dma source(%dma_start3A_55 : memref<10000x64xf32, #tpu.memory_space<hbm>>) target(%arg21 : memref<128x64xf32, #tpu.memory_space<vmem>>) offsets(%arg19 : memref<128xi32, #tpu.memory_space<vmem>>) semaphore(%arg27 : memref<!tpu.dma_semaphore, #tpu.memory_space<semaphore_mem>>)
        %dma_wait3A = arith.constant 0 : i32
        %dma_wait3A_56 = arith.constant 0 : i32
        %dma_wait3A_57 = tpu.memref_slice %arg3[%dma_wait3A, %dma_wait3A_56] : memref<10000x64xf32, #tpu.memory_space<hbm>> -> memref<10000x64xf32, #tpu.memory_space<hbm>>
        tpu.wait_indirect_dma semaphore(%arg27 : memref<!tpu.dma_semaphore, #tpu.memory_space<semaphore_mem>>) src(%dma_wait3A_57 : memref<10000x64xf32, #tpu.memory_space<hbm>>) dst(%arg21 : memref<128x64xf32, #tpu.memory_space<vmem>>)
        "tpu.region"() ({
          %run_scoped3A = tpu.sem_alloc : memref<!tpu.dma_semaphore, #tpu.memory_space<semaphore_mem>>
          %dma_start3A_59 = arith.constant 0 : i32
          %dma_start3A_60 = arith.constant 0 : i32
          %dma_start3A_61 = tpu.memref_slice %arg25[%dma_start3A_59, %dma_start3A_60] : memref<10112x64xf32, #tpu.memory_space<vmem_shared>> -> memref<10112x64xf32, #tpu.memory_space<vmem_shared>>
          tpu.enqueue_indirect_dma source(%arg21 : memref<128x64xf32, #tpu.memory_space<vmem>>) target(%dma_start3A_61 : memref<10112x64xf32, #tpu.memory_space<vmem_shared>>) offsets(%arg20 : memref<128xi32, #tpu.memory_space<vmem>>) semaphore(%run_scoped3A : memref<!tpu.dma_semaphore, #tpu.memory_space<semaphore_mem>>) {add = true}
          %dma_wait3A_62 = arith.constant 0 : i32
          %dma_wait3A_63 = arith.constant 0 : i32
          %dma_wait3A_64 = tpu.memref_slice %arg25[%dma_wait3A_62, %dma_wait3A_63] : memref<10112x64xf32, #tpu.memory_space<vmem_shared>> -> memref<10112x64xf32, #tpu.memory_space<vmem_shared>>
          tpu.wait_indirect_dma semaphore(%run_scoped3A : memref<!tpu.dma_semaphore, #tpu.memory_space<semaphore_mem>>) src(%arg21 : memref<128x64xf32, #tpu.memory_space<vmem>>) dst(%dma_wait3A_64 : memref<10112x64xf32, #tpu.memory_space<vmem_shared>>)
          tpu.yield
        }) : () -> ()
        %scan3A_58 = arith.constant 0 : i32
        scf.yield %scan3A_58 : i32
      }
      %scan3A_47 = arith.constant 313 : i32
    } else {
    }
    %eq3A_26 = arith.constant 1 : i32
    %eq3A_27 = arith.cmpi eq, %arg0, %eq3A_26 : i32
    %convert_element_type3A_28 = arith.extui %eq3A_27 : i1 to i32
    %cond3A_29 = arith.constant 0 : i32
    %cond3A_30 = arith.cmpi ne, %convert_element_type3A_28, %cond3A_29 : i32
    scf.if %cond3A_30 {
      %scan3A = arith.constant 0 : i32
      %scan3A_42 = arith.constant 0 : i32
      %scan3A_43 = arith.constant 313 : i32
      %scan3A_44 = arith.addi %scan3A_42, %scan3A_43 : i32
      %scan3A_45 = arith.constant 1 : i32
      %scan3A_46 = scf.for %scan3A_48 = %scan3A_42 to %scan3A_44 step %scan3A_45 iter_args(%scan3A_49 = %scan3A) -> (i32)  : i32 {
        %mul3A_50 = arith.constant 40064 : i32
        %mul3A_51 = arith.muli %arg1, %mul3A_50 : i32
        %mul3A_52 = arith.constant 128 : i32
        %mul3A_53 = arith.muli %scan3A_48, %mul3A_52 : i32
        %add3A = arith.addi %mul3A_51, %mul3A_53 : i32
        "tpu.region"() ({
          %run_scoped3A = tpu.sem_alloc : memref<!tpu.dma_semaphore, #tpu.memory_space<semaphore_mem>>
          %dma_start3A_59 = tpu.memref_slice %arg8[%add3A] : memref<641024xi32, #tpu.memory_space<hbm>> -> memref<128xi32, #tpu.memory_space<hbm>>
          %dma_start3A_60 = tpu.memref_slice %arg8[%add3A] : memref<641024xi32, #tpu.memory_space<hbm>> -> memref<128xi32, #tpu.memory_space<hbm>>
          tpu.enqueue_dma source(%dma_start3A_60 : memref<128xi32, #tpu.memory_space<hbm>>) target(%arg19 : memref<128xi32, #tpu.memory_space<vmem>>) target_semaphore(%run_scoped3A : memref<!tpu.dma_semaphore, #tpu.memory_space<semaphore_mem>>)
          %dma_wait3A_61 = tpu.memref_slice %arg8[%add3A] : memref<641024xi32, #tpu.memory_space<hbm>> -> memref<128xi32, #tpu.memory_space<hbm>>
          %dma_wait3A_62 = tpu.memref_slice %arg8[%add3A] : memref<641024xi32, #tpu.memory_space<hbm>> -> memref<128xi32, #tpu.memory_space<hbm>>
          tpu.wait_dma2 semaphore(%run_scoped3A : memref<!tpu.dma_semaphore, #tpu.memory_space<semaphore_mem>>) src(%dma_wait3A_62 : memref<128xi32, #tpu.memory_space<hbm>>) dst(%arg19 : memref<128xi32, #tpu.memory_space<vmem>>)
          tpu.yield
        }) : () -> ()
        "tpu.region"() ({
          %run_scoped3A = tpu.sem_alloc : memref<!tpu.dma_semaphore, #tpu.memory_space<semaphore_mem>>
          %dma_start3A_59 = tpu.memref_slice %arg9[%add3A] : memref<641024xi32, #tpu.memory_space<hbm>> -> memref<128xi32, #tpu.memory_space<hbm>>
          %dma_start3A_60 = tpu.memref_slice %arg9[%add3A] : memref<641024xi32, #tpu.memory_space<hbm>> -> memref<128xi32, #tpu.memory_space<hbm>>
          tpu.enqueue_dma source(%dma_start3A_60 : memref<128xi32, #tpu.memory_space<hbm>>) target(%arg20 : memref<128xi32, #tpu.memory_space<vmem>>) target_semaphore(%run_scoped3A : memref<!tpu.dma_semaphore, #tpu.memory_space<semaphore_mem>>)
          %dma_wait3A_61 = tpu.memref_slice %arg9[%add3A] : memref<641024xi32, #tpu.memory_space<hbm>> -> memref<128xi32, #tpu.memory_space<hbm>>
          %dma_wait3A_62 = tpu.memref_slice %arg9[%add3A] : memref<641024xi32, #tpu.memory_space<hbm>> -> memref<128xi32, #tpu.memory_space<hbm>>
          tpu.wait_dma2 semaphore(%run_scoped3A : memref<!tpu.dma_semaphore, #tpu.memory_space<semaphore_mem>>) src(%dma_wait3A_62 : memref<128xi32, #tpu.memory_space<hbm>>) dst(%arg20 : memref<128xi32, #tpu.memory_space<vmem>>)
          tpu.yield
        }) : () -> ()
        %dma_start3A = arith.constant 0 : i32
        %dma_start3A_54 = arith.constant 0 : i32
        %dma_start3A_55 = tpu.memref_slice %arg5[%dma_start3A, %dma_start3A_54] : memref<10000x64xf32, #tpu.memory_space<hbm>> -> memref<10000x64xf32, #tpu.memory_space<hbm>>
        tpu.enqueue_indirect_dma source(%dma_start3A_55 : memref<10000x64xf32, #tpu.memory_space<hbm>>) target(%arg21 : memref<128x64xf32, #tpu.memory_space<vmem>>) offsets(%arg19 : memref<128xi32, #tpu.memory_space<vmem>>) semaphore(%arg27 : memref<!tpu.dma_semaphore, #tpu.memory_space<semaphore_mem>>)
        %dma_wait3A = arith.constant 0 : i32
        %dma_wait3A_56 = arith.constant 0 : i32
        %dma_wait3A_57 = tpu.memref_slice %arg5[%dma_wait3A, %dma_wait3A_56] : memref<10000x64xf32, #tpu.memory_space<hbm>> -> memref<10000x64xf32, #tpu.memory_space<hbm>>
        tpu.wait_indirect_dma semaphore(%arg27 : memref<!tpu.dma_semaphore, #tpu.memory_space<semaphore_mem>>) src(%dma_wait3A_57 : memref<10000x64xf32, #tpu.memory_space<hbm>>) dst(%arg21 : memref<128x64xf32, #tpu.memory_space<vmem>>)
        "tpu.region"() ({
          %run_scoped3A = tpu.sem_alloc : memref<!tpu.dma_semaphore, #tpu.memory_space<semaphore_mem>>
          %dma_start3A_59 = arith.constant 0 : i32
          %dma_start3A_60 = arith.constant 0 : i32
          %dma_start3A_61 = tpu.memref_slice %arg25[%dma_start3A_59, %dma_start3A_60] : memref<10112x64xf32, #tpu.memory_space<vmem_shared>> -> memref<10112x64xf32, #tpu.memory_space<vmem_shared>>
          tpu.enqueue_indirect_dma source(%arg21 : memref<128x64xf32, #tpu.memory_space<vmem>>) target(%dma_start3A_61 : memref<10112x64xf32, #tpu.memory_space<vmem_shared>>) offsets(%arg20 : memref<128xi32, #tpu.memory_space<vmem>>) semaphore(%run_scoped3A : memref<!tpu.dma_semaphore, #tpu.memory_space<semaphore_mem>>) {add = true}
          %dma_wait3A_62 = arith.constant 0 : i32
          %dma_wait3A_63 = arith.constant 0 : i32
          %dma_wait3A_64 = tpu.memref_slice %arg25[%dma_wait3A_62, %dma_wait3A_63] : memref<10112x64xf32, #tpu.memory_space<vmem_shared>> -> memref<10112x64xf32, #tpu.memory_space<vmem_shared>>
          tpu.wait_indirect_dma semaphore(%run_scoped3A : memref<!tpu.dma_semaphore, #tpu.memory_space<semaphore_mem>>) src(%arg21 : memref<128x64xf32, #tpu.memory_space<vmem>>) dst(%dma_wait3A_64 : memref<10112x64xf32, #tpu.memory_space<vmem_shared>>)
          tpu.yield
        }) : () -> ()
        %scan3A_58 = arith.constant 0 : i32
        scf.yield %scan3A_58 : i32
      }
      %scan3A_47 = arith.constant 313 : i32
    } else {
    }
    %barrier3A_31 = arith.constant 0 : index
    tpu.barrier barrier_id(%barrier3A_31)
    "tpu.region"() ({
      %run_scoped3A = tpu.sem_alloc : memref<!tpu.dma_semaphore, #tpu.memory_space<semaphore_mem>>
      %dma_start3A = arith.constant 0 : i32
      %dma_start3A_42 = tpu.memref_slice %arg25[%mul3A_0, %dma_start3A] : memref<10112x64xf32, #tpu.memory_space<vmem_shared>> -> memref<632x64xf32, #tpu.memory_space<vmem_shared>>
      %dma_start3A_43 = arith.constant 0 : i32
      %dma_start3A_44 = tpu.memref_slice %arg25[%mul3A_0, %dma_start3A_43] : memref<10112x64xf32, #tpu.memory_space<vmem_shared>> -> memref<632x64xf32, #tpu.memory_space<vmem_shared>>
      tpu.enqueue_dma source(%dma_start3A_44 : memref<632x64xf32, #tpu.memory_space<vmem_shared>>) target(%arg23 : memref<632x64xf32, #tpu.memory_space<vmem>>) target_semaphore(%run_scoped3A : memref<!tpu.dma_semaphore, #tpu.memory_space<semaphore_mem>>)
      %dma_wait3A = arith.constant 0 : i32
      %dma_wait3A_45 = tpu.memref_slice %arg25[%mul3A_0, %dma_wait3A] : memref<10112x64xf32, #tpu.memory_space<vmem_shared>> -> memref<632x64xf32, #tpu.memory_space<vmem_shared>>
      %dma_wait3A_46 = arith.constant 0 : i32
      %dma_wait3A_47 = tpu.memref_slice %arg25[%mul3A_0, %dma_wait3A_46] : memref<10112x64xf32, #tpu.memory_space<vmem_shared>> -> memref<632x64xf32, #tpu.memory_space<vmem_shared>>
      tpu.wait_dma2 semaphore(%run_scoped3A : memref<!tpu.dma_semaphore, #tpu.memory_space<semaphore_mem>>) src(%dma_wait3A_47 : memref<632x64xf32, #tpu.memory_space<vmem_shared>>) dst(%arg23 : memref<632x64xf32, #tpu.memory_space<vmem>>)
      tpu.yield
    }) : () -> ()
    %eq3A_32 = arith.constant 0 : i32
    %eq3A_33 = arith.cmpi eq, %arg0, %eq3A_32 : i32
    %convert_element_type3A_34 = arith.extui %eq3A_33 : i1 to i32
    %cond3A_35 = arith.constant 0 : i32
    %cond3A_36 = arith.cmpi ne, %convert_element_type3A_34, %cond3A_35 : i32
    scf.if %cond3A_36 {
      "tpu.region"() ({
        %run_scoped3A = tpu.sem_alloc : memref<!tpu.dma_semaphore, #tpu.memory_space<semaphore_mem>>
        %dma_start3A = arith.constant 0 : i32
        %dma_start3A_42 = tpu.memref_slice %arg14[%mul3A_0, %dma_start3A] : memref<10112x64xf32, #tpu.memory_space<hbm>> -> memref<632x64xf32, #tpu.memory_space<hbm>>
        %dma_start3A_43 = arith.constant 0 : i32
        %dma_start3A_44 = tpu.memref_slice %arg14[%mul3A_0, %dma_start3A_43] : memref<10112x64xf32, #tpu.memory_space<hbm>> -> memref<632x64xf32, #tpu.memory_space<hbm>>
        tpu.enqueue_dma source(%arg23 : memref<632x64xf32, #tpu.memory_space<vmem>>) target(%dma_start3A_44 : memref<632x64xf32, #tpu.memory_space<hbm>>) target_semaphore(%run_scoped3A : memref<!tpu.dma_semaphore, #tpu.memory_space<semaphore_mem>>)
        %dma_wait3A = arith.constant 0 : i32
        %dma_wait3A_45 = tpu.memref_slice %arg14[%mul3A_0, %dma_wait3A] : memref<10112x64xf32, #tpu.memory_space<hbm>> -> memref<632x64xf32, #tpu.memory_space<hbm>>
        %dma_wait3A_46 = arith.constant 0 : i32
        %dma_wait3A_47 = tpu.memref_slice %arg14[%mul3A_0, %dma_wait3A_46] : memref<10112x64xf32, #tpu.memory_space<hbm>> -> memref<632x64xf32, #tpu.memory_space<hbm>>
        tpu.wait_dma2 semaphore(%run_scoped3A : memref<!tpu.dma_semaphore, #tpu.memory_space<semaphore_mem>>) src(%arg23 : memref<632x64xf32, #tpu.memory_space<vmem>>) dst(%dma_wait3A_47 : memref<632x64xf32, #tpu.memory_space<hbm>>)
        tpu.yield
      }) : () -> ()
    } else {
    }
    %eq3A_37 = arith.constant 1 : i32
    %eq3A_38 = arith.cmpi eq, %arg0, %eq3A_37 : i32
    %convert_element_type3A_39 = arith.extui %eq3A_38 : i1 to i32
    %cond3A_40 = arith.constant 0 : i32
    %cond3A_41 = arith.cmpi ne, %convert_element_type3A_39, %cond3A_40 : i32
    scf.if %cond3A_41 {
      "tpu.region"() ({
        %run_scoped3A = tpu.sem_alloc : memref<!tpu.dma_semaphore, #tpu.memory_space<semaphore_mem>>
        %dma_start3A = arith.constant 0 : i32
        %dma_start3A_42 = tpu.memref_slice %arg16[%mul3A_0, %dma_start3A] : memref<10112x64xf32, #tpu.memory_space<hbm>> -> memref<632x64xf32, #tpu.memory_space<hbm>>
        %dma_start3A_43 = arith.constant 0 : i32
        %dma_start3A_44 = tpu.memref_slice %arg16[%mul3A_0, %dma_start3A_43] : memref<10112x64xf32, #tpu.memory_space<hbm>> -> memref<632x64xf32, #tpu.memory_space<hbm>>
        tpu.enqueue_dma source(%arg23 : memref<632x64xf32, #tpu.memory_space<vmem>>) target(%dma_start3A_44 : memref<632x64xf32, #tpu.memory_space<hbm>>) target_semaphore(%run_scoped3A : memref<!tpu.dma_semaphore, #tpu.memory_space<semaphore_mem>>)
        %dma_wait3A = arith.constant 0 : i32
        %dma_wait3A_45 = tpu.memref_slice %arg16[%mul3A_0, %dma_wait3A] : memref<10112x64xf32, #tpu.memory_space<hbm>> -> memref<632x64xf32, #tpu.memory_space<hbm>>
        %dma_wait3A_46 = arith.constant 0 : i32
        %dma_wait3A_47 = tpu.memref_slice %arg16[%mul3A_0, %dma_wait3A_46] : memref<10112x64xf32, #tpu.memory_space<hbm>> -> memref<632x64xf32, #tpu.memory_space<hbm>>
        tpu.wait_dma2 semaphore(%run_scoped3A : memref<!tpu.dma_semaphore, #tpu.memory_space<semaphore_mem>>) src(%arg23 : memref<632x64xf32, #tpu.memory_space<vmem>>) dst(%dma_wait3A_47 : memref<632x64xf32, #tpu.memory_space<hbm>>)
        tpu.yield
      }) : () -> ()
    } else {
    }
    return
  }
}

#map = affine_map<(d0, d1) -> (0, 0)>
#map1 = affine_map<(d0, d1) -> (0)>
module attributes {stable_mosaic.version = 14 : i64} {
  func.func @body(%arg0: i32, %arg1: i32, %arg2: memref<10112x128xf32, #tpu.memory_space<hbm>>, %arg3: memref<10112x128xf32, #tpu.memory_space<hbm>>, %arg4: memref<102400xi32, #tpu.memory_space<hbm>>, %arg5: memref<102400xi32, #tpu.memory_space<hbm>>, %arg6: memref<102400x128xf32, #tpu.memory_space<hbm>>, %arg7: memref<102400x128xf32, #tpu.memory_space<hbm>>, %arg8: memref<128xi32, #tpu.memory_space<vmem>>, %arg9: memref<128x128xf32, #tpu.memory_space<vmem>>, %arg10: memref<!tpu.dma_semaphore, #tpu.memory_space<semaphore_mem>>) attributes {dimension_semantics = [#tpu.dimension_semantics<core_parallel>, #tpu.dimension_semantics<subcore_parallel>], iteration_bounds = array<i64: 2, 16>, scalar_prefetch = 0 : i64, scratch_operands = 3 : i64, tpu.core_type = #tpu.core_type<sc_vector_subcore>, window_params = [{transform_indices = #map}, {transform_indices = #map}, {transform_indices = #map1}, {transform_indices = #map1}, {transform_indices = #map}, {transform_indices = #map}]} {
    %mul3A = arith.constant 2 : i32
    %mul3A_0 = arith.muli %arg1, %mul3A : i32
    %add3A = arith.addi %mul3A_0, %arg0 : i32
    %scan3A = arith.constant 0 : i32
    %scan3A_1 = arith.constant 0 : i32
    %scan3A_2 = arith.constant 25 : i32
    %scan3A_3 = arith.addi %scan3A_1, %scan3A_2 : i32
    %scan3A_4 = arith.constant 1 : i32
    %scan3A_5 = scf.for %scan3A_7 = %scan3A_1 to %scan3A_3 step %scan3A_4 iter_args(%scan3A_8 = %scan3A) -> (i32)  : i32 {
      %mul3A_9 = arith.constant 3200 : i32
      %mul3A_10 = arith.muli %add3A, %mul3A_9 : i32
      %mul3A_11 = arith.constant 128 : i32
      %mul3A_12 = arith.muli %scan3A_7, %mul3A_11 : i32
      %add3A_13 = arith.addi %mul3A_10, %mul3A_12 : i32
      "tpu.region"() ({
        %run_scoped3A = tpu.sem_alloc : memref<!tpu.dma_semaphore, #tpu.memory_space<semaphore_mem>>
        %dma_start3A_25 = tpu.memref_slice %arg4[%add3A_13] : memref<102400xi32, #tpu.memory_space<hbm>> -> memref<128xi32, #tpu.memory_space<hbm>>
        %dma_start3A_26 = tpu.memref_slice %arg4[%add3A_13] : memref<102400xi32, #tpu.memory_space<hbm>> -> memref<128xi32, #tpu.memory_space<hbm>>
        tpu.enqueue_dma source(%dma_start3A_26 : memref<128xi32, #tpu.memory_space<hbm>>) target(%arg8 : memref<128xi32, #tpu.memory_space<vmem>>) target_semaphore(%run_scoped3A : memref<!tpu.dma_semaphore, #tpu.memory_space<semaphore_mem>>)
        %dma_wait3A_27 = tpu.memref_slice %arg4[%add3A_13] : memref<102400xi32, #tpu.memory_space<hbm>> -> memref<128xi32, #tpu.memory_space<hbm>>
        %dma_wait3A_28 = tpu.memref_slice %arg4[%add3A_13] : memref<102400xi32, #tpu.memory_space<hbm>> -> memref<128xi32, #tpu.memory_space<hbm>>
        tpu.wait_dma2 semaphore(%run_scoped3A : memref<!tpu.dma_semaphore, #tpu.memory_space<semaphore_mem>>) src(%dma_wait3A_28 : memref<128xi32, #tpu.memory_space<hbm>>) dst(%arg8 : memref<128xi32, #tpu.memory_space<vmem>>)
        tpu.yield
      }) : () -> ()
      %dma_start3A = arith.constant 0 : i32
      %dma_start3A_14 = arith.constant 0 : i32
      %dma_start3A_15 = tpu.memref_slice %arg2[%dma_start3A, %dma_start3A_14] : memref<10112x128xf32, #tpu.memory_space<hbm>> -> memref<10112x128xf32, #tpu.memory_space<hbm>>
      tpu.enqueue_indirect_dma source(%dma_start3A_15 : memref<10112x128xf32, #tpu.memory_space<hbm>>) target(%arg9 : memref<128x128xf32, #tpu.memory_space<vmem>>) offsets(%arg8 : memref<128xi32, #tpu.memory_space<vmem>>) semaphore(%arg10 : memref<!tpu.dma_semaphore, #tpu.memory_space<semaphore_mem>>)
      %dma_wait3A = arith.constant 0 : i32
      %dma_wait3A_16 = arith.constant 0 : i32
      %dma_wait3A_17 = tpu.memref_slice %arg2[%dma_wait3A, %dma_wait3A_16] : memref<10112x128xf32, #tpu.memory_space<hbm>> -> memref<10112x128xf32, #tpu.memory_space<hbm>>
      tpu.wait_indirect_dma semaphore(%arg10 : memref<!tpu.dma_semaphore, #tpu.memory_space<semaphore_mem>>) src(%dma_wait3A_17 : memref<10112x128xf32, #tpu.memory_space<hbm>>) dst(%arg9 : memref<128x128xf32, #tpu.memory_space<vmem>>)
      "tpu.region"() ({
        %run_scoped3A = tpu.sem_alloc : memref<!tpu.dma_semaphore, #tpu.memory_space<semaphore_mem>>
        %dma_start3A_25 = arith.constant 0 : i32
        %dma_start3A_26 = tpu.memref_slice %arg6[%add3A_13, %dma_start3A_25] : memref<102400x128xf32, #tpu.memory_space<hbm>> -> memref<128x128xf32, #tpu.memory_space<hbm>>
        %dma_start3A_27 = arith.constant 0 : i32
        %dma_start3A_28 = tpu.memref_slice %arg6[%add3A_13, %dma_start3A_27] : memref<102400x128xf32, #tpu.memory_space<hbm>> -> memref<128x128xf32, #tpu.memory_space<hbm>>
        tpu.enqueue_dma source(%arg9 : memref<128x128xf32, #tpu.memory_space<vmem>>) target(%dma_start3A_28 : memref<128x128xf32, #tpu.memory_space<hbm>>) target_semaphore(%run_scoped3A : memref<!tpu.dma_semaphore, #tpu.memory_space<semaphore_mem>>)
        %dma_wait3A_29 = arith.constant 0 : i32
        %dma_wait3A_30 = tpu.memref_slice %arg6[%add3A_13, %dma_wait3A_29] : memref<102400x128xf32, #tpu.memory_space<hbm>> -> memref<128x128xf32, #tpu.memory_space<hbm>>
        %dma_wait3A_31 = arith.constant 0 : i32
        %dma_wait3A_32 = tpu.memref_slice %arg6[%add3A_13, %dma_wait3A_31] : memref<102400x128xf32, #tpu.memory_space<hbm>> -> memref<128x128xf32, #tpu.memory_space<hbm>>
        tpu.wait_dma2 semaphore(%run_scoped3A : memref<!tpu.dma_semaphore, #tpu.memory_space<semaphore_mem>>) src(%arg9 : memref<128x128xf32, #tpu.memory_space<vmem>>) dst(%dma_wait3A_32 : memref<128x128xf32, #tpu.memory_space<hbm>>)
        tpu.yield
      }) : () -> ()
      "tpu.region"() ({
        %run_scoped3A = tpu.sem_alloc : memref<!tpu.dma_semaphore, #tpu.memory_space<semaphore_mem>>
        %dma_start3A_25 = tpu.memref_slice %arg5[%add3A_13] : memref<102400xi32, #tpu.memory_space<hbm>> -> memref<128xi32, #tpu.memory_space<hbm>>
        %dma_start3A_26 = tpu.memref_slice %arg5[%add3A_13] : memref<102400xi32, #tpu.memory_space<hbm>> -> memref<128xi32, #tpu.memory_space<hbm>>
        tpu.enqueue_dma source(%dma_start3A_26 : memref<128xi32, #tpu.memory_space<hbm>>) target(%arg8 : memref<128xi32, #tpu.memory_space<vmem>>) target_semaphore(%run_scoped3A : memref<!tpu.dma_semaphore, #tpu.memory_space<semaphore_mem>>)
        %dma_wait3A_27 = tpu.memref_slice %arg5[%add3A_13] : memref<102400xi32, #tpu.memory_space<hbm>> -> memref<128xi32, #tpu.memory_space<hbm>>
        %dma_wait3A_28 = tpu.memref_slice %arg5[%add3A_13] : memref<102400xi32, #tpu.memory_space<hbm>> -> memref<128xi32, #tpu.memory_space<hbm>>
        tpu.wait_dma2 semaphore(%run_scoped3A : memref<!tpu.dma_semaphore, #tpu.memory_space<semaphore_mem>>) src(%dma_wait3A_28 : memref<128xi32, #tpu.memory_space<hbm>>) dst(%arg8 : memref<128xi32, #tpu.memory_space<vmem>>)
        tpu.yield
      }) : () -> ()
      %dma_start3A_18 = arith.constant 0 : i32
      %dma_start3A_19 = arith.constant 0 : i32
      %dma_start3A_20 = tpu.memref_slice %arg3[%dma_start3A_18, %dma_start3A_19] : memref<10112x128xf32, #tpu.memory_space<hbm>> -> memref<10112x128xf32, #tpu.memory_space<hbm>>
      tpu.enqueue_indirect_dma source(%dma_start3A_20 : memref<10112x128xf32, #tpu.memory_space<hbm>>) target(%arg9 : memref<128x128xf32, #tpu.memory_space<vmem>>) offsets(%arg8 : memref<128xi32, #tpu.memory_space<vmem>>) semaphore(%arg10 : memref<!tpu.dma_semaphore, #tpu.memory_space<semaphore_mem>>)
      %dma_wait3A_21 = arith.constant 0 : i32
      %dma_wait3A_22 = arith.constant 0 : i32
      %dma_wait3A_23 = tpu.memref_slice %arg3[%dma_wait3A_21, %dma_wait3A_22] : memref<10112x128xf32, #tpu.memory_space<hbm>> -> memref<10112x128xf32, #tpu.memory_space<hbm>>
      tpu.wait_indirect_dma semaphore(%arg10 : memref<!tpu.dma_semaphore, #tpu.memory_space<semaphore_mem>>) src(%dma_wait3A_23 : memref<10112x128xf32, #tpu.memory_space<hbm>>) dst(%arg9 : memref<128x128xf32, #tpu.memory_space<vmem>>)
      "tpu.region"() ({
        %run_scoped3A = tpu.sem_alloc : memref<!tpu.dma_semaphore, #tpu.memory_space<semaphore_mem>>
        %dma_start3A_25 = arith.constant 0 : i32
        %dma_start3A_26 = tpu.memref_slice %arg7[%add3A_13, %dma_start3A_25] : memref<102400x128xf32, #tpu.memory_space<hbm>> -> memref<128x128xf32, #tpu.memory_space<hbm>>
        %dma_start3A_27 = arith.constant 0 : i32
        %dma_start3A_28 = tpu.memref_slice %arg7[%add3A_13, %dma_start3A_27] : memref<102400x128xf32, #tpu.memory_space<hbm>> -> memref<128x128xf32, #tpu.memory_space<hbm>>
        tpu.enqueue_dma source(%arg9 : memref<128x128xf32, #tpu.memory_space<vmem>>) target(%dma_start3A_28 : memref<128x128xf32, #tpu.memory_space<hbm>>) target_semaphore(%run_scoped3A : memref<!tpu.dma_semaphore, #tpu.memory_space<semaphore_mem>>)
        %dma_wait3A_29 = arith.constant 0 : i32
        %dma_wait3A_30 = tpu.memref_slice %arg7[%add3A_13, %dma_wait3A_29] : memref<102400x128xf32, #tpu.memory_space<hbm>> -> memref<128x128xf32, #tpu.memory_space<hbm>>
        %dma_wait3A_31 = arith.constant 0 : i32
        %dma_wait3A_32 = tpu.memref_slice %arg7[%add3A_13, %dma_wait3A_31] : memref<102400x128xf32, #tpu.memory_space<hbm>> -> memref<128x128xf32, #tpu.memory_space<hbm>>
        tpu.wait_dma2 semaphore(%run_scoped3A : memref<!tpu.dma_semaphore, #tpu.memory_space<semaphore_mem>>) src(%arg9 : memref<128x128xf32, #tpu.memory_space<vmem>>) dst(%dma_wait3A_32 : memref<128x128xf32, #tpu.memory_space<hbm>>)
        tpu.yield
      }) : () -> ()
      %scan3A_24 = arith.constant 0 : i32
      scf.yield %scan3A_24 : i32
    }
    %scan3A_6 = arith.constant 25 : i32
    return
  }
}

#map = affine_map<(d0, d1) -> (0, 0)>
#map1 = affine_map<(d0, d1) -> (0)>
module attributes {stable_mosaic.version = 14 : i64} {
  func.func @body(%arg0: i32, %arg1: i32, %arg2: memref<10112x64xf32, #tpu.memory_space<hbm>>, %arg3: memref<10112x64xf32, #tpu.memory_space<hbm>>, %arg4: memref<10112x64xf32, #tpu.memory_space<hbm>>, %arg5: memref<10112x64xf32, #tpu.memory_space<hbm>>, %arg6: memref<641024xi32, #tpu.memory_space<hbm>>, %arg7: memref<641024xi32, #tpu.memory_space<hbm>>, %arg8: memref<641024xi32, #tpu.memory_space<hbm>>, %arg9: memref<641024xi32, #tpu.memory_space<hbm>>, %arg10: memref<10112x64xf32, #tpu.memory_space<hbm>>, %arg11: memref<10112x16xf32, #tpu.memory_space<hbm>>, %arg12: memref<128x16xf32, #tpu.memory_space<hbm>>, %arg13: memref<10112x64xf32, #tpu.memory_space<hbm>>, %arg14: memref<10112x64xf32, #tpu.memory_space<hbm>>, %arg15: memref<10112x64xf32, #tpu.memory_space<hbm>>, %arg16: memref<10112x64xf32, #tpu.memory_space<hbm>>, %arg17: memref<128xi32, #tpu.memory_space<vmem>>, %arg18: memref<128xi32, #tpu.memory_space<vmem>>, %arg19: memref<128x64xf32, #tpu.memory_space<vmem>>, %arg20: memref<128x16xf32, #tpu.memory_space<vmem>>, %arg21: memref<632x64xf32, #tpu.memory_space<vmem>>, %arg22: memref<632x16xf32, #tpu.memory_space<vmem>>, %arg23: memref<10112x64xf32, #tpu.memory_space<vmem_shared>>, %arg24: memref<10112x16xf32, #tpu.memory_space<vmem_shared>>, %arg25: memref<!tpu.dma_semaphore, #tpu.memory_space<semaphore_mem>>) attributes {dimension_semantics = [#tpu.dimension_semantics<core_parallel>, #tpu.dimension_semantics<subcore_parallel>], iteration_bounds = array<i64: 2, 16>, scalar_prefetch = 0 : i64, scratch_operands = 9 : i64, tpu.core_type = #tpu.core_type<sc_vector_subcore>, window_params = [{transform_indices = #map}, {transform_indices = #map}, {transform_indices = #map}, {transform_indices = #map}, {transform_indices = #map1}, {transform_indices = #map1}, {transform_indices = #map1}, {transform_indices = #map1}, {transform_indices = #map}, {transform_indices = #map}, {transform_indices = #map}, {transform_indices = #map}, {transform_indices = #map}, {transform_indices = #map}, {transform_indices = #map}]} {
    %mul3A = arith.constant 632 : i32
    %mul3A_0 = arith.muli %arg1, %mul3A : i32
    "tpu.region"() ({
      %run_scoped3A = tpu.sem_alloc : memref<!tpu.dma_semaphore, #tpu.memory_space<semaphore_mem>>
      %dma_start3A = arith.constant 0 : i32
      %dma_start3A_42 = tpu.memref_slice %arg10[%mul3A_0, %dma_start3A] : memref<10112x64xf32, #tpu.memory_space<hbm>> -> memref<632x64xf32, #tpu.memory_space<hbm>>
      %dma_start3A_43 = arith.constant 0 : i32
      %dma_start3A_44 = tpu.memref_slice %arg10[%mul3A_0, %dma_start3A_43] : memref<10112x64xf32, #tpu.memory_space<hbm>> -> memref<632x64xf32, #tpu.memory_space<hbm>>
      tpu.enqueue_dma source(%dma_start3A_44 : memref<632x64xf32, #tpu.memory_space<hbm>>) target(%arg21 : memref<632x64xf32, #tpu.memory_space<vmem>>) target_semaphore(%run_scoped3A : memref<!tpu.dma_semaphore, #tpu.memory_space<semaphore_mem>>)
      %dma_wait3A = arith.constant 0 : i32
      %dma_wait3A_45 = tpu.memref_slice %arg10[%mul3A_0, %dma_wait3A] : memref<10112x64xf32, #tpu.memory_space<hbm>> -> memref<632x64xf32, #tpu.memory_space<hbm>>
      %dma_wait3A_46 = arith.constant 0 : i32
      %dma_wait3A_47 = tpu.memref_slice %arg10[%mul3A_0, %dma_wait3A_46] : memref<10112x64xf32, #tpu.memory_space<hbm>> -> memref<632x64xf32, #tpu.memory_space<hbm>>
      tpu.wait_dma2 semaphore(%run_scoped3A : memref<!tpu.dma_semaphore, #tpu.memory_space<semaphore_mem>>) src(%dma_wait3A_47 : memref<632x64xf32, #tpu.memory_space<hbm>>) dst(%arg21 : memref<632x64xf32, #tpu.memory_space<vmem>>)
      tpu.yield
    }) : () -> ()
    "tpu.region"() ({
      %run_scoped3A = tpu.sem_alloc : memref<!tpu.dma_semaphore, #tpu.memory_space<semaphore_mem>>
      %dma_start3A = arith.constant 0 : i32
      %dma_start3A_42 = tpu.memref_slice %arg23[%mul3A_0, %dma_start3A] : memref<10112x64xf32, #tpu.memory_space<vmem_shared>> -> memref<632x64xf32, #tpu.memory_space<vmem_shared>>
      %dma_start3A_43 = arith.constant 0 : i32
      %dma_start3A_44 = tpu.memref_slice %arg23[%mul3A_0, %dma_start3A_43] : memref<10112x64xf32, #tpu.memory_space<vmem_shared>> -> memref<632x64xf32, #tpu.memory_space<vmem_shared>>
      tpu.enqueue_dma source(%arg21 : memref<632x64xf32, #tpu.memory_space<vmem>>) target(%dma_start3A_44 : memref<632x64xf32, #tpu.memory_space<vmem_shared>>) target_semaphore(%run_scoped3A : memref<!tpu.dma_semaphore, #tpu.memory_space<semaphore_mem>>)
      %dma_wait3A = arith.constant 0 : i32
      %dma_wait3A_45 = tpu.memref_slice %arg23[%mul3A_0, %dma_wait3A] : memref<10112x64xf32, #tpu.memory_space<vmem_shared>> -> memref<632x64xf32, #tpu.memory_space<vmem_shared>>
      %dma_wait3A_46 = arith.constant 0 : i32
      %dma_wait3A_47 = tpu.memref_slice %arg23[%mul3A_0, %dma_wait3A_46] : memref<10112x64xf32, #tpu.memory_space<vmem_shared>> -> memref<632x64xf32, #tpu.memory_space<vmem_shared>>
      tpu.wait_dma2 semaphore(%run_scoped3A : memref<!tpu.dma_semaphore, #tpu.memory_space<semaphore_mem>>) src(%arg21 : memref<632x64xf32, #tpu.memory_space<vmem>>) dst(%dma_wait3A_47 : memref<632x64xf32, #tpu.memory_space<vmem_shared>>)
      tpu.yield
    }) : () -> ()
    %barrier3A = arith.constant 0 : index
    tpu.barrier barrier_id(%barrier3A)
    %eq3A = arith.constant 0 : i32
    %eq3A_1 = arith.cmpi eq, %arg0, %eq3A : i32
    %convert_element_type3A = arith.extui %eq3A_1 : i1 to i32
    %cond3A = arith.constant 0 : i32
    %cond3A_2 = arith.cmpi ne, %convert_element_type3A, %cond3A : i32
    scf.if %cond3A_2 {
      %scan3A = arith.constant 0 : i32
      %scan3A_42 = arith.constant 0 : i32
      %scan3A_43 = arith.constant 313 : i32
      %scan3A_44 = arith.addi %scan3A_42, %scan3A_43 : i32
      %scan3A_45 = arith.constant 1 : i32
      %scan3A_46 = scf.for %scan3A_48 = %scan3A_42 to %scan3A_44 step %scan3A_45 iter_args(%scan3A_49 = %scan3A) -> (i32)  : i32 {
        %mul3A_50 = arith.constant 40064 : i32
        %mul3A_51 = arith.muli %arg1, %mul3A_50 : i32
        %mul3A_52 = arith.constant 128 : i32
        %mul3A_53 = arith.muli %scan3A_48, %mul3A_52 : i32
        %add3A = arith.addi %mul3A_51, %mul3A_53 : i32
        "tpu.region"() ({
          %run_scoped3A = tpu.sem_alloc : memref<!tpu.dma_semaphore, #tpu.memory_space<semaphore_mem>>
          %dma_start3A_59 = tpu.memref_slice %arg6[%add3A] : memref<641024xi32, #tpu.memory_space<hbm>> -> memref<128xi32, #tpu.memory_space<hbm>>
          %dma_start3A_60 = tpu.memref_slice %arg6[%add3A] : memref<641024xi32, #tpu.memory_space<hbm>> -> memref<128xi32, #tpu.memory_space<hbm>>
          tpu.enqueue_dma source(%dma_start3A_60 : memref<128xi32, #tpu.memory_space<hbm>>) target(%arg17 : memref<128xi32, #tpu.memory_space<vmem>>) target_semaphore(%run_scoped3A : memref<!tpu.dma_semaphore, #tpu.memory_space<semaphore_mem>>)
          %dma_wait3A_61 = tpu.memref_slice %arg6[%add3A] : memref<641024xi32, #tpu.memory_space<hbm>> -> memref<128xi32, #tpu.memory_space<hbm>>
          %dma_wait3A_62 = tpu.memref_slice %arg6[%add3A] : memref<641024xi32, #tpu.memory_space<hbm>> -> memref<128xi32, #tpu.memory_space<hbm>>
          tpu.wait_dma2 semaphore(%run_scoped3A : memref<!tpu.dma_semaphore, #tpu.memory_space<semaphore_mem>>) src(%dma_wait3A_62 : memref<128xi32, #tpu.memory_space<hbm>>) dst(%arg17 : memref<128xi32, #tpu.memory_space<vmem>>)
          tpu.yield
        }) : () -> ()
        "tpu.region"() ({
          %run_scoped3A = tpu.sem_alloc : memref<!tpu.dma_semaphore, #tpu.memory_space<semaphore_mem>>
          %dma_start3A_59 = tpu.memref_slice %arg7[%add3A] : memref<641024xi32, #tpu.memory_space<hbm>> -> memref<128xi32, #tpu.memory_space<hbm>>
          %dma_start3A_60 = tpu.memref_slice %arg7[%add3A] : memref<641024xi32, #tpu.memory_space<hbm>> -> memref<128xi32, #tpu.memory_space<hbm>>
          tpu.enqueue_dma source(%dma_start3A_60 : memref<128xi32, #tpu.memory_space<hbm>>) target(%arg18 : memref<128xi32, #tpu.memory_space<vmem>>) target_semaphore(%run_scoped3A : memref<!tpu.dma_semaphore, #tpu.memory_space<semaphore_mem>>)
          %dma_wait3A_61 = tpu.memref_slice %arg7[%add3A] : memref<641024xi32, #tpu.memory_space<hbm>> -> memref<128xi32, #tpu.memory_space<hbm>>
          %dma_wait3A_62 = tpu.memref_slice %arg7[%add3A] : memref<641024xi32, #tpu.memory_space<hbm>> -> memref<128xi32, #tpu.memory_space<hbm>>
          tpu.wait_dma2 semaphore(%run_scoped3A : memref<!tpu.dma_semaphore, #tpu.memory_space<semaphore_mem>>) src(%dma_wait3A_62 : memref<128xi32, #tpu.memory_space<hbm>>) dst(%arg18 : memref<128xi32, #tpu.memory_space<vmem>>)
          tpu.yield
        }) : () -> ()
        %dma_start3A = arith.constant 0 : i32
        %dma_start3A_54 = arith.constant 0 : i32
        %dma_start3A_55 = tpu.memref_slice %arg2[%dma_start3A, %dma_start3A_54] : memref<10112x64xf32, #tpu.memory_space<hbm>> -> memref<10112x64xf32, #tpu.memory_space<hbm>>
        tpu.enqueue_indirect_dma source(%dma_start3A_55 : memref<10112x64xf32, #tpu.memory_space<hbm>>) target(%arg19 : memref<128x64xf32, #tpu.memory_space<vmem>>) offsets(%arg17 : memref<128xi32, #tpu.memory_space<vmem>>) semaphore(%arg25 : memref<!tpu.dma_semaphore, #tpu.memory_space<semaphore_mem>>)
        %dma_wait3A = arith.constant 0 : i32
        %dma_wait3A_56 = arith.constant 0 : i32
        %dma_wait3A_57 = tpu.memref_slice %arg2[%dma_wait3A, %dma_wait3A_56] : memref<10112x64xf32, #tpu.memory_space<hbm>> -> memref<10112x64xf32, #tpu.memory_space<hbm>>
        tpu.wait_indirect_dma semaphore(%arg25 : memref<!tpu.dma_semaphore, #tpu.memory_space<semaphore_mem>>) src(%dma_wait3A_57 : memref<10112x64xf32, #tpu.memory_space<hbm>>) dst(%arg19 : memref<128x64xf32, #tpu.memory_space<vmem>>)
        "tpu.region"() ({
          %run_scoped3A = tpu.sem_alloc : memref<!tpu.dma_semaphore, #tpu.memory_space<semaphore_mem>>
          %dma_start3A_59 = arith.constant 0 : i32
          %dma_start3A_60 = arith.constant 0 : i32
          %dma_start3A_61 = tpu.memref_slice %arg23[%dma_start3A_59, %dma_start3A_60] : memref<10112x64xf32, #tpu.memory_space<vmem_shared>> -> memref<10112x64xf32, #tpu.memory_space<vmem_shared>>
          tpu.enqueue_indirect_dma source(%arg19 : memref<128x64xf32, #tpu.memory_space<vmem>>) target(%dma_start3A_61 : memref<10112x64xf32, #tpu.memory_space<vmem_shared>>) offsets(%arg18 : memref<128xi32, #tpu.memory_space<vmem>>) semaphore(%run_scoped3A : memref<!tpu.dma_semaphore, #tpu.memory_space<semaphore_mem>>) {add = true}
          %dma_wait3A_62 = arith.constant 0 : i32
          %dma_wait3A_63 = arith.constant 0 : i32
          %dma_wait3A_64 = tpu.memref_slice %arg23[%dma_wait3A_62, %dma_wait3A_63] : memref<10112x64xf32, #tpu.memory_space<vmem_shared>> -> memref<10112x64xf32, #tpu.memory_space<vmem_shared>>
          tpu.wait_indirect_dma semaphore(%run_scoped3A : memref<!tpu.dma_semaphore, #tpu.memory_space<semaphore_mem>>) src(%arg19 : memref<128x64xf32, #tpu.memory_space<vmem>>) dst(%dma_wait3A_64 : memref<10112x64xf32, #tpu.memory_space<vmem_shared>>)
          tpu.yield
        }) : () -> ()
        %scan3A_58 = arith.constant 0 : i32
        scf.yield %scan3A_58 : i32
      }
      %scan3A_47 = arith.constant 313 : i32
    } else {
    }
    %eq3A_3 = arith.constant 1 : i32
    %eq3A_4 = arith.cmpi eq, %arg0, %eq3A_3 : i32
    %convert_element_type3A_5 = arith.extui %eq3A_4 : i1 to i32
    %cond3A_6 = arith.constant 0 : i32
    %cond3A_7 = arith.cmpi ne, %convert_element_type3A_5, %cond3A_6 : i32
    scf.if %cond3A_7 {
      %scan3A = arith.constant 0 : i32
      %scan3A_42 = arith.constant 0 : i32
      %scan3A_43 = arith.constant 313 : i32
      %scan3A_44 = arith.addi %scan3A_42, %scan3A_43 : i32
      %scan3A_45 = arith.constant 1 : i32
      %scan3A_46 = scf.for %scan3A_48 = %scan3A_42 to %scan3A_44 step %scan3A_45 iter_args(%scan3A_49 = %scan3A) -> (i32)  : i32 {
        %mul3A_50 = arith.constant 40064 : i32
        %mul3A_51 = arith.muli %arg1, %mul3A_50 : i32
        %mul3A_52 = arith.constant 128 : i32
        %mul3A_53 = arith.muli %scan3A_48, %mul3A_52 : i32
        %add3A = arith.addi %mul3A_51, %mul3A_53 : i32
        "tpu.region"() ({
          %run_scoped3A = tpu.sem_alloc : memref<!tpu.dma_semaphore, #tpu.memory_space<semaphore_mem>>
          %dma_start3A_59 = tpu.memref_slice %arg8[%add3A] : memref<641024xi32, #tpu.memory_space<hbm>> -> memref<128xi32, #tpu.memory_space<hbm>>
          %dma_start3A_60 = tpu.memref_slice %arg8[%add3A] : memref<641024xi32, #tpu.memory_space<hbm>> -> memref<128xi32, #tpu.memory_space<hbm>>
          tpu.enqueue_dma source(%dma_start3A_60 : memref<128xi32, #tpu.memory_space<hbm>>) target(%arg17 : memref<128xi32, #tpu.memory_space<vmem>>) target_semaphore(%run_scoped3A : memref<!tpu.dma_semaphore, #tpu.memory_space<semaphore_mem>>)
          %dma_wait3A_61 = tpu.memref_slice %arg8[%add3A] : memref<641024xi32, #tpu.memory_space<hbm>> -> memref<128xi32, #tpu.memory_space<hbm>>
          %dma_wait3A_62 = tpu.memref_slice %arg8[%add3A] : memref<641024xi32, #tpu.memory_space<hbm>> -> memref<128xi32, #tpu.memory_space<hbm>>
          tpu.wait_dma2 semaphore(%run_scoped3A : memref<!tpu.dma_semaphore, #tpu.memory_space<semaphore_mem>>) src(%dma_wait3A_62 : memref<128xi32, #tpu.memory_space<hbm>>) dst(%arg17 : memref<128xi32, #tpu.memory_space<vmem>>)
          tpu.yield
        }) : () -> ()
        "tpu.region"() ({
          %run_scoped3A = tpu.sem_alloc : memref<!tpu.dma_semaphore, #tpu.memory_space<semaphore_mem>>
          %dma_start3A_59 = tpu.memref_slice %arg9[%add3A] : memref<641024xi32, #tpu.memory_space<hbm>> -> memref<128xi32, #tpu.memory_space<hbm>>
          %dma_start3A_60 = tpu.memref_slice %arg9[%add3A] : memref<641024xi32, #tpu.memory_space<hbm>> -> memref<128xi32, #tpu.memory_space<hbm>>
          tpu.enqueue_dma source(%dma_start3A_60 : memref<128xi32, #tpu.memory_space<hbm>>) target(%arg18 : memref<128xi32, #tpu.memory_space<vmem>>) target_semaphore(%run_scoped3A : memref<!tpu.dma_semaphore, #tpu.memory_space<semaphore_mem>>)
          %dma_wait3A_61 = tpu.memref_slice %arg9[%add3A] : memref<641024xi32, #tpu.memory_space<hbm>> -> memref<128xi32, #tpu.memory_space<hbm>>
          %dma_wait3A_62 = tpu.memref_slice %arg9[%add3A] : memref<641024xi32, #tpu.memory_space<hbm>> -> memref<128xi32, #tpu.memory_space<hbm>>
          tpu.wait_dma2 semaphore(%run_scoped3A : memref<!tpu.dma_semaphore, #tpu.memory_space<semaphore_mem>>) src(%dma_wait3A_62 : memref<128xi32, #tpu.memory_space<hbm>>) dst(%arg18 : memref<128xi32, #tpu.memory_space<vmem>>)
          tpu.yield
        }) : () -> ()
        %dma_start3A = arith.constant 0 : i32
        %dma_start3A_54 = arith.constant 0 : i32
        %dma_start3A_55 = tpu.memref_slice %arg4[%dma_start3A, %dma_start3A_54] : memref<10112x64xf32, #tpu.memory_space<hbm>> -> memref<10112x64xf32, #tpu.memory_space<hbm>>
        tpu.enqueue_indirect_dma source(%dma_start3A_55 : memref<10112x64xf32, #tpu.memory_space<hbm>>) target(%arg19 : memref<128x64xf32, #tpu.memory_space<vmem>>) offsets(%arg17 : memref<128xi32, #tpu.memory_space<vmem>>) semaphore(%arg25 : memref<!tpu.dma_semaphore, #tpu.memory_space<semaphore_mem>>)
        %dma_wait3A = arith.constant 0 : i32
        %dma_wait3A_56 = arith.constant 0 : i32
        %dma_wait3A_57 = tpu.memref_slice %arg4[%dma_wait3A, %dma_wait3A_56] : memref<10112x64xf32, #tpu.memory_space<hbm>> -> memref<10112x64xf32, #tpu.memory_space<hbm>>
        tpu.wait_indirect_dma semaphore(%arg25 : memref<!tpu.dma_semaphore, #tpu.memory_space<semaphore_mem>>) src(%dma_wait3A_57 : memref<10112x64xf32, #tpu.memory_space<hbm>>) dst(%arg19 : memref<128x64xf32, #tpu.memory_space<vmem>>)
        "tpu.region"() ({
          %run_scoped3A = tpu.sem_alloc : memref<!tpu.dma_semaphore, #tpu.memory_space<semaphore_mem>>
          %dma_start3A_59 = arith.constant 0 : i32
          %dma_start3A_60 = arith.constant 0 : i32
          %dma_start3A_61 = tpu.memref_slice %arg23[%dma_start3A_59, %dma_start3A_60] : memref<10112x64xf32, #tpu.memory_space<vmem_shared>> -> memref<10112x64xf32, #tpu.memory_space<vmem_shared>>
          tpu.enqueue_indirect_dma source(%arg19 : memref<128x64xf32, #tpu.memory_space<vmem>>) target(%dma_start3A_61 : memref<10112x64xf32, #tpu.memory_space<vmem_shared>>) offsets(%arg18 : memref<128xi32, #tpu.memory_space<vmem>>) semaphore(%run_scoped3A : memref<!tpu.dma_semaphore, #tpu.memory_space<semaphore_mem>>) {add = true}
          %dma_wait3A_62 = arith.constant 0 : i32
          %dma_wait3A_63 = arith.constant 0 : i32
          %dma_wait3A_64 = tpu.memref_slice %arg23[%dma_wait3A_62, %dma_wait3A_63] : memref<10112x64xf32, #tpu.memory_space<vmem_shared>> -> memref<10112x64xf32, #tpu.memory_space<vmem_shared>>
          tpu.wait_indirect_dma semaphore(%run_scoped3A : memref<!tpu.dma_semaphore, #tpu.memory_space<semaphore_mem>>) src(%arg19 : memref<128x64xf32, #tpu.memory_space<vmem>>) dst(%dma_wait3A_64 : memref<10112x64xf32, #tpu.memory_space<vmem_shared>>)
          tpu.yield
        }) : () -> ()
        %scan3A_58 = arith.constant 0 : i32
        scf.yield %scan3A_58 : i32
      }
      %scan3A_47 = arith.constant 313 : i32
    } else {
    }
    %barrier3A_8 = arith.constant 0 : index
    tpu.barrier barrier_id(%barrier3A_8)
    "tpu.region"() ({
      %run_scoped3A = tpu.sem_alloc : memref<!tpu.dma_semaphore, #tpu.memory_space<semaphore_mem>>
      %dma_start3A = arith.constant 0 : i32
      %dma_start3A_42 = tpu.memref_slice %arg23[%mul3A_0, %dma_start3A] : memref<10112x64xf32, #tpu.memory_space<vmem_shared>> -> memref<632x64xf32, #tpu.memory_space<vmem_shared>>
      %dma_start3A_43 = arith.constant 0 : i32
      %dma_start3A_44 = tpu.memref_slice %arg23[%mul3A_0, %dma_start3A_43] : memref<10112x64xf32, #tpu.memory_space<vmem_shared>> -> memref<632x64xf32, #tpu.memory_space<vmem_shared>>
      tpu.enqueue_dma source(%dma_start3A_44 : memref<632x64xf32, #tpu.memory_space<vmem_shared>>) target(%arg21 : memref<632x64xf32, #tpu.memory_space<vmem>>) target_semaphore(%run_scoped3A : memref<!tpu.dma_semaphore, #tpu.memory_space<semaphore_mem>>)
      %dma_wait3A = arith.constant 0 : i32
      %dma_wait3A_45 = tpu.memref_slice %arg23[%mul3A_0, %dma_wait3A] : memref<10112x64xf32, #tpu.memory_space<vmem_shared>> -> memref<632x64xf32, #tpu.memory_space<vmem_shared>>
      %dma_wait3A_46 = arith.constant 0 : i32
      %dma_wait3A_47 = tpu.memref_slice %arg23[%mul3A_0, %dma_wait3A_46] : memref<10112x64xf32, #tpu.memory_space<vmem_shared>> -> memref<632x64xf32, #tpu.memory_space<vmem_shared>>
      tpu.wait_dma2 semaphore(%run_scoped3A : memref<!tpu.dma_semaphore, #tpu.memory_space<semaphore_mem>>) src(%dma_wait3A_47 : memref<632x64xf32, #tpu.memory_space<vmem_shared>>) dst(%arg21 : memref<632x64xf32, #tpu.memory_space<vmem>>)
      tpu.yield
    }) : () -> ()
    %eq3A_9 = arith.constant 0 : i32
    %eq3A_10 = arith.cmpi eq, %arg0, %eq3A_9 : i32
    %convert_element_type3A_11 = arith.extui %eq3A_10 : i1 to i32
    %cond3A_12 = arith.constant 0 : i32
    %cond3A_13 = arith.cmpi ne, %convert_element_type3A_11, %cond3A_12 : i32
    scf.if %cond3A_13 {
      "tpu.region"() ({
        %run_scoped3A = tpu.sem_alloc : memref<!tpu.dma_semaphore, #tpu.memory_space<semaphore_mem>>
        %dma_start3A = arith.constant 0 : i32
        %dma_start3A_42 = tpu.memref_slice %arg13[%mul3A_0, %dma_start3A] : memref<10112x64xf32, #tpu.memory_space<hbm>> -> memref<632x64xf32, #tpu.memory_space<hbm>>
        %dma_start3A_43 = arith.constant 0 : i32
        %dma_start3A_44 = tpu.memref_slice %arg13[%mul3A_0, %dma_start3A_43] : memref<10112x64xf32, #tpu.memory_space<hbm>> -> memref<632x64xf32, #tpu.memory_space<hbm>>
        tpu.enqueue_dma source(%arg21 : memref<632x64xf32, #tpu.memory_space<vmem>>) target(%dma_start3A_44 : memref<632x64xf32, #tpu.memory_space<hbm>>) target_semaphore(%run_scoped3A : memref<!tpu.dma_semaphore, #tpu.memory_space<semaphore_mem>>)
        %dma_wait3A = arith.constant 0 : i32
        %dma_wait3A_45 = tpu.memref_slice %arg13[%mul3A_0, %dma_wait3A] : memref<10112x64xf32, #tpu.memory_space<hbm>> -> memref<632x64xf32, #tpu.memory_space<hbm>>
        %dma_wait3A_46 = arith.constant 0 : i32
        %dma_wait3A_47 = tpu.memref_slice %arg13[%mul3A_0, %dma_wait3A_46] : memref<10112x64xf32, #tpu.memory_space<hbm>> -> memref<632x64xf32, #tpu.memory_space<hbm>>
        tpu.wait_dma2 semaphore(%run_scoped3A : memref<!tpu.dma_semaphore, #tpu.memory_space<semaphore_mem>>) src(%arg21 : memref<632x64xf32, #tpu.memory_space<vmem>>) dst(%dma_wait3A_47 : memref<632x64xf32, #tpu.memory_space<hbm>>)
        tpu.yield
      }) : () -> ()
    } else {
    }
    %eq3A_14 = arith.constant 1 : i32
    %eq3A_15 = arith.cmpi eq, %arg0, %eq3A_14 : i32
    %convert_element_type3A_16 = arith.extui %eq3A_15 : i1 to i32
    %cond3A_17 = arith.constant 0 : i32
    %cond3A_18 = arith.cmpi ne, %convert_element_type3A_16, %cond3A_17 : i32
    scf.if %cond3A_18 {
      "tpu.region"() ({
        %run_scoped3A = tpu.sem_alloc : memref<!tpu.dma_semaphore, #tpu.memory_space<semaphore_mem>>
        %dma_start3A = arith.constant 0 : i32
        %dma_start3A_42 = tpu.memref_slice %arg15[%mul3A_0, %dma_start3A] : memref<10112x64xf32, #tpu.memory_space<hbm>> -> memref<632x64xf32, #tpu.memory_space<hbm>>
        %dma_start3A_43 = arith.constant 0 : i32
        %dma_start3A_44 = tpu.memref_slice %arg15[%mul3A_0, %dma_start3A_43] : memref<10112x64xf32, #tpu.memory_space<hbm>> -> memref<632x64xf32, #tpu.memory_space<hbm>>
        tpu.enqueue_dma source(%arg21 : memref<632x64xf32, #tpu.memory_space<vmem>>) target(%dma_start3A_44 : memref<632x64xf32, #tpu.memory_space<hbm>>) target_semaphore(%run_scoped3A : memref<!tpu.dma_semaphore, #tpu.memory_space<semaphore_mem>>)
        %dma_wait3A = arith.constant 0 : i32
        %dma_wait3A_45 = tpu.memref_slice %arg15[%mul3A_0, %dma_wait3A] : memref<10112x64xf32, #tpu.memory_space<hbm>> -> memref<632x64xf32, #tpu.memory_space<hbm>>
        %dma_wait3A_46 = arith.constant 0 : i32
        %dma_wait3A_47 = tpu.memref_slice %arg15[%mul3A_0, %dma_wait3A_46] : memref<10112x64xf32, #tpu.memory_space<hbm>> -> memref<632x64xf32, #tpu.memory_space<hbm>>
        tpu.wait_dma2 semaphore(%run_scoped3A : memref<!tpu.dma_semaphore, #tpu.memory_space<semaphore_mem>>) src(%arg21 : memref<632x64xf32, #tpu.memory_space<vmem>>) dst(%dma_wait3A_47 : memref<632x64xf32, #tpu.memory_space<hbm>>)
        tpu.yield
      }) : () -> ()
    } else {
    }
    %barrier3A_19 = arith.constant 0 : index
    tpu.barrier barrier_id(%barrier3A_19)
    "tpu.region"() ({
      %run_scoped3A = tpu.sem_alloc : memref<!tpu.dma_semaphore, #tpu.memory_space<semaphore_mem>>
      %dma_start3A = arith.constant 0 : i32
      %dma_start3A_42 = tpu.memref_slice %arg10[%mul3A_0, %dma_start3A] : memref<10112x64xf32, #tpu.memory_space<hbm>> -> memref<632x64xf32, #tpu.memory_space<hbm>>
      %dma_start3A_43 = arith.constant 0 : i32
      %dma_start3A_44 = tpu.memref_slice %arg10[%mul3A_0, %dma_start3A_43] : memref<10112x64xf32, #tpu.memory_space<hbm>> -> memref<632x64xf32, #tpu.memory_space<hbm>>
      tpu.enqueue_dma source(%dma_start3A_44 : memref<632x64xf32, #tpu.memory_space<hbm>>) target(%arg21 : memref<632x64xf32, #tpu.memory_space<vmem>>) target_semaphore(%run_scoped3A : memref<!tpu.dma_semaphore, #tpu.memory_space<semaphore_mem>>)
      %dma_wait3A = arith.constant 0 : i32
      %dma_wait3A_45 = tpu.memref_slice %arg10[%mul3A_0, %dma_wait3A] : memref<10112x64xf32, #tpu.memory_space<hbm>> -> memref<632x64xf32, #tpu.memory_space<hbm>>
      %dma_wait3A_46 = arith.constant 0 : i32
      %dma_wait3A_47 = tpu.memref_slice %arg10[%mul3A_0, %dma_wait3A_46] : memref<10112x64xf32, #tpu.memory_space<hbm>> -> memref<632x64xf32, #tpu.memory_space<hbm>>
      tpu.wait_dma2 semaphore(%run_scoped3A : memref<!tpu.dma_semaphore, #tpu.memory_space<semaphore_mem>>) src(%dma_wait3A_47 : memref<632x64xf32, #tpu.memory_space<hbm>>) dst(%arg21 : memref<632x64xf32, #tpu.memory_space<vmem>>)
      tpu.yield
    }) : () -> ()
    "tpu.region"() ({
      %run_scoped3A = tpu.sem_alloc : memref<!tpu.dma_semaphore, #tpu.memory_space<semaphore_mem>>
      %dma_start3A = arith.constant 0 : i32
      %dma_start3A_42 = tpu.memref_slice %arg23[%mul3A_0, %dma_start3A] : memref<10112x64xf32, #tpu.memory_space<vmem_shared>> -> memref<632x64xf32, #tpu.memory_space<vmem_shared>>
      %dma_start3A_43 = arith.constant 0 : i32
      %dma_start3A_44 = tpu.memref_slice %arg23[%mul3A_0, %dma_start3A_43] : memref<10112x64xf32, #tpu.memory_space<vmem_shared>> -> memref<632x64xf32, #tpu.memory_space<vmem_shared>>
      tpu.enqueue_dma source(%arg21 : memref<632x64xf32, #tpu.memory_space<vmem>>) target(%dma_start3A_44 : memref<632x64xf32, #tpu.memory_space<vmem_shared>>) target_semaphore(%run_scoped3A : memref<!tpu.dma_semaphore, #tpu.memory_space<semaphore_mem>>)
      %dma_wait3A = arith.constant 0 : i32
      %dma_wait3A_45 = tpu.memref_slice %arg23[%mul3A_0, %dma_wait3A] : memref<10112x64xf32, #tpu.memory_space<vmem_shared>> -> memref<632x64xf32, #tpu.memory_space<vmem_shared>>
      %dma_wait3A_46 = arith.constant 0 : i32
      %dma_wait3A_47 = tpu.memref_slice %arg23[%mul3A_0, %dma_wait3A_46] : memref<10112x64xf32, #tpu.memory_space<vmem_shared>> -> memref<632x64xf32, #tpu.memory_space<vmem_shared>>
      tpu.wait_dma2 semaphore(%run_scoped3A : memref<!tpu.dma_semaphore, #tpu.memory_space<semaphore_mem>>) src(%arg21 : memref<632x64xf32, #tpu.memory_space<vmem>>) dst(%dma_wait3A_47 : memref<632x64xf32, #tpu.memory_space<vmem_shared>>)
      tpu.yield
    }) : () -> ()
    %barrier3A_20 = arith.constant 0 : index
    tpu.barrier barrier_id(%barrier3A_20)
    %eq3A_21 = arith.constant 0 : i32
    %eq3A_22 = arith.cmpi eq, %arg0, %eq3A_21 : i32
    %convert_element_type3A_23 = arith.extui %eq3A_22 : i1 to i32
    %cond3A_24 = arith.constant 0 : i32
    %cond3A_25 = arith.cmpi ne, %convert_element_type3A_23, %cond3A_24 : i32
    scf.if %cond3A_25 {
      %scan3A = arith.constant 0 : i32
      %scan3A_42 = arith.constant 0 : i32
      %scan3A_43 = arith.constant 313 : i32
      %scan3A_44 = arith.addi %scan3A_42, %scan3A_43 : i32
      %scan3A_45 = arith.constant 1 : i32
      %scan3A_46 = scf.for %scan3A_48 = %scan3A_42 to %scan3A_44 step %scan3A_45 iter_args(%scan3A_49 = %scan3A) -> (i32)  : i32 {
        %mul3A_50 = arith.constant 40064 : i32
        %mul3A_51 = arith.muli %arg1, %mul3A_50 : i32
        %mul3A_52 = arith.constant 128 : i32
        %mul3A_53 = arith.muli %scan3A_48, %mul3A_52 : i32
        %add3A = arith.addi %mul3A_51, %mul3A_53 : i32
        "tpu.region"() ({
          %run_scoped3A = tpu.sem_alloc : memref<!tpu.dma_semaphore, #tpu.memory_space<semaphore_mem>>
          %dma_start3A_59 = tpu.memref_slice %arg6[%add3A] : memref<641024xi32, #tpu.memory_space<hbm>> -> memref<128xi32, #tpu.memory_space<hbm>>
          %dma_start3A_60 = tpu.memref_slice %arg6[%add3A] : memref<641024xi32, #tpu.memory_space<hbm>> -> memref<128xi32, #tpu.memory_space<hbm>>
          tpu.enqueue_dma source(%dma_start3A_60 : memref<128xi32, #tpu.memory_space<hbm>>) target(%arg17 : memref<128xi32, #tpu.memory_space<vmem>>) target_semaphore(%run_scoped3A : memref<!tpu.dma_semaphore, #tpu.memory_space<semaphore_mem>>)
          %dma_wait3A_61 = tpu.memref_slice %arg6[%add3A] : memref<641024xi32, #tpu.memory_space<hbm>> -> memref<128xi32, #tpu.memory_space<hbm>>
          %dma_wait3A_62 = tpu.memref_slice %arg6[%add3A] : memref<641024xi32, #tpu.memory_space<hbm>> -> memref<128xi32, #tpu.memory_space<hbm>>
          tpu.wait_dma2 semaphore(%run_scoped3A : memref<!tpu.dma_semaphore, #tpu.memory_space<semaphore_mem>>) src(%dma_wait3A_62 : memref<128xi32, #tpu.memory_space<hbm>>) dst(%arg17 : memref<128xi32, #tpu.memory_space<vmem>>)
          tpu.yield
        }) : () -> ()
        "tpu.region"() ({
          %run_scoped3A = tpu.sem_alloc : memref<!tpu.dma_semaphore, #tpu.memory_space<semaphore_mem>>
          %dma_start3A_59 = tpu.memref_slice %arg7[%add3A] : memref<641024xi32, #tpu.memory_space<hbm>> -> memref<128xi32, #tpu.memory_space<hbm>>
          %dma_start3A_60 = tpu.memref_slice %arg7[%add3A] : memref<641024xi32, #tpu.memory_space<hbm>> -> memref<128xi32, #tpu.memory_space<hbm>>
          tpu.enqueue_dma source(%dma_start3A_60 : memref<128xi32, #tpu.memory_space<hbm>>) target(%arg18 : memref<128xi32, #tpu.memory_space<vmem>>) target_semaphore(%run_scoped3A : memref<!tpu.dma_semaphore, #tpu.memory_space<semaphore_mem>>)
          %dma_wait3A_61 = tpu.memref_slice %arg7[%add3A] : memref<641024xi32, #tpu.memory_space<hbm>> -> memref<128xi32, #tpu.memory_space<hbm>>
          %dma_wait3A_62 = tpu.memref_slice %arg7[%add3A] : memref<641024xi32, #tpu.memory_space<hbm>> -> memref<128xi32, #tpu.memory_space<hbm>>
          tpu.wait_dma2 semaphore(%run_scoped3A : memref<!tpu.dma_semaphore, #tpu.memory_space<semaphore_mem>>) src(%dma_wait3A_62 : memref<128xi32, #tpu.memory_space<hbm>>) dst(%arg18 : memref<128xi32, #tpu.memory_space<vmem>>)
          tpu.yield
        }) : () -> ()
        %dma_start3A = arith.constant 0 : i32
        %dma_start3A_54 = arith.constant 0 : i32
        %dma_start3A_55 = tpu.memref_slice %arg3[%dma_start3A, %dma_start3A_54] : memref<10112x64xf32, #tpu.memory_space<hbm>> -> memref<10112x64xf32, #tpu.memory_space<hbm>>
        tpu.enqueue_indirect_dma source(%dma_start3A_55 : memref<10112x64xf32, #tpu.memory_space<hbm>>) target(%arg19 : memref<128x64xf32, #tpu.memory_space<vmem>>) offsets(%arg17 : memref<128xi32, #tpu.memory_space<vmem>>) semaphore(%arg25 : memref<!tpu.dma_semaphore, #tpu.memory_space<semaphore_mem>>)
        %dma_wait3A = arith.constant 0 : i32
        %dma_wait3A_56 = arith.constant 0 : i32
        %dma_wait3A_57 = tpu.memref_slice %arg3[%dma_wait3A, %dma_wait3A_56] : memref<10112x64xf32, #tpu.memory_space<hbm>> -> memref<10112x64xf32, #tpu.memory_space<hbm>>
        tpu.wait_indirect_dma semaphore(%arg25 : memref<!tpu.dma_semaphore, #tpu.memory_space<semaphore_mem>>) src(%dma_wait3A_57 : memref<10112x64xf32, #tpu.memory_space<hbm>>) dst(%arg19 : memref<128x64xf32, #tpu.memory_space<vmem>>)
        "tpu.region"() ({
          %run_scoped3A = tpu.sem_alloc : memref<!tpu.dma_semaphore, #tpu.memory_space<semaphore_mem>>
          %dma_start3A_59 = arith.constant 0 : i32
          %dma_start3A_60 = arith.constant 0 : i32
          %dma_start3A_61 = tpu.memref_slice %arg23[%dma_start3A_59, %dma_start3A_60] : memref<10112x64xf32, #tpu.memory_space<vmem_shared>> -> memref<10112x64xf32, #tpu.memory_space<vmem_shared>>
          tpu.enqueue_indirect_dma source(%arg19 : memref<128x64xf32, #tpu.memory_space<vmem>>) target(%dma_start3A_61 : memref<10112x64xf32, #tpu.memory_space<vmem_shared>>) offsets(%arg18 : memref<128xi32, #tpu.memory_space<vmem>>) semaphore(%run_scoped3A : memref<!tpu.dma_semaphore, #tpu.memory_space<semaphore_mem>>) {add = true}
          %dma_wait3A_62 = arith.constant 0 : i32
          %dma_wait3A_63 = arith.constant 0 : i32
          %dma_wait3A_64 = tpu.memref_slice %arg23[%dma_wait3A_62, %dma_wait3A_63] : memref<10112x64xf32, #tpu.memory_space<vmem_shared>> -> memref<10112x64xf32, #tpu.memory_space<vmem_shared>>
          tpu.wait_indirect_dma semaphore(%run_scoped3A : memref<!tpu.dma_semaphore, #tpu.memory_space<semaphore_mem>>) src(%arg19 : memref<128x64xf32, #tpu.memory_space<vmem>>) dst(%dma_wait3A_64 : memref<10112x64xf32, #tpu.memory_space<vmem_shared>>)
          tpu.yield
        }) : () -> ()
        %scan3A_58 = arith.constant 0 : i32
        scf.yield %scan3A_58 : i32
      }
      %scan3A_47 = arith.constant 313 : i32
    } else {
    }
    %eq3A_26 = arith.constant 1 : i32
    %eq3A_27 = arith.cmpi eq, %arg0, %eq3A_26 : i32
    %convert_element_type3A_28 = arith.extui %eq3A_27 : i1 to i32
    %cond3A_29 = arith.constant 0 : i32
    %cond3A_30 = arith.cmpi ne, %convert_element_type3A_28, %cond3A_29 : i32
    scf.if %cond3A_30 {
      %scan3A = arith.constant 0 : i32
      %scan3A_42 = arith.constant 0 : i32
      %scan3A_43 = arith.constant 313 : i32
      %scan3A_44 = arith.addi %scan3A_42, %scan3A_43 : i32
      %scan3A_45 = arith.constant 1 : i32
      %scan3A_46 = scf.for %scan3A_48 = %scan3A_42 to %scan3A_44 step %scan3A_45 iter_args(%scan3A_49 = %scan3A) -> (i32)  : i32 {
        %mul3A_50 = arith.constant 40064 : i32
        %mul3A_51 = arith.muli %arg1, %mul3A_50 : i32
        %mul3A_52 = arith.constant 128 : i32
        %mul3A_53 = arith.muli %scan3A_48, %mul3A_52 : i32
        %add3A = arith.addi %mul3A_51, %mul3A_53 : i32
        "tpu.region"() ({
          %run_scoped3A = tpu.sem_alloc : memref<!tpu.dma_semaphore, #tpu.memory_space<semaphore_mem>>
          %dma_start3A_59 = tpu.memref_slice %arg8[%add3A] : memref<641024xi32, #tpu.memory_space<hbm>> -> memref<128xi32, #tpu.memory_space<hbm>>
          %dma_start3A_60 = tpu.memref_slice %arg8[%add3A] : memref<641024xi32, #tpu.memory_space<hbm>> -> memref<128xi32, #tpu.memory_space<hbm>>
          tpu.enqueue_dma source(%dma_start3A_60 : memref<128xi32, #tpu.memory_space<hbm>>) target(%arg17 : memref<128xi32, #tpu.memory_space<vmem>>) target_semaphore(%run_scoped3A : memref<!tpu.dma_semaphore, #tpu.memory_space<semaphore_mem>>)
          %dma_wait3A_61 = tpu.memref_slice %arg8[%add3A] : memref<641024xi32, #tpu.memory_space<hbm>> -> memref<128xi32, #tpu.memory_space<hbm>>
          %dma_wait3A_62 = tpu.memref_slice %arg8[%add3A] : memref<641024xi32, #tpu.memory_space<hbm>> -> memref<128xi32, #tpu.memory_space<hbm>>
          tpu.wait_dma2 semaphore(%run_scoped3A : memref<!tpu.dma_semaphore, #tpu.memory_space<semaphore_mem>>) src(%dma_wait3A_62 : memref<128xi32, #tpu.memory_space<hbm>>) dst(%arg17 : memref<128xi32, #tpu.memory_space<vmem>>)
          tpu.yield
        }) : () -> ()
        "tpu.region"() ({
          %run_scoped3A = tpu.sem_alloc : memref<!tpu.dma_semaphore, #tpu.memory_space<semaphore_mem>>
          %dma_start3A_59 = tpu.memref_slice %arg9[%add3A] : memref<641024xi32, #tpu.memory_space<hbm>> -> memref<128xi32, #tpu.memory_space<hbm>>
          %dma_start3A_60 = tpu.memref_slice %arg9[%add3A] : memref<641024xi32, #tpu.memory_space<hbm>> -> memref<128xi32, #tpu.memory_space<hbm>>
          tpu.enqueue_dma source(%dma_start3A_60 : memref<128xi32, #tpu.memory_space<hbm>>) target(%arg18 : memref<128xi32, #tpu.memory_space<vmem>>) target_semaphore(%run_scoped3A : memref<!tpu.dma_semaphore, #tpu.memory_space<semaphore_mem>>)
          %dma_wait3A_61 = tpu.memref_slice %arg9[%add3A] : memref<641024xi32, #tpu.memory_space<hbm>> -> memref<128xi32, #tpu.memory_space<hbm>>
          %dma_wait3A_62 = tpu.memref_slice %arg9[%add3A] : memref<641024xi32, #tpu.memory_space<hbm>> -> memref<128xi32, #tpu.memory_space<hbm>>
          tpu.wait_dma2 semaphore(%run_scoped3A : memref<!tpu.dma_semaphore, #tpu.memory_space<semaphore_mem>>) src(%dma_wait3A_62 : memref<128xi32, #tpu.memory_space<hbm>>) dst(%arg18 : memref<128xi32, #tpu.memory_space<vmem>>)
          tpu.yield
        }) : () -> ()
        %dma_start3A = arith.constant 0 : i32
        %dma_start3A_54 = arith.constant 0 : i32
        %dma_start3A_55 = tpu.memref_slice %arg5[%dma_start3A, %dma_start3A_54] : memref<10112x64xf32, #tpu.memory_space<hbm>> -> memref<10112x64xf32, #tpu.memory_space<hbm>>
        tpu.enqueue_indirect_dma source(%dma_start3A_55 : memref<10112x64xf32, #tpu.memory_space<hbm>>) target(%arg19 : memref<128x64xf32, #tpu.memory_space<vmem>>) offsets(%arg17 : memref<128xi32, #tpu.memory_space<vmem>>) semaphore(%arg25 : memref<!tpu.dma_semaphore, #tpu.memory_space<semaphore_mem>>)
        %dma_wait3A = arith.constant 0 : i32
        %dma_wait3A_56 = arith.constant 0 : i32
        %dma_wait3A_57 = tpu.memref_slice %arg5[%dma_wait3A, %dma_wait3A_56] : memref<10112x64xf32, #tpu.memory_space<hbm>> -> memref<10112x64xf32, #tpu.memory_space<hbm>>
        tpu.wait_indirect_dma semaphore(%arg25 : memref<!tpu.dma_semaphore, #tpu.memory_space<semaphore_mem>>) src(%dma_wait3A_57 : memref<10112x64xf32, #tpu.memory_space<hbm>>) dst(%arg19 : memref<128x64xf32, #tpu.memory_space<vmem>>)
        "tpu.region"() ({
          %run_scoped3A = tpu.sem_alloc : memref<!tpu.dma_semaphore, #tpu.memory_space<semaphore_mem>>
          %dma_start3A_59 = arith.constant 0 : i32
          %dma_start3A_60 = arith.constant 0 : i32
          %dma_start3A_61 = tpu.memref_slice %arg23[%dma_start3A_59, %dma_start3A_60] : memref<10112x64xf32, #tpu.memory_space<vmem_shared>> -> memref<10112x64xf32, #tpu.memory_space<vmem_shared>>
          tpu.enqueue_indirect_dma source(%arg19 : memref<128x64xf32, #tpu.memory_space<vmem>>) target(%dma_start3A_61 : memref<10112x64xf32, #tpu.memory_space<vmem_shared>>) offsets(%arg18 : memref<128xi32, #tpu.memory_space<vmem>>) semaphore(%run_scoped3A : memref<!tpu.dma_semaphore, #tpu.memory_space<semaphore_mem>>) {add = true}
          %dma_wait3A_62 = arith.constant 0 : i32
          %dma_wait3A_63 = arith.constant 0 : i32
          %dma_wait3A_64 = tpu.memref_slice %arg23[%dma_wait3A_62, %dma_wait3A_63] : memref<10112x64xf32, #tpu.memory_space<vmem_shared>> -> memref<10112x64xf32, #tpu.memory_space<vmem_shared>>
          tpu.wait_indirect_dma semaphore(%run_scoped3A : memref<!tpu.dma_semaphore, #tpu.memory_space<semaphore_mem>>) src(%arg19 : memref<128x64xf32, #tpu.memory_space<vmem>>) dst(%dma_wait3A_64 : memref<10112x64xf32, #tpu.memory_space<vmem_shared>>)
          tpu.yield
        }) : () -> ()
        %scan3A_58 = arith.constant 0 : i32
        scf.yield %scan3A_58 : i32
      }
      %scan3A_47 = arith.constant 313 : i32
    } else {
    }
    %barrier3A_31 = arith.constant 0 : index
    tpu.barrier barrier_id(%barrier3A_31)
    "tpu.region"() ({
      %run_scoped3A = tpu.sem_alloc : memref<!tpu.dma_semaphore, #tpu.memory_space<semaphore_mem>>
      %dma_start3A = arith.constant 0 : i32
      %dma_start3A_42 = tpu.memref_slice %arg23[%mul3A_0, %dma_start3A] : memref<10112x64xf32, #tpu.memory_space<vmem_shared>> -> memref<632x64xf32, #tpu.memory_space<vmem_shared>>
      %dma_start3A_43 = arith.constant 0 : i32
      %dma_start3A_44 = tpu.memref_slice %arg23[%mul3A_0, %dma_start3A_43] : memref<10112x64xf32, #tpu.memory_space<vmem_shared>> -> memref<632x64xf32, #tpu.memory_space<vmem_shared>>
      tpu.enqueue_dma source(%dma_start3A_44 : memref<632x64xf32, #tpu.memory_space<vmem_shared>>) target(%arg21 : memref<632x64xf32, #tpu.memory_space<vmem>>) target_semaphore(%run_scoped3A : memref<!tpu.dma_semaphore, #tpu.memory_space<semaphore_mem>>)
      %dma_wait3A = arith.constant 0 : i32
      %dma_wait3A_45 = tpu.memref_slice %arg23[%mul3A_0, %dma_wait3A] : memref<10112x64xf32, #tpu.memory_space<vmem_shared>> -> memref<632x64xf32, #tpu.memory_space<vmem_shared>>
      %dma_wait3A_46 = arith.constant 0 : i32
      %dma_wait3A_47 = tpu.memref_slice %arg23[%mul3A_0, %dma_wait3A_46] : memref<10112x64xf32, #tpu.memory_space<vmem_shared>> -> memref<632x64xf32, #tpu.memory_space<vmem_shared>>
      tpu.wait_dma2 semaphore(%run_scoped3A : memref<!tpu.dma_semaphore, #tpu.memory_space<semaphore_mem>>) src(%dma_wait3A_47 : memref<632x64xf32, #tpu.memory_space<vmem_shared>>) dst(%arg21 : memref<632x64xf32, #tpu.memory_space<vmem>>)
      tpu.yield
    }) : () -> ()
    %eq3A_32 = arith.constant 0 : i32
    %eq3A_33 = arith.cmpi eq, %arg0, %eq3A_32 : i32
    %convert_element_type3A_34 = arith.extui %eq3A_33 : i1 to i32
    %cond3A_35 = arith.constant 0 : i32
    %cond3A_36 = arith.cmpi ne, %convert_element_type3A_34, %cond3A_35 : i32
    scf.if %cond3A_36 {
      "tpu.region"() ({
        %run_scoped3A = tpu.sem_alloc : memref<!tpu.dma_semaphore, #tpu.memory_space<semaphore_mem>>
        %dma_start3A = arith.constant 0 : i32
        %dma_start3A_42 = tpu.memref_slice %arg14[%mul3A_0, %dma_start3A] : memref<10112x64xf32, #tpu.memory_space<hbm>> -> memref<632x64xf32, #tpu.memory_space<hbm>>
        %dma_start3A_43 = arith.constant 0 : i32
        %dma_start3A_44 = tpu.memref_slice %arg14[%mul3A_0, %dma_start3A_43] : memref<10112x64xf32, #tpu.memory_space<hbm>> -> memref<632x64xf32, #tpu.memory_space<hbm>>
        tpu.enqueue_dma source(%arg21 : memref<632x64xf32, #tpu.memory_space<vmem>>) target(%dma_start3A_44 : memref<632x64xf32, #tpu.memory_space<hbm>>) target_semaphore(%run_scoped3A : memref<!tpu.dma_semaphore, #tpu.memory_space<semaphore_mem>>)
        %dma_wait3A = arith.constant 0 : i32
        %dma_wait3A_45 = tpu.memref_slice %arg14[%mul3A_0, %dma_wait3A] : memref<10112x64xf32, #tpu.memory_space<hbm>> -> memref<632x64xf32, #tpu.memory_space<hbm>>
        %dma_wait3A_46 = arith.constant 0 : i32
        %dma_wait3A_47 = tpu.memref_slice %arg14[%mul3A_0, %dma_wait3A_46] : memref<10112x64xf32, #tpu.memory_space<hbm>> -> memref<632x64xf32, #tpu.memory_space<hbm>>
        tpu.wait_dma2 semaphore(%run_scoped3A : memref<!tpu.dma_semaphore, #tpu.memory_space<semaphore_mem>>) src(%arg21 : memref<632x64xf32, #tpu.memory_space<vmem>>) dst(%dma_wait3A_47 : memref<632x64xf32, #tpu.memory_space<hbm>>)
        tpu.yield
      }) : () -> ()
    } else {
    }
    %eq3A_37 = arith.constant 1 : i32
    %eq3A_38 = arith.cmpi eq, %arg0, %eq3A_37 : i32
    %convert_element_type3A_39 = arith.extui %eq3A_38 : i1 to i32
    %cond3A_40 = arith.constant 0 : i32
    %cond3A_41 = arith.cmpi ne, %convert_element_type3A_39, %cond3A_40 : i32
    scf.if %cond3A_41 {
      "tpu.region"() ({
        %run_scoped3A = tpu.sem_alloc : memref<!tpu.dma_semaphore, #tpu.memory_space<semaphore_mem>>
        %dma_start3A = arith.constant 0 : i32
        %dma_start3A_42 = tpu.memref_slice %arg16[%mul3A_0, %dma_start3A] : memref<10112x64xf32, #tpu.memory_space<hbm>> -> memref<632x64xf32, #tpu.memory_space<hbm>>
        %dma_start3A_43 = arith.constant 0 : i32
        %dma_start3A_44 = tpu.memref_slice %arg16[%mul3A_0, %dma_start3A_43] : memref<10112x64xf32, #tpu.memory_space<hbm>> -> memref<632x64xf32, #tpu.memory_space<hbm>>
        tpu.enqueue_dma source(%arg21 : memref<632x64xf32, #tpu.memory_space<vmem>>) target(%dma_start3A_44 : memref<632x64xf32, #tpu.memory_space<hbm>>) target_semaphore(%run_scoped3A : memref<!tpu.dma_semaphore, #tpu.memory_space<semaphore_mem>>)
        %dma_wait3A = arith.constant 0 : i32
        %dma_wait3A_45 = tpu.memref_slice %arg16[%mul3A_0, %dma_wait3A] : memref<10112x64xf32, #tpu.memory_space<hbm>> -> memref<632x64xf32, #tpu.memory_space<hbm>>
        %dma_wait3A_46 = arith.constant 0 : i32
        %dma_wait3A_47 = tpu.memref_slice %arg16[%mul3A_0, %dma_wait3A_46] : memref<10112x64xf32, #tpu.memory_space<hbm>> -> memref<632x64xf32, #tpu.memory_space<hbm>>
        tpu.wait_dma2 semaphore(%run_scoped3A : memref<!tpu.dma_semaphore, #tpu.memory_space<semaphore_mem>>) src(%arg21 : memref<632x64xf32, #tpu.memory_space<vmem>>) dst(%dma_wait3A_47 : memref<632x64xf32, #tpu.memory_space<hbm>>)
        tpu.yield
      }) : () -> ()
    } else {
    }
    return
  }
}

module attributes {stable_mosaic.version = 14 : i64} {
  func.func @_tc_dense_body(%arg0: i32, %arg1: memref<632x128xf32, #tpu.memory_space<vmem>>, %arg2: memref<632x16xf32, #tpu.memory_space<vmem>>, %arg3: memref<632x128xf32, #tpu.memory_space<vmem>>, %arg4: memref<632x16xf32, #tpu.memory_space<vmem>>, %arg5: memref<128x128xf32, #tpu.memory_space<vmem>>, %arg6: memref<128x128xf32, #tpu.memory_space<vmem>>, %arg7: memref<128x128xf32, #tpu.memory_space<vmem>>, %arg8: memref<1x128xf32, #tpu.memory_space<vmem>>, %arg9: memref<632x128xf32, #tpu.memory_space<vmem>>, %arg10: memref<632x128xf32, #tpu.memory_space<vmem>>) attributes {dimension_semantics = [#tpu.dimension_semantics<arbitrary>], iteration_bounds = array<i64: 16>, scalar_prefetch = 0 : i64, scratch_operands = 0 : i64, tpu.core_type = #tpu.core_type<tc>, window_params = [{transform_indices = @transform_0, window_bounds = array<i64: 632, 128>}, {transform_indices = @transform_1, window_bounds = array<i64: 632, 16>}, {transform_indices = @transform_2, window_bounds = array<i64: 632, 128>}, {transform_indices = @transform_3, window_bounds = array<i64: 632, 16>}, {pipeline_mode = #tpu.pipeline_mode<synchronous>, transform_indices = @transform_4, window_bounds = array<i64: 128, 128>}, {pipeline_mode = #tpu.pipeline_mode<synchronous>, transform_indices = @transform_5, window_bounds = array<i64: 128, 128>}, {pipeline_mode = #tpu.pipeline_mode<synchronous>, transform_indices = @transform_6, window_bounds = array<i64: 128, 128>}, {pipeline_mode = #tpu.pipeline_mode<synchronous>, transform_indices = @transform_7, window_bounds = array<i64: 1, 128>}, {transform_indices = @transform_8, window_bounds = array<i64: 632, 128>}, {transform_indices = @transform_9, window_bounds = array<i64: 632, 128>}]} {
    %get3A = arith.constant 0 : index
    %get3A_0 = arith.constant 0 : index
    %get3A_1 = vector.load %arg2[%get3A, %get3A_0] : memref<632x16xf32, #tpu.memory_space<vmem>>, vector<632x1xf32>
    %max3A = arith.constant 1.000000e+00 : f32
    %max3A_2 = vector.broadcast %max3A : f32 to vector<632x1xf32>
    %max3A_3 = arith.maximumf %get3A_1, %max3A_2 : vector<632x1xf32>
    %div3A = arith.constant 1.000000e+00 : f32
    %div3A_4 = vector.broadcast %div3A : f32 to vector<632x1xf32>
    %div3A_5 = arith.divf %div3A_4, %max3A_3 : vector<632x1xf32>
    %get3A_6 = arith.constant 0 : index
    %get3A_7 = arith.constant 0 : index
    %get3A_8 = vector.load %arg1[%get3A_6, %get3A_7] : memref<632x128xf32, #tpu.memory_space<vmem>>, vector<632x128xf32>
    %mul3A = vector.broadcast %div3A_5 : vector<632x1xf32> to vector<632x128xf32>
    %mul3A_9 = arith.mulf %get3A_8, %mul3A : vector<632x128xf32>
    %get3A_10 = arith.constant 0 : index
    %get3A_11 = arith.constant 0 : index
    %get3A_12 = vector.load %arg5[%get3A_10, %get3A_11] : memref<128x128xf32, #tpu.memory_space<vmem>>, vector<128x128xf32>
    %dot_general3A = arith.constant dense<0.000000e+00> : vector<632x128xf32>
    %dot_general3A_13 = tpu.matmul %mul3A_9, %get3A_12, %dot_general3A {dimension_numbers = #tpu.dot_dimension_numbers<[1], [0], [0], [1], [0, 0, 1, 1], [], []>, precision = #tpu.contract_precision<fp32>, transpose_lhs_hint = false} : vector<632x128xf32>, vector<128x128xf32>, vector<632x128xf32> -> vector<632x128xf32>
    %swap3A = arith.constant 0 : index
    %swap3A_14 = arith.constant 0 : index
    %swap3A_15 = vector.load %arg9[%swap3A, %swap3A_14] : memref<632x128xf32, #tpu.memory_space<vmem>>, vector<632x128xf32>
    tpu.vector_store %arg9[%swap3A, %swap3A_14], %dot_general3A_13 {strides = array<i32>} : memref<632x128xf32, #tpu.memory_space<vmem>>, vector<632x128xf32>,
    %get3A_16 = arith.constant 0 : index
    %get3A_17 = arith.constant 0 : index
    %get3A_18 = vector.load %arg4[%get3A_16, %get3A_17] : memref<632x16xf32, #tpu.memory_space<vmem>>, vector<632x1xf32>
    %max3A_19 = arith.constant 1.000000e+00 : f32
    %max3A_20 = vector.broadcast %max3A_19 : f32 to vector<632x1xf32>
    %max3A_21 = arith.maximumf %get3A_18, %max3A_20 : vector<632x1xf32>
    %div3A_22 = arith.constant 1.000000e+00 : f32
    %div3A_23 = vector.broadcast %div3A_22 : f32 to vector<632x1xf32>
    %div3A_24 = arith.divf %div3A_23, %max3A_21 : vector<632x1xf32>
    %get3A_25 = arith.constant 0 : index
    %get3A_26 = arith.constant 0 : index
    %get3A_27 = vector.load %arg6[%get3A_25, %get3A_26] : memref<128x128xf32, #tpu.memory_space<vmem>>, vector<128x128xf32>
    %get3A_28 = arith.constant 0 : index
    %get3A_29 = arith.constant 0 : index
    %get3A_30 = vector.load %arg7[%get3A_28, %get3A_29] : memref<128x128xf32, #tpu.memory_space<vmem>>, vector<128x128xf32>
    %dot_general3A_31 = arith.constant dense<0.000000e+00> : vector<128x128xf32>
    %dot_general3A_32 = tpu.matmul %get3A_27, %get3A_30, %dot_general3A_31 {dimension_numbers = #tpu.dot_dimension_numbers<[1], [0], [0], [1], [0, 0, 1, 1], [], []>, precision = #tpu.contract_precision<fp32>, transpose_lhs_hint = false} : vector<128x128xf32>, vector<128x128xf32>, vector<128x128xf32> -> vector<128x128xf32>
    %get3A_33 = arith.constant 0 : index
    %get3A_34 = arith.constant 0 : index
    %get3A_35 = vector.load %arg3[%get3A_33, %get3A_34] : memref<632x128xf32, #tpu.memory_space<vmem>>, vector<632x128xf32>
    %mul3A_36 = vector.broadcast %div3A_24 : vector<632x1xf32> to vector<632x128xf32>
    %mul3A_37 = arith.mulf %get3A_35, %mul3A_36 : vector<632x128xf32>
    %dot_general3A_38 = arith.constant dense<0.000000e+00> : vector<632x128xf32>
    %dot_general3A_39 = tpu.matmul %mul3A_37, %dot_general3A_32, %dot_general3A_38 {dimension_numbers = #tpu.dot_dimension_numbers<[1], [0], [0], [1], [0, 0, 1, 1], [], []>, precision = #tpu.contract_precision<fp32>, transpose_lhs_hint = false} : vector<632x128xf32>, vector<128x128xf32>, vector<632x128xf32> -> vector<632x128xf32>
    %get3A_40 = arith.constant 0 : index
    %get3A_41 = arith.constant 0 : index
    %get3A_42 = vector.load %arg8[%get3A_40, %get3A_41] : memref<1x128xf32, #tpu.memory_space<vmem>>, vector<1x128xf32>
    %add3A = vector.broadcast %get3A_42 : vector<1x128xf32> to vector<632x128xf32>
    %add3A_43 = arith.addf %dot_general3A_39, %add3A : vector<632x128xf32>
    %swap3A_44 = arith.constant 0 : index
    %swap3A_45 = arith.constant 0 : index
    %swap3A_46 = vector.load %arg10[%swap3A_44, %swap3A_45] : memref<632x128xf32, #tpu.memory_space<vmem>>, vector<632x128xf32>
    tpu.vector_store %arg10[%swap3A_44, %swap3A_45], %add3A_43 {strides = array<i32>} : memref<632x128xf32, #tpu.memory_space<vmem>>, vector<632x128xf32>,
    return
  }
  func.func @transform_0(%arg0: i32) -> (i32, i32) {
    %c0_i32 = arith.constant 0 : i32
    %c0_i32_0 = arith.constant 0 : i32
    return %arg0, %c0_i32 : i32, i32
  }
  func.func @transform_1(%arg0: i32) -> (i32, i32) {
    %c0_i32 = arith.constant 0 : i32
    %c0_i32_0 = arith.constant 0 : i32
    return %arg0, %c0_i32 : i32, i32
  }
  func.func @transform_2(%arg0: i32) -> (i32, i32) {
    %c0_i32 = arith.constant 0 : i32
    %c0_i32_0 = arith.constant 0 : i32
    return %arg0, %c0_i32 : i32, i32
  }
  func.func @transform_3(%arg0: i32) -> (i32, i32) {
    %c0_i32 = arith.constant 0 : i32
    %c0_i32_0 = arith.constant 0 : i32
    return %arg0, %c0_i32 : i32, i32
  }
  func.func @transform_4(%arg0: i32) -> (i32, i32) {
    %c0_i32 = arith.constant 0 : i32
    %c0_i32_0 = arith.constant 0 : i32
    %c0_i32_1 = arith.constant 0 : i32
    return %c0_i32, %c0_i32_0 : i32, i32
  }
  func.func @transform_5(%arg0: i32) -> (i32, i32) {
    %c0_i32 = arith.constant 0 : i32
    %c0_i32_0 = arith.constant 0 : i32
    %c0_i32_1 = arith.constant 0 : i32
    return %c0_i32, %c0_i32_0 : i32, i32
  }
  func.func @transform_6(%arg0: i32) -> (i32, i32) {
    %c0_i32 = arith.constant 0 : i32
    %c0_i32_0 = arith.constant 0 : i32
    %c0_i32_1 = arith.constant 0 : i32
    return %c0_i32, %c0_i32_0 : i32, i32
  }
  func.func @transform_7(%arg0: i32) -> (i32, i32) {
    %c0_i32 = arith.constant 0 : i32
    %c0_i32_0 = arith.constant 0 : i32
    %c0_i32_1 = arith.constant 0 : i32
    return %c0_i32, %c0_i32_0 : i32, i32
  }
  func.func @transform_8(%arg0: i32) -> (i32, i32) {
    %c0_i32 = arith.constant 0 : i32
    %c0_i32_0 = arith.constant 0 : i32
    return %arg0, %c0_i32 : i32, i32
  }
  func.func @transform_9(%arg0: i32) -> (i32, i32) {
    %c0_i32 = arith.constant 0 : i32
    %c0_i32_0 = arith.constant 0 : i32
    return %arg0, %c0_i32 : i32, i32
  }
}

module attributes {stable_mosaic.version = 14 : i64} {
  func.func @_tc_head_body(%arg0: i32, %arg1: memref<2048x128xf32, #tpu.memory_space<vmem>>, %arg2: memref<2048x128xf32, #tpu.memory_space<vmem>>, %arg3: memref<128x2xf32, #tpu.memory_space<vmem>>, %arg4: memref<1x2xf32, #tpu.memory_space<vmem>>, %arg5: memref<2048x1xf32, #tpu.memory_space<vmem>>) attributes {dimension_semantics = [#tpu.dimension_semantics<arbitrary>], iteration_bounds = array<i64: 50>, scalar_prefetch = 0 : i64, scratch_operands = 0 : i64, tpu.core_type = #tpu.core_type<tc>, window_params = [{transform_indices = @transform_0, window_bounds = array<i64: 2048, 128>}, {transform_indices = @transform_1, window_bounds = array<i64: 2048, 128>}, {pipeline_mode = #tpu.pipeline_mode<synchronous>, transform_indices = @transform_2, window_bounds = array<i64: 128, 2>}, {pipeline_mode = #tpu.pipeline_mode<synchronous>, transform_indices = @transform_3, window_bounds = array<i64: 1, 2>}, {transform_indices = @transform_4, window_bounds = array<i64: 2048, 1>}]} {
    %get3A = arith.constant 0 : index
    %get3A_0 = arith.constant 0 : index
    %get3A_1 = vector.load %arg3[%get3A, %get3A_0] : memref<128x2xf32, #tpu.memory_space<vmem>>, vector<128x2xf32>
    %reduce_sum3A = arith.constant dense<0.000000e+00> : vector<128xf32>
    %reduce_sum3A_2 = vector.multi_reduction <add>, %get3A_1, %reduce_sum3A [1] : vector<128x2xf32> to vector<128xf32>
    %get3A_3 = arith.constant 0 : index
    %get3A_4 = arith.constant 0 : index
    %get3A_5 = vector.load %arg4[%get3A_3, %get3A_4] : memref<1x2xf32, #tpu.memory_space<vmem>>, vector<1x2xf32>
    %reduce_sum3A_6 = vector.shape_cast %get3A_5 : vector<1x2xf32> to vector<1x1x2xf32>
    %reduce_sum3A_7 = arith.constant dense<0.000000e+00> : vector<1xf32>
    %reduce_sum3A_8 = vector.multi_reduction <add>, %reduce_sum3A_6, %reduce_sum3A_7 [1, 2] : vector<1x1x2xf32> to vector<1xf32>
    %reduce_sum3A_9 = vector.shape_cast %reduce_sum3A_8 : vector<1xf32> to vector<1x1x1xf32>
    %reduce_sum3A_10 = vector.extract %reduce_sum3A_9[0, 0, 0] : f32 from vector<1x1x1xf32>
    %get3A_11 = arith.constant 0 : index
    %get3A_12 = arith.constant 0 : index
    %get3A_13 = vector.load %arg1[%get3A_11, %get3A_12] : memref<2048x128xf32, #tpu.memory_space<vmem>>, vector<2048x128xf32>
    %get3A_14 = arith.constant 0 : index
    %get3A_15 = arith.constant 0 : index
    %get3A_16 = vector.load %arg2[%get3A_14, %get3A_15] : memref<2048x128xf32, #tpu.memory_space<vmem>>, vector<2048x128xf32>
    %mul3A = arith.mulf %get3A_13, %get3A_16 : vector<2048x128xf32>
    %broadcast_in_dim3A = vector.shape_cast %reduce_sum3A_2 : vector<128xf32> to vector<1x128xf32>
    %mul3A_17 = vector.broadcast %broadcast_in_dim3A : vector<1x128xf32> to vector<2048x128xf32>
    %mul3A_18 = arith.mulf %mul3A, %mul3A_17 : vector<2048x128xf32>
    %reduce_sum3A_19 = arith.constant dense<0.000000e+00> : vector<2048xf32>
    %reduce_sum3A_20 = vector.multi_reduction <add>, %mul3A_18, %reduce_sum3A_19 [1] : vector<2048x128xf32> to vector<2048xf32>
    %broadcast_in_dim3A_21 = vector.shape_cast %reduce_sum3A_20 : vector<2048xf32> to vector<2048x1xf32>
    %add3A = vector.broadcast %reduce_sum3A_10 : f32 to vector<2048x1xf32>
    %add3A_22 = arith.addf %broadcast_in_dim3A_21, %add3A : vector<2048x1xf32>
    %swap3A = arith.constant 0 : index
    %swap3A_23 = arith.constant 0 : index
    %swap3A_24 = vector.load %arg5[%swap3A, %swap3A_23] : memref<2048x1xf32, #tpu.memory_space<vmem>>, vector<2048x1xf32>
    tpu.vector_store %arg5[%swap3A, %swap3A_23], %add3A_22 {strides = array<i32>} : memref<2048x1xf32, #tpu.memory_space<vmem>>, vector<2048x1xf32>,
    return
  }
  func.func @transform_0(%arg0: i32) -> (i32, i32) {
    %c0_i32 = arith.constant 0 : i32
    %c0_i32_0 = arith.constant 0 : i32
    return %arg0, %c0_i32 : i32, i32
  }
  func.func @transform_1(%arg0: i32) -> (i32, i32) {
    %c0_i32 = arith.constant 0 : i32
    %c0_i32_0 = arith.constant 0 : i32
    return %arg0, %c0_i32 : i32, i32
  }
  func.func @transform_2(%arg0: i32) -> (i32, i32) {
    %c0_i32 = arith.constant 0 : i32
    %c0_i32_0 = arith.constant 0 : i32
    %c0_i32_1 = arith.constant 0 : i32
    return %c0_i32, %c0_i32_0 : i32, i32
  }
  func.func @transform_3(%arg0: i32) -> (i32, i32) {
    %c0_i32 = arith.constant 0 : i32
    %c0_i32_0 = arith.constant 0 : i32
    %c0_i32_1 = arith.constant 0 : i32
    return %c0_i32, %c0_i32_0 : i32, i32
  }
  func.func @transform_4(%arg0: i32) -> (i32, i32) {
    %c0_i32 = arith.constant 0 : i32
    %c0_i32_0 = arith.constant 0 : i32
    return %arg0, %c0_i32 : i32, i32
  }
}

</mosaic_0001>

<sc_bundles>
// kernel: kernel.11.cloned.1.call-start
scs
__scs_entry_jumppad:
0x0: {  	(pc) =	sbr.rel $0x88, $3  }
0x1: {  	(tag) =	ssettag $0x0;
	lr =	simm.s32 $0x1  }
0x2: {  	[smem:$0x3F92] =	sst lr;
	_ =	strace $0xD0000000  }
0x3: {  	_ = 	snop  }
0x4: {  	_ = 	snop  }
0x5: {  	_ = 	snop  }
0x6: {  	_ = 	snop  }
0x7: {  	_ = 	snop  }
__scs_overlays_trampoline_lowered:
0x8: {  	[smem:$0x3FA1] =	sst s0  }
0x9: {  	[smem:$0x3FA2] =	sst s1  }
0xa: {  	[smem:$0x3FA3] =	sst s2  }
0xb: {  	[smem:$0x3FA4] =	sst s3  }
0xc: {  	[smem:$0x3FA5] =	sst s4  }
0xd: {  	[smem:$0x3FA6] =	sst s5  }
0xe: {  	[smem:$0x3FA7] =	sst s6  }
0xf: {  	[smem:$0x3FA8] =	sst s7  }
0x10: {  	[smem:$0x3FA9] =	sst s8  }
0x11: {  	[smem:$0x3FAA] =	sst s9;
	s0 =	simm.s32 @!p0 $0x0  }
0x12: {  	s1 =	sld [smem:$0x3F90];
	s0 =	simm.s32 @p0 $0x1  }
0x13: {  	[smem:$0x3FAB] =	sst s0;
	s0 =	simm.s32 @!p1 $0x0  }
0x14: {  	s2 =	sld [smem:$0x3F8F];
	s0 =	simm.s32 @p1 $0x1  }
0x15: {  	[smem:$0x3FAC] =	sst s0;
	s0 =	simm.s32 @!p2 $0x0  }
0x16: {  	s3 =	sld [smem:$0x3FDB];
	s0 =	simm.s32 @p2 $0x1  }
0x17: {  	s4 =	simm.s32 $0x1BF5;
	[smem:$0x3FAE] =	sst s0  }
0x18: {  	s0 =	sld [smem:$0x3F91];
	_ =	swait.ge [sflag:s4], $0x0  }
0x19: {  	s7 =	sld [smem:$0x3F92]  }
0x1a: {  	s8 =	sadd.s32 $0xFFFFE003, lr  }
0x1b: {  	s9 =	sadd.s32 $0xFFFFFEF7, lr;
	s5 =	simm.s32 $0xFFFFFFFF;
	p2 =	slt.u32 s8, $0xFFFFF086  }
0x1c: {  	p1 =	slt.u32 s9, $0xF7A;
	s5 =	simm.s32 @!p2 $0x0  }
0x1d: {  	s5 =	simm.s32 @p1 $0x1;
	p0 =	seq.s32 s7, s2  }
0x1e: {  	s7 =	smul.u32 @!p0 $0xF7A, s2;
	p2 =	seq.s32 @!p0 s5, $0x0  }
0x1f: {  	s9 =	smul.u32 $0xF7A, s1;
	s8 =	simm.s32 @!p0 $0x1BF5;
	p2 =	por !p2, p0  }
0x20: {  	[sflag:s8] =	ssyncset.s32 @!p0 $0xFFFFF086;
	s6 =	sadd.s32 @!p0 s3, s7;
	s7 =	simm.s32 @!p0 $0x108  }
0x21: {  	s3 =	sadd.s32 s3, s9;
	s6 =	sadd.s32 @!p0 $0x88, s6;
	s7 =	simm.s32 @p2 $0x1082  }
0x22: {  	[simem:s7], [sflag:s8] =	dma.local @!p0 [hbm:s6], $0xF7A  }
0x23: {  	s9 =	sor.u32 $0xD0000000, s2;
	s6 =	simm.s32 $0x108;
	_ =	swait.ge @!p0 [sflag:s8], $0x0  }
0x24: {  	s3 =	sadd.s32 $0x88, s3;
	s6 =	simm.s32 @!p1 $0x1082;
	[sflag:s4] =	ssyncset.s32 $0xFFFFF086  }
0x25: {  	[simem:s6], [sflag:s4] =	dma.local [hbm:s3], $0xF7A  }
0x26: {  	[smem:$0x3F92] =	sst s1;
	(tag) =	ssettag s2;
	_ =	strace s9  }
0x27: {  	s1 =	sld [smem:$0x3FA2]  }
0x28: {  	s2 =	sld [smem:$0x3FA3]  }
0x29: {  	s4 =	sld [smem:$0x3FA5]  }
0x2a: {  	p0 =	seq.s32 s5, $0x0;
	s5 =	sld [smem:$0x3FA6]  }
0x2b: {  	s6 =	sld [smem:$0x3FA7]  }
0x2c: {  	s7 =	sld [smem:$0x3FA8]  }
0x2d: {  	s3 =	simm.s32 $0x108;
	s8 =	sld [smem:$0x3FA9]  }
0x2e: {  	s3 =	simm.s32 @!p0 $0x1082;
	s9 =	sld [smem:$0x3FAA]  }
0x2f: {  	lr =	sadd.s32 s0, s3;
	s0 =	sld [smem:$0x3FA1]  }
0x30: {  	s3 =	sld [smem:$0x3FA4]  }
0x31: {  	[smem:$0x3FAD] =	sst s10  }
0x32: {  	s10 =	sld [smem:$0x3FAB];
	_ =	sdelay $0x3  }
0x33: {  	p0 =	seq.s32 s10, $0x1;
	s10 =	sld [smem:$0x3FAD];
	_ =	sdelay $0x3  }
0x34: {  	[smem:$0x3FAD] =	sst s10  }
0x35: {  	s10 =	sld [smem:$0x3FAC];
	_ =	sdelay $0x3  }
0x36: {  	p1 =	seq.s32 s10, $0x1;
	s10 =	sld [smem:$0x3FAD];
	_ =	sdelay $0x3  }
0x37: {  	[smem:$0x3FAD] =	sst s10  }
0x38: {  	s10 =	sld [smem:$0x3FAE]  }
0x39: {  	_ = 	snop;
	(pc) =	sbr.ind lr, $3  }
0x3a: {  	_ = 	snop  }
0x3b: {  	_ = 	snop  }
0x3c: {  	p2 =	seq.s32 s10, $0x1;
	s10 =	sld [smem:$0x3FAD]  }
0x3d: {  	_ =	shalt  }
0x3e: {  	_ =	shalt  }
0x3f: {  	_ =	shalt  }
0x40: {  	_ =	shalt  }
0x41: {  	_ =	shalt  }
0x42: {  	_ =	shalt  }
0x43: {  	_ =	shalt  }
0x44: {  	_ =	shalt  }
0x45: {  	_ =	shalt  }
0x46: {  	_ =	shalt  }
0x47: {  	_ =	shalt  }
0x48: {  	_ =	shalt  }
0x49: {  	_ =	shalt  }
0x4a: {  	_ =	shalt  }
0x4b: {  	_ =	shalt  }
0x4c: {  	_ =	shalt  }
0x4d: {  	_ =	shalt  }
0x4e: {  	_ =	shalt  }
0x4f: {  	_ =	shalt  }
0x50: {  	_ =	shalt  }
0x51: {  	_ =	shalt  }
0x52: {  	_ =	shalt  }
0x53: {  	_ =	shalt  }
0x54: {  	_ =	shalt  }
0x55: {  	_ =	shalt  }
0x56: {  	_ =	shalt  }
0x57: {  	_ =	shalt  }
0x58: {  	_ =	shalt  }
0x59: {  	_ =	shalt  }
0x5a: {  	_ =	shalt  }
0x5b: {  	_ =	shalt  }
0x5c: {  	_ =	shalt  }
0x5d: {  	_ =	shalt  }
0x5e: {  	_ =	shalt  }
0x5f: {  	_ =	shalt  }
0x60: {  	_ =	shalt  }
0x61: {  	_ =	shalt  }
0x62: {  	_ =	shalt  }
0x63: {  	_ =	shalt  }
0x64: {  	_ =	shalt  }
0x65: {  	_ =	shalt  }
0x66: {  	_ =	shalt  }
0x67: {  	_ =	shalt  }
0x68: {  	_ =	shalt  }
0x69: {  	_ =	shalt  }
0x6a: {  	_ =	shalt  }
0x6b: {  	_ =	shalt  }
0x6c: {  	_ =	shalt  }
0x6d: {  	_ =	shalt  }
0x6e: {  	_ =	shalt  }
0x6f: {  	_ =	shalt  }
0x70: {  	_ =	shalt  }
0x71: {  	_ =	shalt  }
0x72: {  	_ =	shalt  }
0x73: {  	_ =	shalt  }
0x74: {  	_ =	shalt  }
0x75: {  	_ =	shalt  }
0x76: {  	_ =	shalt  }
0x77: {  	_ =	shalt  }
0x78: {  	_ =	shalt  }
0x79: {  	_ =	shalt  }
0x7a: {  	_ =	shalt  }
0x7b: {  	_ =	shalt  }
0x7c: {  	_ =	shalt  }
0x7d: {  	_ =	shalt  }
0x7e: {  	_ =	shalt  }
0x7f: {  	_ =	shalt  }
0x80: {  	_ =	shalt  }
0x81: {  	_ =	shalt  }
0x82: {  	_ =	shalt  }
0x83: {  	_ =	shalt  }
0x84: {  	_ =	shalt  }
0x85: {  	_ =	shalt  }
0x86: {  	_ =	shalt  }
0x87: {  	_ =	shalt  }
.Lfunc_end0:
.L_simem_size_0:
called_computation.1_lowered:
.L_overlay_start_0:
0x88: {  	s2 =	sld [smem:$0x3FD9]  }
0x89: {  	s3 =	sld [smem:$0x3FFE];
	_ =	sdelay $0x1  }
0x8a: {  	s1 =	srdreg.scid  }
0x8b: {  	s0 =	sand.u32 $0x1, s1  }
0x8c: {  	s14 =	sshll.u32 s0, $0xA;
	s2 =	sadd.s32 s3, s2  }
0x8d: {  	s2 =	sadd.s32 s2, s14  }
0x8e: {  	[smem:$0x3FB9] =	sst s2  }
0x8f: {  	_ = 	snop  }
0x90: {  	s2 =	sld [smem:$0x3FD0];
	_ =	sdelay $0x2  }
0x91: {  	s15 =	simm.s32 $0xA;
	s4 =	simm.s32 $0x10  }
0x92: {  	[smem:s4], [sflag:s15] =	dma.local [hbm:s2], $0x1  }
0x93: {  	_ =	swait.eq [sflag:s15], $0x1  }
0x94: {  	s16 =	sld [smem:$0x11]  }
0x95: {  	s17 =	sld [smem:$0x12];
	[sflag:s15] =	ssyncset.done $0x0  }
0x96: {  	s5 =	sld [smem:$0x13];
	[sflag:s15] =	ssyncadd.s32 $0xFFFFFFFF  }
0x97: {  	s18 =	sld [smem:$0x14];
	(tm) =	ssettm $0x1  }
0x98: {  	s6 =	sld [smem:$0x3FFB];
	_ =	sdelay $0x3  }
0x99: {  	_ =	strace s6  }
0x9a: {  	s6 =	sld [smem:$0x3FFC];
	_ =	sdelay $0x3  }
0x9b: {  	_ =	strace s6  }
0x9c: {  	s6 =	sld [smem:$0x3FFD];
	_ =	sdelay $0x3  }
0x9d: {  	_ =	strace s6  }
0x9e: {  	_ =	strace $0x8FFFFFFF  }
0x9f: {  	s19 =	sld [smem:$0x3FDB];
	_ =	sdelay $0x1  }
0xa0: {  	s7 =	simm.s32 $_scs_section_size  }
0xa1: {  	s8 =	simm.s32 $_size__tile_overlayer_lowered;
	s9 =	simm.s32 $_tile_overlayer_lowered  }
0xa2: {  	s22 =	simm.s32 $0x1BFF;
	s21 =	sshll.u32 s9, $0x1;
	s6 =	sadd.s32 s7, s19  }
0xa3: {  	s10 =	simm.s32 $0x0;
	s20 =	sshll.u32 s8, $0x1;
	s8 =	sadd.s32 s21, s6  }
0xa4: {  	[timem:s10], [sflag:s22] =	dma.local [hbm:s8], s20  }
0xa5: {  	_ =	swait.ge [sflag:s22], s20  }
0xa6: {  	s7 =	ssub.s32 $0x0, s20;
	[sflag:s22] =	ssyncset.done $0x0  }
0xa7: {  	[sflag:s22] =	ssyncadd.s32 s7;
	_ =	sdelay $0x1  }
0xa8: {  	s23 =	simm.s32 $0x1B8B  }
0xa9: {  	_ =	swait.ge [sflag:s23], $0x1  }
0xaa: {  	[sflag:s23] =	ssyncset.done $0x0  }
0xab: {  	s25 =	simm.s32 $0x1B8E;
	s24 =	sld [smem:$0x3FFE];
	[sflag:s23] =	ssyncadd.s32 $0xFFFFFFFF  }
0xac: {  	s26 =	simm.s32 $execute0_lowered;
	[smem:$0x3FD2] =	sst s25  }
0xad: {  	s8 =	sshll.u32 s26, $0x1;
	_ =	strace $0x80000049;
	[dreg:$0x1] =	wrdreg $0xFFFFFFFF  }
0xae: {  	s28 =	simm.s32 $_size_execute0_lowered;
	s6 =	sadd.s32 s6, s8;
	[dreg:$0x0] =	wrdreg $0x0  }
0xaf: {  	s8 =	sshll.u32 s28, $0x1;
	[dreg:$0x2] =	wrdreg s6  }
0xb0: {  	[dreg:$0x3] =	wrdreg s8  }
0xb1: {  	[dreg:$0x4] =	wrdreg $0xC0  }
0xb2: {  	_ =	task [dreg:s10], $0x5FFFF  }
0xb3: {  	[dreg:$0x1] =	wrdreg $0xFFFFFFFF  }
0xb4: {  	[dreg:$0x0] =	wrdreg $0x60  }
0xb5: {  	[dreg:$0x2] =	wrdreg s5  }
0xb6: {  	[dreg:$0x3] =	wrdreg s17  }
0xb7: {  	[dreg:$0x4] =	wrdreg s16  }
0xb8: {  	[dreg:$0x5] =	wrdreg s24  }
0xb9: {  	[dreg:$0x6] =	wrdreg s18  }
0xba: {  	[dreg:$0x7] =	wrdreg $0xBF000  }
0xbb: {  	[dreg:$0x8] =	wrdreg $0x9  }
0xbc: {  	_ =	task.clear_ibuf [dreg:s10], $0x9FFFF;
	_ =	strace $0x90000049  }
0xbd: {  	s29 =	simm.s32 $0x9;
	_ =	strace $0x8000004B  }
0xbe: {  	_ =	swait.ge [sflag:s29], $0x1  }
0xbf: {  	[sflag:s29] =	ssyncadd.s32 $0xFFFFFFFF  }
0xc0: {  	_ =	strace $0x9000004B  }
0xc1: {  	_ =	sfence  }
0xc2: {  	s30 =	sld [smem:$0x0];
	_ =	sdelay $0x2  }
0xc3: {  	s31 =	sshll.u32 s1, $0xD;
	s1 =	sshrl.u32 s1, $0x2  }
0xc4: {  	s3 =	sand.u32 $0x4000, s31;
	s1 =	sadd.s32 s1, s30  }
0xc5: {  	s0 =	sor.u32 s3, s0;
	s1 =	sshll.u32 s1, $0x11  }
0xc6: {  	s0 =	sor.u32 s1, s0  }
0xc7: {  	s0 =	sadd.s32 $0x8F2B, s0  }
0xc8: {  	[sflag:s0] =	ssyncadd.remote.s32 $0x1  }
0xc9: {  	_ =	sfence.sel $0xFFFF  }
0xca: {  	[dreg:$0x0] =	wrdreg $0xFFFFFFFF;
	(pc) =	sbr.abs _section_cstart, $3  }
0xcb: {  	[dreg:$0x1] =	wrdreg $0xFFFFFFFF  }
0xcc: {  	_ =	task.clear_ibuf [dreg:s10], $0x2FFFF;
	_ =	strace $0x9FFFFFFF  }
0xcd: {  	(tm) =	ssettm $0x7FFFFFFF  }
tec
execute0_lowered:
.L_overlay_start_1:
0x0: {  	(tag) =	ssettag $0x1  }
0x1: {  	s1 =	rddreg [dreg:$0x0]  }
0x2: {  	s2 =	rddreg [dreg:$0x1]  }
0x3: {  	s3 =	rddreg [dreg:$0x2]  }
0x4: {  	s11 =	rddreg [dreg:$0x3]  }
0x5: {  	s13 =	rddreg [dreg:$0x4]  }
0x6: {  	s5 =	rddreg [dreg:$0x5]  }
0x7: {  	s0 =	rddreg [dreg:$0x6]  }
0x8: {  	s6 =	simm.s32 $0x0;
	s4 =	stileid.u32;
	s9 =	srdreg.scid  }
0x9: {  	s21 =	simm.s32 $0x2;
	s22 =	simm.s32 $0x80;
	s23 =	simm.s32 $0x100  }
0xa: {  	s24 =	simm.s32 $0x1;
	s25 =	simm.s32 $0x0;
	[smem:$0x7FF] =	sst s6  }
0xb: {  	s8 =	smul.u32 $0x1390, s4;
	s7 =	sadd.s32 $0x7D600, s11;
	s20 =	sand.u32 $0x1, s9  }
0xc: {  	s14 =	smul.u32 $0x9E00, s4;
	s9 =	sadd.s32 $0xD0E00, s11;
	s10 =	sadd.s32 $0xF8600, s11  }
0xd: {  	_ =	strace $0x8000004A;
	s15 =	ssub.s32 $0x2, s20;
	p0 =	sne.s32 s20, $0x0  }
.Ltmp0:
0xe: {  	s20 =	simm.s32 $0x2100;
	s19 =	sadd.s32 s8, s11;
	(pc) =	sbr.rel .LBB2_1-.Ltmp0, $4  }
0xf: {  	s8 =	sadd.s32 $0xE4A00, s11;
	s11 =	sadd.s32 $0x10C200, s11;
	s16 =	sshrl.u32 s15, $0x1  }
0x10: {  	s12 =	sshrl.u32 s14, $0x3;
	s14 =	sadd.s32 s14, s5;
	s15 =	ssub.s32 s15, s16  }
0x11: {  	s13 =	sadd.s32 s13, s12;
	s16 =	sadd.s32 $0x42400, s19;
	s17 =	sadd.s32 $0x1B000, s19  }
0x12: {  	s18 =	sadd.s32 $0x2EA00, s19;
	s19 =	sadd.s32 $0x7600, s19;
	s15 =	smax.u32 s15, $0x1  }
.LBB2_14:
0x13: {  	s28 =	sadd.s32 s26, s17;
	[sflag:s21] =	ssyncadd.s32 $0xFFFFE000  }
0x14: {  	[tilespmem:s6], [sflag:$0x2] =	stream.linear.gather [hbm4b:s28+s6], $0x80, $0x38;
	[tilespmem:$0x15D00] =	vst v63  }
0x15: {  	_ =	swait.ge [sflag:s21], $0x80  }
0x16: {  	[sflag:s21] =	ssyncset.done $0x0  }
0x17: {  	s31 =	sadd.s32 s26, s16;
	[sflag:s21] =	ssyncadd.s32 $0xFFFFFF80  }
0x18: {  	[tilespmem:s22], [sflag:$0x2] =	stream.linear.gather [hbm4b:s31+s6], $0x80, $0x38;
	[tilespmem:$0x15D00] =	vst v63  }
0x19: {  	_ =	swait.ge [sflag:s21], $0x80  }
0x1a: {  	[sflag:s21] =	ssyncset.done $0x0  }
0x1b: {  	[sflag:s21] =	ssyncadd.s32 $0xFFFFFF80  }
0x1c: {  	[tilespmem:s23], [sflag:$0x1] =	stream.indirect.gather [hbm4b:s7+s22], $0x40, s6, s22, $0xb8;
	[tilespmem:$0x15D00] =	vst v63  }
0x1d: {  	_ =	swait.ge [sflag:s24], $0x2000  }
0x1e: {  	[sflag:s24] =	ssyncset.done $0x0  }
0x1f: {  	[sflag:s24] =	ssyncadd.s32 $0xFFFFE000  }
0x20: {  	[spmem:s5] =	stream.indirect.scatter.add.f32 [tilespmem:s23], [sflag:$0x2], $0x40, s22, s22, $0xb8;
	[tilespmem:$0x15D00] =	vst v63  }
0x21: {  	_ =	swait.ge [sflag:s21], $0x2000  }
0x22: {  	[sflag:s21] =	ssyncset.done $0x0  }
0x23: {  	s26 =	smov.u32 s11;
	[sflag:s21] =	ssyncadd.s32 $0xFFFFE000  }
.LBB2_15:
0x24: {  	[bflag:$0x0] =	sbarrier.arrive $0xFFFF  }
0x25: {  	[tilespmem:s20], [sflag:$0x2] =	stream.linear.gather [spmem:s14], $0x9E00, $0x38;
	[tilespmem:$0x15D00] =	vst v63  }
0x26: {  	s25 =	sadd.s32 $0x1, s25;
	_ =	swait.ge [sflag:s21], $0x9E00  }
0x27: {  	p1 =	sne.s32 s25, s15;
	[sflag:s21] =	ssyncset.done $0x0  }
.Ltmp1:
0x28: {  	s26 =	sadd.s32 s26, s12;
	[sflag:s21] =	ssyncadd.s32 $0xFFFF6200;
	(pc) =	sbr.rel @!p1 .LBB2_16-.Ltmp1, $4  }
0x29: {  	[hbm4b:s26+s6] =	stream.linear.scatter [tilespmem:s20], [sflag:$0x2], $0x9E00, $0x38;
	[tilespmem:$0x15D00] =	vst v63  }
0x2a: {  	_ =	swait.ge [sflag:s21], $0x9E00  }
0x2b: {  	[sflag:s21] =	ssyncset.done $0x0  }
0x2c: {  	[sflag:s21] =	ssyncadd.s32 $0xFFFF6200  }
.LBB2_1:
0x2d: {  	[tilespmem:s20], [sflag:$0x2] =	stream.linear.gather [hbm4b:s13+s6], $0x9E00, $0x38;
	[tilespmem:$0x15D00] =	vst v63  }
0x2e: {  	_ =	swait.ge [sflag:s21], $0x9E00  }
0x2f: {  	[sflag:s21] =	ssyncset.done $0x0  }
0x30: {  	[sflag:s21] =	ssyncadd.s32 $0xFFFF6200  }
0x31: {  	[spmem:s14] =	stream.linear.scatter [tilespmem:s20], [sflag:$0x2], $0x9E00, $0x38;
	[tilespmem:$0x15D00] =	vst v63  }
.Ltmp2:
0x32: {  	_ =	swait.ge [sflag:s21], $0x9E00;
	(pc) =	sbr.rel @p0 .LBB2_5-.Ltmp2, $3  }
0x33: {  	[sflag:s21] =	ssyncset.done $0x0  }
0x34: {  	[sflag:s21] =	ssyncadd.s32 $0xFFFF6200  }
0x35: {  	[bflag:$0x0] =	sbarrier.arrive $0xFFFF;
	_ =	sdelay $0x1  }
0x36: {  	s26 =	sadd.s32 $0x0, s19  }
0x37: {  	[tilespmem:s6], [sflag:$0x2] =	stream.linear.gather [hbm4b:s26+s6], $0x80, $0x38;
	[tilespmem:$0x15D00] =	vst v63  }
0x38: {  	_ =	swait.ge [sflag:s21], $0x80  }
0x39: {  	[sflag:s21] =	ssyncset.done $0x0  }
0x3a: {  	s31 =	sadd.s32 $0x0, s18;
	[sflag:s21] =	ssyncadd.s32 $0xFFFFFF80  }
0x3b: {  	[tilespmem:s22], [sflag:$0x2] =	stream.linear.gather [hbm4b:s31+s6], $0x80, $0x38;
	[tilespmem:$0x15D00] =	vst v63  }
0x3c: {  	_ =	swait.ge [sflag:s21], $0x80  }
0x3d: {  	[sflag:s21] =	ssyncset.done $0x0  }
0x3e: {  	[sflag:s21] =	ssyncadd.s32 $0xFFFFFF80  }
0x3f: {  	[tilespmem:s23], [sflag:$0x1] =	stream.indirect.gather [hbm4b:s1+s22], $0x40, s6, s22, $0xb8;
	[tilespmem:$0x15D00] =	vst v63  }
0x40: {  	_ =	swait.ge [sflag:s24], $0x2000  }
0x41: {  	[sflag:s24] =	ssyncset.done $0x0  }
0x42: {  	[sflag:s24] =	ssyncadd.s32 $0xFFFFE000  }
0x43: {  	[spmem:s5] =	stream.indirect.scatter.add.f32 [tilespmem:s23], [sflag:$0x2], $0x40, s22, s22, $0xb8;
	[tilespmem:$0x15D00] =	vst v63  }
0x44: {  	_ =	swait.ge [sflag:s21], $0x2000  }
0x45: {  	s28 =	simm.s32 $0x20;
	s26 =	simm.s32 $0x10;
	[sflag:s21] =	ssyncset.done $0x0  }
.LBB2_3:
0x46: {  	s29 =	sadd.s32 s26, s19  }
0x47: {  	[sflag:s21] =	ssyncadd.s32 $0xFFFFE000;
	s30 =	smov.u32 s28;
	s31 =	sadd.s32 $0x10, s28  }
0x48: {  	[tilespmem:s6], [sflag:$0x2] =	stream.linear.gather [hbm4b:s29+s6], $0x80, $0x38;
	[tilespmem:$0x15D00] =	vst v63  }
0x49: {  	p1 =	seq.s32 s28, $0x1380;
	_ =	swait.ge [sflag:s21], $0x80  }
0x4a: {  	[sflag:s21] =	ssyncset.done $0x0  }
0x4b: {  	s28 =	sadd.s32 s26, s18;
	s26 =	smov.u32 s30;
	[sflag:s21] =	ssyncadd.s32 $0xFFFFFF80  }
0x4c: {  	[tilespmem:s22], [sflag:$0x2] =	stream.linear.gather [hbm4b:s28+s6], $0x80, $0x38;
	[tilespmem:$0x15D00] =	vst v63  }
0x4d: {  	_ =	swait.ge [sflag:s21], $0x80  }
0x4e: {  	[sflag:s21] =	ssyncset.done $0x0  }
0x4f: {  	[sflag:s21] =	ssyncadd.s32 $0xFFFFFF80  }
0x50: {  	[tilespmem:s23], [sflag:$0x1] =	stream.indirect.gather [hbm4b:s1+s22], $0x40, s6, s22, $0xb8;
	[tilespmem:$0x15D00] =	vst v63  }
0x51: {  	_ =	swait.ge [sflag:s24], $0x2000  }
.Ltmp3:
0x52: {  	[sflag:s24] =	ssyncset.done $0x0;
	(pc) =	sbr.rel @!p1 .LBB2_3-.Ltmp3, $4  }
0x53: {  	[sflag:s24] =	ssyncadd.s32 $0xFFFFE000  }
0x54: {  	[spmem:s5] =	stream.indirect.scatter.add.f32 [tilespmem:s23], [sflag:$0x2], $0x40, s22, s22, $0xb8;
	[tilespmem:$0x15D00] =	vst v63  }
0x55: {  	_ =	swait.ge [sflag:s21], $0x2000  }
0x56: {  	s28 =	smov.u32 s31;
	[sflag:s21] =	ssyncset.done $0x0  }
0x57: {  	s28 =	sadd.s32 s26, s19;
	[sflag:s21] =	ssyncadd.s32 $0xFFFFE000  }
0x58: {  	[tilespmem:s6], [sflag:$0x2] =	stream.linear.gather [hbm4b:s28+s6], $0x80, $0x38;
	[tilespmem:$0x15D00] =	vst v63  }
0x59: {  	_ =	swait.ge [sflag:s21], $0x80  }
0x5a: {  	[sflag:s21] =	ssyncset.done $0x0  }
0x5b: {  	s31 =	sadd.s32 s26, s18;
	[sflag:s21] =	ssyncadd.s32 $0xFFFFFF80  }
0x5c: {  	[tilespmem:s22], [sflag:$0x2] =	stream.linear.gather [hbm4b:s31+s6], $0x80, $0x38;
	[tilespmem:$0x15D00] =	vst v63  }
0x5d: {  	_ =	swait.ge [sflag:s21], $0x80  }
0x5e: {  	[sflag:s21] =	ssyncset.done $0x0  }
0x5f: {  	[sflag:s21] =	ssyncadd.s32 $0xFFFFFF80  }
0x60: {  	[tilespmem:s23], [sflag:$0x1] =	stream.indirect.gather [hbm4b:s1+s22], $0x40, s6, s22, $0xb8;
	[tilespmem:$0x15D00] =	vst v63  }
0x61: {  	_ =	swait.ge [sflag:s24], $0x2000  }
0x62: {  	[sflag:s24] =	ssyncset.done $0x0  }
.Ltmp4:
0x63: {  	[sflag:s24] =	ssyncadd.s32 $0xFFFFE000;
	(pc) =	sbr.rel .LBB2_8-.Ltmp4, $4  }
0x64: {  	[spmem:s5] =	stream.indirect.scatter.add.f32 [tilespmem:s23], [sflag:$0x2], $0x40, s22, s22, $0xb8;
	[tilespmem:$0x15D00] =	vst v63  }
0x65: {  	_ =	swait.ge [sflag:s21], $0x2000  }
0x66: {  	[sflag:s21] =	ssyncset.done $0x0  }
0x67: {  	s26 =	smov.u32 s8;
	[sflag:s21] =	ssyncadd.s32 $0xFFFFE000  }
.LBB2_5:
0x68: {  	s26 =	sadd.s32 $0x0, s17  }
0x69: {  	[tilespmem:s6], [sflag:$0x2] =	stream.linear.gather [hbm4b:s26+s6], $0x80, $0x38;
	[tilespmem:$0x15D00] =	vst v63  }
0x6a: {  	_ =	swait.ge [sflag:s21], $0x80  }
0x6b: {  	[sflag:s21] =	ssyncset.done $0x0  }
0x6c: {  	s31 =	sadd.s32 $0x0, s16;
	[sflag:s21] =	ssyncadd.s32 $0xFFFFFF80  }
0x6d: {  	[tilespmem:s22], [sflag:$0x2] =	stream.linear.gather [hbm4b:s31+s6], $0x80, $0x38;
	[tilespmem:$0x15D00] =	vst v63  }
0x6e: {  	_ =	swait.ge [sflag:s21], $0x80  }
0x6f: {  	[sflag:s21] =	ssyncset.done $0x0  }
0x70: {  	[sflag:s21] =	ssyncadd.s32 $0xFFFFFF80  }
0x71: {  	[tilespmem:s23], [sflag:$0x1] =	stream.indirect.gather [hbm4b:s3+s22], $0x40, s6, s22, $0xb8;
	[tilespmem:$0x15D00] =	vst v63  }
0x72: {  	_ =	swait.ge [sflag:s24], $0x2000  }
0x73: {  	[sflag:s24] =	ssyncset.done $0x0  }
0x74: {  	[sflag:s24] =	ssyncadd.s32 $0xFFFFE000  }
0x75: {  	[spmem:s5] =	stream.indirect.scatter.add.f32 [tilespmem:s23], [sflag:$0x2], $0x40, s22, s22, $0xb8;
	[tilespmem:$0x15D00] =	vst v63  }
0x76: {  	_ =	swait.ge [sflag:s21], $0x2000  }
0x77: {  	s28 =	simm.s32 $0x20;
	s26 =	simm.s32 $0x10;
	[sflag:s21] =	ssyncset.done $0x0  }
.LBB2_6:
0x78: {  	s29 =	sadd.s32 s26, s17  }
0x79: {  	[sflag:s21] =	ssyncadd.s32 $0xFFFFE000;
	s30 =	smov.u32 s28;
	s31 =	sadd.s32 $0x10, s28  }
0x7a: {  	[tilespmem:s6], [sflag:$0x2] =	stream.linear.gather [hbm4b:s29+s6], $0x80, $0x38;
	[tilespmem:$0x15D00] =	vst v63  }
0x7b: {  	p1 =	sne.s32 s28, $0x1380;
	_ =	swait.ge [sflag:s21], $0x80  }
0x7c: {  	[sflag:s21] =	ssyncset.done $0x0  }
0x7d: {  	s28 =	sadd.s32 s26, s16;
	s26 =	smov.u32 s30;
	[sflag:s21] =	ssyncadd.s32 $0xFFFFFF80  }
0x7e: {  	[tilespmem:s22], [sflag:$0x2] =	stream.linear.gather [hbm4b:s28+s6], $0x80, $0x38;
	[tilespmem:$0x15D00] =	vst v63  }
0x7f: {  	_ =	swait.ge [sflag:s21], $0x80  }
0x80: {  	[sflag:s21] =	ssyncset.done $0x0  }
0x81: {  	[sflag:s21] =	ssyncadd.s32 $0xFFFFFF80  }
0x82: {  	[tilespmem:s23], [sflag:$0x1] =	stream.indirect.gather [hbm4b:s3+s22], $0x40, s6, s22, $0xb8;
	[tilespmem:$0x15D00] =	vst v63  }
0x83: {  	_ =	swait.ge [sflag:s24], $0x2000  }
.Ltmp5:
0x84: {  	[sflag:s24] =	ssyncset.done $0x0;
	(pc) =	sbr.rel @p1 .LBB2_6-.Ltmp5, $4  }
0x85: {  	[sflag:s24] =	ssyncadd.s32 $0xFFFFE000  }
0x86: {  	[spmem:s5] =	stream.indirect.scatter.add.f32 [tilespmem:s23], [sflag:$0x2], $0x40, s22, s22, $0xb8;
	[tilespmem:$0x15D00] =	vst v63  }
0x87: {  	_ =	swait.ge [sflag:s21], $0x2000  }
0x88: {  	s28 =	smov.u32 s31;
	[sflag:s21] =	ssyncset.done $0x0  }
0x89: {  	s28 =	sadd.s32 s26, s17;
	[sflag:s21] =	ssyncadd.s32 $0xFFFFE000  }
0x8a: {  	[tilespmem:s6], [sflag:$0x2] =	stream.linear.gather [hbm4b:s28+s6], $0x80, $0x38;
	[tilespmem:$0x15D00] =	vst v63  }
0x8b: {  	_ =	swait.ge [sflag:s21], $0x80  }
0x8c: {  	[sflag:s21] =	ssyncset.done $0x0  }
0x8d: {  	s31 =	sadd.s32 s26, s16;
	[sflag:s21] =	ssyncadd.s32 $0xFFFFFF80  }
0x8e: {  	[tilespmem:s22], [sflag:$0x2] =	stream.linear.gather [hbm4b:s31+s6], $0x80, $0x38;
	[tilespmem:$0x15D00] =	vst v63  }
0x8f: {  	_ =	swait.ge [sflag:s21], $0x80  }
0x90: {  	[sflag:s21] =	ssyncset.done $0x0  }
0x91: {  	[sflag:s21] =	ssyncadd.s32 $0xFFFFFF80  }
0x92: {  	[tilespmem:s23], [sflag:$0x1] =	stream.indirect.gather [hbm4b:s3+s22], $0x40, s6, s22, $0xb8;
	[tilespmem:$0x15D00] =	vst v63  }
0x93: {  	_ =	swait.ge [sflag:s24], $0x2000  }
0x94: {  	[sflag:s24] =	ssyncset.done $0x0  }
0x95: {  	[sflag:s24] =	ssyncadd.s32 $0xFFFFE000  }
0x96: {  	[spmem:s5] =	stream.indirect.scatter.add.f32 [tilespmem:s23], [sflag:$0x2], $0x40, s22, s22, $0xb8;
	[tilespmem:$0x15D00] =	vst v63  }
0x97: {  	_ =	swait.ge [sflag:s21], $0x2000  }
0x98: {  	[sflag:s21] =	ssyncset.done $0x0  }
0x99: {  	s26 =	smov.u32 s10;
	[sflag:s21] =	ssyncadd.s32 $0xFFFFE000  }
.LBB2_8:
0x9a: {  	[bflag:$0x0] =	sbarrier.arrive $0xFFFF  }
0x9b: {  	[tilespmem:s20], [sflag:$0x2] =	stream.linear.gather [spmem:s14], $0x9E00, $0x38;
	[tilespmem:$0x15D00] =	vst v63  }
0x9c: {  	_ =	swait.ge [sflag:s21], $0x9E00  }
0x9d: {  	[sflag:s21] =	ssyncset.done $0x0  }
0x9e: {  	s26 =	sadd.s32 s26, s12;
	s28 =	simm.s32 $0x0;
	[sflag:s21] =	ssyncadd.s32 $0xFFFF6200  }
0x9f: {  	[hbm4b:s26+s28] =	stream.linear.scatter [tilespmem:s20], [sflag:$0x2], $0x9E00, $0x38;
	[tilespmem:$0x15D00] =	vst v63  }
0xa0: {  	_ =	swait.ge [sflag:s21], $0x9E00  }
0xa1: {  	[sflag:s21] =	ssyncset.done $0x0  }
0xa2: {  	[sflag:s21] =	ssyncadd.s32 $0xFFFF6200  }
0xa3: {  	[bflag:$0x0] =	sbarrier.arrive $0xFFFF  }
0xa4: {  	[tilespmem:s20], [sflag:$0x2] =	stream.linear.gather [hbm4b:s13+s28], $0x9E00, $0x38;
	[tilespmem:$0x15D00] =	vst v63  }
0xa5: {  	_ =	swait.ge [sflag:s21], $0x9E00  }
0xa6: {  	[sflag:s21] =	ssyncset.done $0x0  }
0xa7: {  	[sflag:s21] =	ssyncadd.s32 $0xFFFF6200  }
0xa8: {  	[spmem:s14] =	stream.linear.scatter [tilespmem:s20], [sflag:$0x2], $0x9E00, $0x38;
	[tilespmem:$0x15D00] =	vst v63  }
.Ltmp6:
0xa9: {  	_ =	swait.ge [sflag:s21], $0x9E00;
	(pc) =	sbr.rel @p0 .LBB2_12-.Ltmp6, $3  }
0xaa: {  	[sflag:s21] =	ssyncset.done $0x0  }
0xab: {  	[sflag:s21] =	ssyncadd.s32 $0xFFFF6200  }
0xac: {  	[bflag:$0x0] =	sbarrier.arrive $0xFFFF;
	_ =	sdelay $0x1  }
0xad: {  	s26 =	sadd.s32 $0x0, s19  }
0xae: {  	[tilespmem:s6], [sflag:$0x2] =	stream.linear.gather [hbm4b:s26+s6], $0x80, $0x38;
	[tilespmem:$0x15D00] =	vst v63  }
0xaf: {  	_ =	swait.ge [sflag:s21], $0x80  }
0xb0: {  	[sflag:s21] =	ssyncset.done $0x0  }
0xb1: {  	s31 =	sadd.s32 $0x0, s18;
	[sflag:s21] =	ssyncadd.s32 $0xFFFFFF80  }
0xb2: {  	[tilespmem:s22], [sflag:$0x2] =	stream.linear.gather [hbm4b:s31+s6], $0x80, $0x38;
	[tilespmem:$0x15D00] =	vst v63  }
0xb3: {  	_ =	swait.ge [sflag:s21], $0x80  }
0xb4: {  	[sflag:s21] =	ssyncset.done $0x0  }
0xb5: {  	[sflag:s21] =	ssyncadd.s32 $0xFFFFFF80  }
0xb6: {  	[tilespmem:s23], [sflag:$0x1] =	stream.indirect.gather [hbm4b:s2+s22], $0x40, s6, s22, $0xb8;
	[tilespmem:$0x15D00] =	vst v63  }
0xb7: {  	_ =	swait.ge [sflag:s24], $0x2000  }
0xb8: {  	[sflag:s24] =	ssyncset.done $0x0  }
0xb9: {  	[sflag:s24] =	ssyncadd.s32 $0xFFFFE000  }
0xba: {  	[spmem:s5] =	stream.indirect.scatter.add.f32 [tilespmem:s23], [sflag:$0x2], $0x40, s22, s22, $0xb8;
	[tilespmem:$0x15D00] =	vst v63  }
0xbb: {  	_ =	swait.ge [sflag:s21], $0x2000  }
0xbc: {  	s28 =	simm.s32 $0x20;
	s26 =	simm.s32 $0x10;
	[sflag:s21] =	ssyncset.done $0x0  }
.LBB2_10:
0xbd: {  	s29 =	sadd.s32 s26, s19  }
0xbe: {  	[sflag:s21] =	ssyncadd.s32 $0xFFFFE000;
	s30 =	smov.u32 s28;
	s31 =	sadd.s32 $0x10, s28  }
0xbf: {  	[tilespmem:s6], [sflag:$0x2] =	stream.linear.gather [hbm4b:s29+s6], $0x80, $0x38;
	[tilespmem:$0x15D00] =	vst v63  }
0xc0: {  	p1 =	seq.s32 s28, $0x1380;
	_ =	swait.ge [sflag:s21], $0x80  }
0xc1: {  	[sflag:s21] =	ssyncset.done $0x0  }
0xc2: {  	s28 =	sadd.s32 s26, s18;
	s26 =	smov.u32 s30;
	[sflag:s21] =	ssyncadd.s32 $0xFFFFFF80  }
0xc3: {  	[tilespmem:s22], [sflag:$0x2] =	stream.linear.gather [hbm4b:s28+s6], $0x80, $0x38;
	[tilespmem:$0x15D00] =	vst v63  }
0xc4: {  	_ =	swait.ge [sflag:s21], $0x80  }
0xc5: {  	[sflag:s21] =	ssyncset.done $0x0  }
0xc6: {  	[sflag:s21] =	ssyncadd.s32 $0xFFFFFF80  }
0xc7: {  	[tilespmem:s23], [sflag:$0x1] =	stream.indirect.gather [hbm4b:s2+s22], $0x40, s6, s22, $0xb8;
	[tilespmem:$0x15D00] =	vst v63  }
0xc8: {  	_ =	swait.ge [sflag:s24], $0x2000  }
.Ltmp7:
0xc9: {  	[sflag:s24] =	ssyncset.done $0x0;
	(pc) =	sbr.rel @!p1 .LBB2_10-.Ltmp7, $4  }
0xca: {  	[sflag:s24] =	ssyncadd.s32 $0xFFFFE000  }
0xcb: {  	[spmem:s5] =	stream.indirect.scatter.add.f32 [tilespmem:s23], [sflag:$0x2], $0x40, s22, s22, $0xb8;
	[tilespmem:$0x15D00] =	vst v63  }
0xcc: {  	_ =	swait.ge [sflag:s21], $0x2000  }
0xcd: {  	s28 =	smov.u32 s31;
	[sflag:s21] =	ssyncset.done $0x0  }
0xce: {  	s28 =	sadd.s32 s26, s19;
	[sflag:s21] =	ssyncadd.s32 $0xFFFFE000  }
0xcf: {  	[tilespmem:s6], [sflag:$0x2] =	stream.linear.gather [hbm4b:s28+s6], $0x80, $0x38;
	[tilespmem:$0x15D00] =	vst v63  }
0xd0: {  	_ =	swait.ge [sflag:s21], $0x80  }
0xd1: {  	[sflag:s21] =	ssyncset.done $0x0  }
0xd2: {  	s31 =	sadd.s32 s26, s18;
	[sflag:s21] =	ssyncadd.s32 $0xFFFFFF80  }
0xd3: {  	[tilespmem:s22], [sflag:$0x2] =	stream.linear.gather [hbm4b:s31+s6], $0x80, $0x38;
	[tilespmem:$0x15D00] =	vst v63  }
0xd4: {  	_ =	swait.ge [sflag:s21], $0x80  }
0xd5: {  	[sflag:s21] =	ssyncset.done $0x0  }
0xd6: {  	[sflag:s21] =	ssyncadd.s32 $0xFFFFFF80  }
0xd7: {  	[tilespmem:s23], [sflag:$0x1] =	stream.indirect.gather [hbm4b:s2+s22], $0x40, s6, s22, $0xb8;
	[tilespmem:$0x15D00] =	vst v63  }
0xd8: {  	_ =	swait.ge [sflag:s24], $0x2000  }
0xd9: {  	[sflag:s24] =	ssyncset.done $0x0  }
.Ltmp8:
0xda: {  	[sflag:s24] =	ssyncadd.s32 $0xFFFFE000;
	(pc) =	sbr.rel .LBB2_15-.Ltmp8, $4  }
0xdb: {  	[spmem:s5] =	stream.indirect.scatter.add.f32 [tilespmem:s23], [sflag:$0x2], $0x40, s22, s22, $0xb8;
	[tilespmem:$0x15D00] =	vst v63  }
0xdc: {  	_ =	swait.ge [sflag:s21], $0x2000  }
0xdd: {  	[sflag:s21] =	ssyncset.done $0x0  }
0xde: {  	s26 =	smov.u32 s9;
	[sflag:s21] =	ssyncadd.s32 $0xFFFFE000  }
.LBB2_12:
0xdf: {  	s26 =	sadd.s32 $0x0, s17  }
0xe0: {  	[tilespmem:s6], [sflag:$0x2] =	stream.linear.gather [hbm4b:s26+s6], $0x80, $0x38;
	[tilespmem:$0x15D00] =	vst v63  }
0xe1: {  	_ =	swait.ge [sflag:s21], $0x80  }
0xe2: {  	[sflag:s21] =	ssyncset.done $0x0  }
0xe3: {  	s31 =	sadd.s32 $0x0, s16;
	[sflag:s21] =	ssyncadd.s32 $0xFFFFFF80  }
0xe4: {  	[tilespmem:s22], [sflag:$0x2] =	stream.linear.gather [hbm4b:s31+s6], $0x80, $0x38;
	[tilespmem:$0x15D00] =	vst v63  }
0xe5: {  	_ =	swait.ge [sflag:s21], $0x80  }
0xe6: {  	[sflag:s21] =	ssyncset.done $0x0  }
0xe7: {  	[sflag:s21] =	ssyncadd.s32 $0xFFFFFF80  }
0xe8: {  	[tilespmem:s23], [sflag:$0x1] =	stream.indirect.gather [hbm4b:s7+s22], $0x40, s6, s22, $0xb8;
	[tilespmem:$0x15D00] =	vst v63  }
0xe9: {  	_ =	swait.ge [sflag:s24], $0x2000  }
0xea: {  	[sflag:s24] =	ssyncset.done $0x0  }
0xeb: {  	[sflag:s24] =	ssyncadd.s32 $0xFFFFE000  }
0xec: {  	[spmem:s5] =	stream.indirect.scatter.add.f32 [tilespmem:s23], [sflag:$0x2], $0x40, s22, s22, $0xb8;
	[tilespmem:$0x15D00] =	vst v63  }
0xed: {  	_ =	swait.ge [sflag:s21], $0x2000  }
0xee: {  	s28 =	simm.s32 $0x20;
	s26 =	simm.s32 $0x10;
	[sflag:s21] =	ssyncset.done $0x0  }
.LBB2_13:
0xef: {  	s29 =	sadd.s32 s26, s17  }
0xf0: {  	[sflag:s21] =	ssyncadd.s32 $0xFFFFE000;
	s30 =	smov.u32 s28;
	s31 =	sadd.s32 $0x10, s28  }
0xf1: {  	[tilespmem:s6], [sflag:$0x2] =	stream.linear.gather [hbm4b:s29+s6], $0x80, $0x38;
	[tilespmem:$0x15D00] =	vst v63  }
0xf2: {  	p1 =	sne.s32 s28, $0x1380;
	_ =	swait.ge [sflag:s21], $0x80  }
0xf3: {  	[sflag:s21] =	ssyncset.done $0x0  }
0xf4: {  	s28 =	sadd.s32 s26, s16;
	s26 =	smov.u32 s30;
	[sflag:s21] =	ssyncadd.s32 $0xFFFFFF80  }
0xf5: {  	[tilespmem:s22], [sflag:$0x2] =	stream.linear.gather [hbm4b:s28+s6], $0x80, $0x38;
	[tilespmem:$0x15D00] =	vst v63  }
0xf6: {  	_ =	swait.ge [sflag:s21], $0x80  }
0xf7: {  	[sflag:s21] =	ssyncset.done $0x0  }
0xf8: {  	[sflag:s21] =	ssyncadd.s32 $0xFFFFFF80  }
0xf9: {  	[tilespmem:s23], [sflag:$0x1] =	stream.indirect.gather [hbm4b:s7+s22], $0x40, s6, s22, $0xb8;
	[tilespmem:$0x15D00] =	vst v63  }
0xfa: {  	_ =	swait.ge [sflag:s24], $0x2000  }
.Ltmp9:
0xfb: {  	[sflag:s24] =	ssyncset.done $0x0;
	(pc) =	sbr.rel @p1 .LBB2_13-.Ltmp9, $4  }
0xfc: {  	[sflag:s24] =	ssyncadd.s32 $0xFFFFE000  }
0xfd: {  	[spmem:s5] =	stream.indirect.scatter.add.f32 [tilespmem:s23], [sflag:$0x2], $0x40, s22, s22, $0xb8;
	[tilespmem:$0x15D00] =	vst v63  }
0xfe: {  	_ =	swait.ge [sflag:s21], $0x2000  }
0xff: {  	s28 =	smov.u32 s31;
	[sflag:s21] =	ssyncset.done $0x0  }
.Ltmp10:
0x100: {  	_ = 	snop;
	(pc) =	sbr.rel .LBB2_14-.Ltmp10, $1  }
0x101: {  	_ =	sdelay $0x3  }
.LBB2_16:
0x102: {  	_ =	sfence.sel $0x180000  }
0x103: {  	[bflag:$0x0] =	sbarrier.arrive $0xFFFF  }
0x104: {  	p0 =	sne.s32 s4, $0x0;
	_ =	strace $0x9000004A  }
0x105: {  	s0 =	sadd.s32 @!p0 $0x100000, s0;
	[bflag:$0x2] =	sbarrier.arrive $0xFFFF  }
0x106: {  	[sflag:s0] =	ssyncadd.tile.s32 @!p0 $0x1;
	_ =	shalt  }
.Lfunc_end2:
_tile_overlayer_lowered:
.L_overlay_start_2:
0x107: {  	(tag) =	ssettag $0x2  }
0x108: {  	s0 =	rddreg [dreg:$0x0];
	s2 =	stileid.u32  }
0x109: {  	s1 =	rddreg [dreg:$0x1];
	p0 =	sne.s32 s2, $0x0  }
0x10a: {  	s3 =	rddreg [dreg:$0x2];
	[bflag:$0x3] =	sbarrier.arrive $0xFFFF;
	s2 =	simm.s32 @!p0 $0x1C02  }
0x10b: {  	[timem:s3], [sflag:s2] =	dma.local @!p0 [hbm:s0], s1  }
0x10c: {  	s0 =	simm.s32 @!p0 $0x2  }
0x10d: {  	_ =	swait.ge @!p0 [sflag:s0], s1  }
0x10e: {  	s1 =	ssub.s32 @!p0 $0x0, s1;
	[sflag:s0] =	ssyncset.done @!p0 $0x0  }
0x10f: {  	[sflag:s0] =	ssyncadd.s32 @!p0 s1  }
0x110: {  	[bflag:$0x3] =	sbarrier.arrive $0xFFFF  }
0x111: {  	_ =	shalt  }

// kernel: kernel.14.cloned.1.call-start
scs
__scs_entry_jumppad:
0x0: {  	(pc) =	sbr.rel $0x88, $3  }
0x1: {  	(tag) =	ssettag $0x0;
	lr =	simm.s32 $0x1  }
0x2: {  	[smem:$0x3F92] =	sst lr;
	_ =	strace $0xD0000000  }
0x3: {  	_ = 	snop  }
0x4: {  	_ = 	snop  }
0x5: {  	_ = 	snop  }
0x6: {  	_ = 	snop  }
0x7: {  	_ = 	snop  }
__scs_overlays_trampoline_lowered:
0x8: {  	[smem:$0x3FA1] =	sst s0  }
0x9: {  	[smem:$0x3FA2] =	sst s1  }
0xa: {  	[smem:$0x3FA3] =	sst s2  }
0xb: {  	[smem:$0x3FA4] =	sst s3  }
0xc: {  	[smem:$0x3FA5] =	sst s4  }
0xd: {  	[smem:$0x3FA6] =	sst s5  }
0xe: {  	[smem:$0x3FA7] =	sst s6  }
0xf: {  	[smem:$0x3FA8] =	sst s7  }
0x10: {  	[smem:$0x3FA9] =	sst s8  }
0x11: {  	[smem:$0x3FAA] =	sst s9;
	s0 =	simm.s32 @!p0 $0x0  }
0x12: {  	s1 =	sld [smem:$0x3F90];
	s0 =	simm.s32 @p0 $0x1  }
0x13: {  	[smem:$0x3FAB] =	sst s0;
	s0 =	simm.s32 @!p1 $0x0  }
0x14: {  	s2 =	sld [smem:$0x3F8F];
	s0 =	simm.s32 @p1 $0x1  }
0x15: {  	[smem:$0x3FAC] =	sst s0;
	s0 =	simm.s32 @!p2 $0x0  }
0x16: {  	s3 =	sld [smem:$0x3FDB];
	s0 =	simm.s32 @p2 $0x1  }
0x17: {  	s4 =	simm.s32 $0x1BF5;
	[smem:$0x3FAE] =	sst s0  }
0x18: {  	s0 =	sld [smem:$0x3F91];
	_ =	swait.ge [sflag:s4], $0x0  }
0x19: {  	s7 =	sld [smem:$0x3F92]  }
0x1a: {  	s8 =	sadd.s32 $0xFFFFE003, lr  }
0x1b: {  	s9 =	sadd.s32 $0xFFFFFEF7, lr;
	s5 =	simm.s32 $0xFFFFFFFF;
	p2 =	slt.u32 s8, $0xFFFFF086  }
0x1c: {  	p1 =	slt.u32 s9, $0xF7A;
	s5 =	simm.s32 @!p2 $0x0  }
0x1d: {  	s5 =	simm.s32 @p1 $0x1;
	p0 =	seq.s32 s7, s2  }
0x1e: {  	s7 =	smul.u32 @!p0 $0xF7A, s2;
	p2 =	seq.s32 @!p0 s5, $0x0  }
0x1f: {  	s9 =	smul.u32 $0xF7A, s1;
	s8 =	simm.s32 @!p0 $0x1BF5;
	p2 =	por !p2, p0  }
0x20: {  	[sflag:s8] =	ssyncset.s32 @!p0 $0xFFFFF086;
	s6 =	sadd.s32 @!p0 s3, s7;
	s7 =	simm.s32 @!p0 $0x108  }
0x21: {  	s3 =	sadd.s32 s3, s9;
	s6 =	sadd.s32 @!p0 $0x88, s6;
	s7 =	simm.s32 @p2 $0x1082  }
0x22: {  	[simem:s7], [sflag:s8] =	dma.local @!p0 [hbm:s6], $0xF7A  }
0x23: {  	s9 =	sor.u32 $0xD0000000, s2;
	s6 =	simm.s32 $0x108;
	_ =	swait.ge @!p0 [sflag:s8], $0x0  }
0x24: {  	s3 =	sadd.s32 $0x88, s3;
	s6 =	simm.s32 @!p1 $0x1082;
	[sflag:s4] =	ssyncset.s32 $0xFFFFF086  }
0x25: {  	[simem:s6], [sflag:s4] =	dma.local [hbm:s3], $0xF7A  }
0x26: {  	[smem:$0x3F92] =	sst s1;
	(tag) =	ssettag s2;
	_ =	strace s9  }
0x27: {  	s1 =	sld [smem:$0x3FA2]  }
0x28: {  	s2 =	sld [smem:$0x3FA3]  }
0x29: {  	s4 =	sld [smem:$0x3FA5]  }
0x2a: {  	p0 =	seq.s32 s5, $0x0;
	s5 =	sld [smem:$0x3FA6]  }
0x2b: {  	s6 =	sld [smem:$0x3FA7]  }
0x2c: {  	s7 =	sld [smem:$0x3FA8]  }
0x2d: {  	s3 =	simm.s32 $0x108;
	s8 =	sld [smem:$0x3FA9]  }
0x2e: {  	s3 =	simm.s32 @!p0 $0x1082;
	s9 =	sld [smem:$0x3FAA]  }
0x2f: {  	lr =	sadd.s32 s0, s3;
	s0 =	sld [smem:$0x3FA1]  }
0x30: {  	s3 =	sld [smem:$0x3FA4]  }
0x31: {  	[smem:$0x3FAD] =	sst s10  }
0x32: {  	s10 =	sld [smem:$0x3FAB];
	_ =	sdelay $0x3  }
0x33: {  	p0 =	seq.s32 s10, $0x1;
	s10 =	sld [smem:$0x3FAD];
	_ =	sdelay $0x3  }
0x34: {  	[smem:$0x3FAD] =	sst s10  }
0x35: {  	s10 =	sld [smem:$0x3FAC];
	_ =	sdelay $0x3  }
0x36: {  	p1 =	seq.s32 s10, $0x1;
	s10 =	sld [smem:$0x3FAD];
	_ =	sdelay $0x3  }
0x37: {  	[smem:$0x3FAD] =	sst s10  }
0x38: {  	s10 =	sld [smem:$0x3FAE]  }
0x39: {  	_ = 	snop;
	(pc) =	sbr.ind lr, $3  }
0x3a: {  	_ = 	snop  }
0x3b: {  	_ = 	snop  }
0x3c: {  	p2 =	seq.s32 s10, $0x1;
	s10 =	sld [smem:$0x3FAD]  }
0x3d: {  	_ =	shalt  }
0x3e: {  	_ =	shalt  }
0x3f: {  	_ =	shalt  }
0x40: {  	_ =	shalt  }
0x41: {  	_ =	shalt  }
0x42: {  	_ =	shalt  }
0x43: {  	_ =	shalt  }
0x44: {  	_ =	shalt  }
0x45: {  	_ =	shalt  }
0x46: {  	_ =	shalt  }
0x47: {  	_ =	shalt  }
0x48: {  	_ =	shalt  }
0x49: {  	_ =	shalt  }
0x4a: {  	_ =	shalt  }
0x4b: {  	_ =	shalt  }
0x4c: {  	_ =	shalt  }
0x4d: {  	_ =	shalt  }
0x4e: {  	_ =	shalt  }
0x4f: {  	_ =	shalt  }
0x50: {  	_ =	shalt  }
0x51: {  	_ =	shalt  }
0x52: {  	_ =	shalt  }
0x53: {  	_ =	shalt  }
0x54: {  	_ =	shalt  }
0x55: {  	_ =	shalt  }
0x56: {  	_ =	shalt  }
0x57: {  	_ =	shalt  }
0x58: {  	_ =	shalt  }
0x59: {  	_ =	shalt  }
0x5a: {  	_ =	shalt  }
0x5b: {  	_ =	shalt  }
0x5c: {  	_ =	shalt  }
0x5d: {  	_ =	shalt  }
0x5e: {  	_ =	shalt  }
0x5f: {  	_ =	shalt  }
0x60: {  	_ =	shalt  }
0x61: {  	_ =	shalt  }
0x62: {  	_ =	shalt  }
0x63: {  	_ =	shalt  }
0x64: {  	_ =	shalt  }
0x65: {  	_ =	shalt  }
0x66: {  	_ =	shalt  }
0x67: {  	_ =	shalt  }
0x68: {  	_ =	shalt  }
0x69: {  	_ =	shalt  }
0x6a: {  	_ =	shalt  }
0x6b: {  	_ =	shalt  }
0x6c: {  	_ =	shalt  }
0x6d: {  	_ =	shalt  }
0x6e: {  	_ =	shalt  }
0x6f: {  	_ =	shalt  }
0x70: {  	_ =	shalt  }
0x71: {  	_ =	shalt  }
0x72: {  	_ =	shalt  }
0x73: {  	_ =	shalt  }
0x74: {  	_ =	shalt  }
0x75: {  	_ =	shalt  }
0x76: {  	_ =	shalt  }
0x77: {  	_ =	shalt  }
0x78: {  	_ =	shalt  }
0x79: {  	_ =	shalt  }
0x7a: {  	_ =	shalt  }
0x7b: {  	_ =	shalt  }
0x7c: {  	_ =	shalt  }
0x7d: {  	_ =	shalt  }
0x7e: {  	_ =	shalt  }
0x7f: {  	_ =	shalt  }
0x80: {  	_ =	shalt  }
0x81: {  	_ =	shalt  }
0x82: {  	_ =	shalt  }
0x83: {  	_ =	shalt  }
0x84: {  	_ =	shalt  }
0x85: {  	_ =	shalt  }
0x86: {  	_ =	shalt  }
0x87: {  	_ =	shalt  }
.Lfunc_end0:
.L_simem_size_0:
called_computation.2_lowered:
.L_overlay_start_0:
0x88: {  	s2 =	sld [smem:$0x3FD9]  }
0x89: {  	s3 =	sld [smem:$0x3FFE];
	_ =	sdelay $0x1  }
0x8a: {  	s1 =	srdreg.scid  }
0x8b: {  	s0 =	sand.u32 $0x1, s1  }
0x8c: {  	s16 =	sshll.u32 s0, $0xA;
	s2 =	sadd.s32 s3, s2  }
0x8d: {  	s2 =	sadd.s32 s2, s16  }
0x8e: {  	[smem:$0x3FB9] =	sst s2  }
0x8f: {  	_ = 	snop  }
0x90: {  	(tm) =	ssettm $0x1  }
0x91: {  	s17 =	sld [smem:$0x3FFB];
	_ =	sdelay $0x3  }
0x92: {  	_ =	strace s17  }
0x93: {  	s2 =	sld [smem:$0x3FFC];
	_ =	sdelay $0x3  }
0x94: {  	_ =	strace s2  }
0x95: {  	s2 =	sld [smem:$0x3FFD];
	_ =	sdelay $0x3  }
0x96: {  	_ =	strace s2  }
0x97: {  	_ =	strace $0x8FFFFFFF  }
0x98: {  	s18 =	sld [smem:$0x3FDB];
	_ =	sdelay $0x1  }
0x99: {  	s19 =	simm.s32 $_scs_section_size  }
0x9a: {  	s4 =	simm.s32 $_size__tile_overlayer_lowered;
	s5 =	simm.s32 $_tile_overlayer_lowered  }
0x9b: {  	s22 =	simm.s32 $0x1BFF;
	s21 =	sshll.u32 s5, $0x1;
	s2 =	sadd.s32 s19, s18  }
0x9c: {  	s6 =	simm.s32 $0x0;
	s20 =	sshll.u32 s4, $0x1;
	s4 =	sadd.s32 s21, s2  }
0x9d: {  	[timem:s6], [sflag:s22] =	dma.local [hbm:s4], s20  }
0x9e: {  	_ =	swait.ge [sflag:s22], s20  }
0x9f: {  	s3 =	ssub.s32 $0x0, s20;
	[sflag:s22] =	ssyncset.done $0x0  }
0xa0: {  	[sflag:s22] =	ssyncadd.s32 s3;
	_ =	sdelay $0x1  }
0xa1: {  	s23 =	simm.s32 $0x1B8B  }
0xa2: {  	_ =	swait.ge [sflag:s23], $0x1  }
0xa3: {  	[sflag:s23] =	ssyncset.done $0x0  }
0xa4: {  	s25 =	simm.s32 $0x1B8E;
	s24 =	sld [smem:$0x3FFE];
	[sflag:s23] =	ssyncadd.s32 $0xFFFFFFFF  }
0xa5: {  	s26 =	simm.s32 $execute0_lowered;
	[smem:$0x3FD2] =	sst s25  }
0xa6: {  	s4 =	sshll.u32 s26, $0x1;
	_ =	strace $0x8000004C;
	[dreg:$0x1] =	wrdreg $0xFFFFFFFF  }
0xa7: {  	s28 =	simm.s32 $_size_execute0_lowered;
	s2 =	sadd.s32 s2, s4;
	[dreg:$0x0] =	wrdreg $0x0  }
0xa8: {  	s4 =	sshll.u32 s28, $0x1;
	[dreg:$0x2] =	wrdreg s2  }
0xa9: {  	[dreg:$0x3] =	wrdreg s4  }
0xaa: {  	[dreg:$0x4] =	wrdreg $0xC0  }
0xab: {  	_ =	task [dreg:s6], $0x5FFFF  }
0xac: {  	[dreg:$0x1] =	wrdreg $0xFFFFFFFF  }
0xad: {  	[dreg:$0x0] =	wrdreg $0x60  }
0xae: {  	[dreg:$0x2] =	wrdreg s24  }
0xaf: {  	[dreg:$0x3] =	wrdreg $0x9  }
0xb0: {  	_ =	task.clear_ibuf [dreg:s6], $0x4FFFF;
	_ =	strace $0x9000004C  }
0xb1: {  	s29 =	simm.s32 $0x9;
	_ =	strace $0x8000004E  }
0xb2: {  	_ =	swait.ge [sflag:s29], $0x1  }
0xb3: {  	[sflag:s29] =	ssyncadd.s32 $0xFFFFFFFF  }
0xb4: {  	_ =	strace $0x9000004E  }
0xb5: {  	_ =	sfence  }
0xb6: {  	s30 =	sld [smem:$0x0];
	_ =	sdelay $0x2  }
0xb7: {  	s31 =	sshll.u32 s1, $0xD;
	s1 =	sshrl.u32 s1, $0x2  }
0xb8: {  	s3 =	sand.u32 $0x4000, s31;
	s1 =	sadd.s32 s1, s30  }
0xb9: {  	s0 =	sor.u32 s3, s0;
	s1 =	sshll.u32 s1, $0x11  }
0xba: {  	s0 =	sor.u32 s1, s0  }
0xbb: {  	s0 =	sadd.s32 $0x8F2B, s0  }
0xbc: {  	[sflag:s0] =	ssyncadd.remote.s32 $0x1  }
0xbd: {  	_ =	sfence.sel $0xFFFF  }
0xbe: {  	[dreg:$0x0] =	wrdreg $0xFFFFFFFF;
	(pc) =	sbr.abs _section_cstart, $3  }
0xbf: {  	[dreg:$0x1] =	wrdreg $0xFFFFFFFF  }
0xc0: {  	_ =	task.clear_ibuf [dreg:s6], $0x2FFFF;
	_ =	strace $0x9FFFFFFF  }
0xc1: {  	(tm) =	ssettm $0x7FFFFFFF  }
tec
execute0_lowered:
.L_overlay_start_1:
0x0: {  	(tag) =	ssettag $0x1  }
0x1: {  	s5 =	rddreg [dreg:$0x0]  }
0x2: {  	s0 =	rddreg [dreg:$0x1];
	s2 =	simm.s32 $0x0;
	s1 =	stileid.u32  }
0x3: {  	s3 =	srdreg.scid;
	s12 =	simm.s32 $0x1;
	s7 =	smul.u32 $0x1900, s1  }
0x4: {  	s13 =	simm.s32 $0x0;
	s6 =	sand.u32 $0x1, s3;
	s9 =	smul.u32 $0x19000, s1  }
0x5: {  	[smem:$0x7FF] =	sst s2;
	s3 =	sadd.s32 $0x7600, s5;
	s8 =	smul.u32 $0xC80, s6  }
0x6: {  	s4 =	sadd.s32 $0x2EE00, s5;
	s29 =	ssub.s32 $0x2, s6;
	s6 =	smul.u32 $0xC800, s6  }
0x7: {  	_ =	strace $0x8000004D;
	s9 =	sadd.s32 s9, s5;
	s10 =	sshrl.u32 s29, $0x1  }
0x8: {  	s7 =	sadd.s32 s8, s7;
	s30 =	ssub.s32 s29, s10;
	s31 =	sadd.s32 s6, s9  }
0x9: {  	s10 =	simm.s32 $0x2;
	s7 =	sshrl.u32 s7, $0x3;
	s6 =	sadd.s32 $0xD0E00, s31  }
0xa: {  	s11 =	sadd.s32 s7, s5;
	s5 =	smax.u32 s30, $0x1;
	s7 =	sadd.s32 $0x260E00, s31  }
0xb: {  	s8 =	sadd.s32 $0x91200, s11;
	s9 =	sadd.s32 $0x94400, s11;
	s11 =	simm.s32 $0x80  }
.LBB2_1:
0xc: {  	s14 =	sadd.s32 $0x0, s9  }
0xd: {  	[tilespmem:s2], [sflag:$0x2] =	stream.linear.gather [hbm4b:s14+s2], $0x80, $0x38;
	[tilespmem:$0x4080] =	vst v63  }
0xe: {  	_ =	swait.ge [sflag:s10], $0x80  }
0xf: {  	[sflag:s10] =	ssyncset.done $0x0  }
0x10: {  	[sflag:s10] =	ssyncadd.s32 $0xFFFFFF80  }
0x11: {  	[tilespmem:s11], [sflag:$0x1] =	stream.indirect.gather [hbm4b:s3+s11], $0x80, s2, s11, $0xb8;
	[tilespmem:$0x4080] =	vst v63  }
0x12: {  	_ =	swait.ge [sflag:s12], $0x4000  }
0x13: {  	[sflag:s12] =	ssyncset.done $0x0  }
0x14: {  	[sflag:s12] =	ssyncadd.s32 $0xFFFFC000  }
0x15: {  	[hbm4b:s6+s2] =	stream.linear.scatter [tilespmem:s11], [sflag:$0x2], $0x4000, $0x38;
	[tilespmem:$0x4080] =	vst v63  }
0x16: {  	_ =	swait.ge [sflag:s10], $0x4000  }
0x17: {  	[sflag:s10] =	ssyncset.done $0x0  }
0x18: {  	s31 =	sadd.s32 $0x0, s8;
	[sflag:s10] =	ssyncadd.s32 $0xFFFFC000  }
0x19: {  	[tilespmem:s2], [sflag:$0x2] =	stream.linear.gather [hbm4b:s31+s2], $0x80, $0x38;
	[tilespmem:$0x4080] =	vst v63  }
0x1a: {  	_ =	swait.ge [sflag:s10], $0x80  }
0x1b: {  	[sflag:s10] =	ssyncset.done $0x0  }
0x1c: {  	[sflag:s10] =	ssyncadd.s32 $0xFFFFFF80  }
0x1d: {  	[tilespmem:s11], [sflag:$0x1] =	stream.indirect.gather [hbm4b:s4+s11], $0x80, s2, s11, $0xb8;
	[tilespmem:$0x4080] =	vst v63  }
0x1e: {  	_ =	swait.ge [sflag:s12], $0x4000  }
0x1f: {  	[sflag:s12] =	ssyncset.done $0x0  }
0x20: {  	[sflag:s12] =	ssyncadd.s32 $0xFFFFC000  }
0x21: {  	[hbm4b:s7+s2] =	stream.linear.scatter [tilespmem:s11], [sflag:$0x2], $0x4000, $0x38;
	[tilespmem:$0x4080] =	vst v63  }
0x22: {  	s15 =	simm.s32 $0x10;
	s17 =	simm.s32 $0x20;
	_ =	swait.ge [sflag:s10], $0x4000  }
0x23: {  	s16 =	sadd.s32 $0x800, s6;
	s14 =	sadd.s32 $0x800, s7;
	[sflag:s10] =	ssyncset.done $0x0  }
.LBB2_2:
0x24: {  	s18 =	sadd.s32 s15, s9  }
0x25: {  	[sflag:s10] =	ssyncadd.s32 $0xFFFFC000;
	s19 =	smov.u32 s17;
	s20 =	sadd.s32 $0x10, s17  }
0x26: {  	[tilespmem:s2], [sflag:$0x2] =	stream.linear.gather [hbm4b:s18+s2], $0x80, $0x38;
	[tilespmem:$0x4080] =	vst v63  }
0x27: {  	p0 =	sne.s32 s17, $0x180;
	_ =	swait.ge [sflag:s10], $0x80  }
0x28: {  	[sflag:s10] =	ssyncset.done $0x0  }
0x29: {  	[sflag:s10] =	ssyncadd.s32 $0xFFFFFF80  }
0x2a: {  	[tilespmem:s11], [sflag:$0x1] =	stream.indirect.gather [hbm4b:s3+s11], $0x80, s2, s11, $0xb8;
	[tilespmem:$0x4080] =	vst v63  }
0x2b: {  	_ =	swait.ge [sflag:s12], $0x4000  }
0x2c: {  	[sflag:s12] =	ssyncset.done $0x0  }
0x2d: {  	[sflag:s12] =	ssyncadd.s32 $0xFFFFC000  }
0x2e: {  	[hbm4b:s16+s2] =	stream.linear.scatter [tilespmem:s11], [sflag:$0x2], $0x4000, $0x38;
	[tilespmem:$0x4080] =	vst v63  }
0x2f: {  	_ =	swait.ge [sflag:s10], $0x4000  }
0x30: {  	[sflag:s10] =	ssyncset.done $0x0  }
0x31: {  	s17 =	sadd.s32 s15, s8;
	s15 =	smov.u32 s19;
	[sflag:s10] =	ssyncadd.s32 $0xFFFFC000  }
0x32: {  	[tilespmem:s2], [sflag:$0x2] =	stream.linear.gather [hbm4b:s17+s2], $0x80, $0x38;
	[tilespmem:$0x4080] =	vst v63  }
0x33: {  	_ =	swait.ge [sflag:s10], $0x80  }
0x34: {  	[sflag:s10] =	ssyncset.done $0x0  }
0x35: {  	[sflag:s10] =	ssyncadd.s32 $0xFFFFFF80  }
0x36: {  	[tilespmem:s11], [sflag:$0x1] =	stream.indirect.gather [hbm4b:s4+s11], $0x80, s2, s11, $0xb8;
	[tilespmem:$0x4080] =	vst v63  }
0x37: {  	_ =	swait.ge [sflag:s12], $0x4000  }
.Ltmp0:
0x38: {  	[sflag:s12] =	ssyncset.done $0x0;
	(pc) =	sbr.rel @p0 .LBB2_2-.Ltmp0, $4  }
0x39: {  	[sflag:s12] =	ssyncadd.s32 $0xFFFFC000  }
0x3a: {  	[hbm4b:s14+s2] =	stream.linear.scatter [tilespmem:s11], [sflag:$0x2], $0x4000, $0x38;
	[tilespmem:$0x4080] =	vst v63  }
0x3b: {  	s16 =	sadd.s32 $0x800, s16;
	_ =	swait.ge [sflag:s10], $0x4000  }
0x3c: {  	s17 =	smov.u32 s20;
	s14 =	sadd.s32 $0x800, s14;
	[sflag:s10] =	ssyncset.done $0x0  }
0x3d: {  	s17 =	sadd.s32 s15, s9;
	[sflag:s10] =	ssyncadd.s32 $0xFFFFC000  }
0x3e: {  	[tilespmem:s2], [sflag:$0x2] =	stream.linear.gather [hbm4b:s17+s2], $0x80, $0x38;
	[tilespmem:$0x4080] =	vst v63  }
0x3f: {  	_ =	swait.ge [sflag:s10], $0x80  }
0x40: {  	[sflag:s10] =	ssyncset.done $0x0  }
0x41: {  	[sflag:s10] =	ssyncadd.s32 $0xFFFFFF80  }
0x42: {  	[tilespmem:s11], [sflag:$0x1] =	stream.indirect.gather [hbm4b:s3+s11], $0x80, s2, s11, $0xb8;
	[tilespmem:$0x4080] =	vst v63  }
0x43: {  	_ =	swait.ge [sflag:s12], $0x4000  }
0x44: {  	[sflag:s12] =	ssyncset.done $0x0  }
0x45: {  	[sflag:s12] =	ssyncadd.s32 $0xFFFFC000  }
0x46: {  	[hbm4b:s16+s2] =	stream.linear.scatter [tilespmem:s11], [sflag:$0x2], $0x4000, $0x38;
	[tilespmem:$0x4080] =	vst v63  }
0x47: {  	_ =	swait.ge [sflag:s10], $0x4000  }
0x48: {  	[sflag:s10] =	ssyncset.done $0x0  }
0x49: {  	s31 =	sadd.s32 s15, s8;
	[sflag:s10] =	ssyncadd.s32 $0xFFFFC000  }
0x4a: {  	[tilespmem:s2], [sflag:$0x2] =	stream.linear.gather [hbm4b:s31+s2], $0x80, $0x38;
	[tilespmem:$0x4080] =	vst v63  }
0x4b: {  	_ =	swait.ge [sflag:s10], $0x80  }
0x4c: {  	[sflag:s10] =	ssyncset.done $0x0  }
0x4d: {  	[sflag:s10] =	ssyncadd.s32 $0xFFFFFF80  }
0x4e: {  	[tilespmem:s11], [sflag:$0x1] =	stream.indirect.gather [hbm4b:s4+s11], $0x80, s2, s11, $0xb8;
	[tilespmem:$0x4080] =	vst v63  }
0x4f: {  	s13 =	sadd.s32 $0x1, s13;
	_ =	swait.ge [sflag:s12], $0x4000  }
0x50: {  	p0 =	sne.s32 s13, s5;
	[sflag:s12] =	ssyncset.done $0x0  }
.Ltmp1:
0x51: {  	[sflag:s12] =	ssyncadd.s32 $0xFFFFC000;
	(pc) =	sbr.rel @p0 .LBB2_1-.Ltmp1, $4  }
0x52: {  	[hbm4b:s14+s2] =	stream.linear.scatter [tilespmem:s11], [sflag:$0x2], $0x4000, $0x38;
	[tilespmem:$0x4080] =	vst v63  }
0x53: {  	_ =	swait.ge [sflag:s10], $0x4000  }
0x54: {  	[sflag:s10] =	ssyncset.done $0x0  }
0x55: {  	[sflag:s10] =	ssyncadd.s32 $0xFFFFC000  }
0x56: {  	_ =	sfence.sel $0x180000  }
0x57: {  	[bflag:$0x0] =	sbarrier.arrive $0xFFFF  }
0x58: {  	p0 =	sne.s32 s1, $0x0;
	_ =	strace $0x9000004D  }
0x59: {  	s0 =	sadd.s32 @!p0 $0x100000, s0;
	[bflag:$0x2] =	sbarrier.arrive $0xFFFF  }
0x5a: {  	[sflag:s0] =	ssyncadd.tile.s32 @!p0 $0x1;
	_ =	shalt  }
.Lfunc_end2:
_tile_overlayer_lowered:
.L_overlay_start_2:
0x5b: {  	(tag) =	ssettag $0x2  }
0x5c: {  	s0 =	rddreg [dreg:$0x0];
	s2 =	stileid.u32  }
0x5d: {  	s1 =	rddreg [dreg:$0x1];
	p0 =	sne.s32 s2, $0x0  }
0x5e: {  	s3 =	rddreg [dreg:$0x2];
	[bflag:$0x3] =	sbarrier.arrive $0xFFFF;
	s2 =	simm.s32 @!p0 $0x1C02  }
0x5f: {  	[timem:s3], [sflag:s2] =	dma.local @!p0 [hbm:s0], s1  }
0x60: {  	s0 =	simm.s32 @!p0 $0x2  }
0x61: {  	_ =	swait.ge @!p0 [sflag:s0], s1  }
0x62: {  	s1 =	ssub.s32 @!p0 $0x0, s1;
	[sflag:s0] =	ssyncset.done @!p0 $0x0  }
0x63: {  	[sflag:s0] =	ssyncadd.s32 @!p0 s1  }
0x64: {  	[bflag:$0x3] =	sbarrier.arrive $0xFFFF  }
0x65: {  	_ =	shalt  }

// kernel: kernel.8.cloned.1.call-start
scs
__scs_entry_jumppad:
0x0: {  	(pc) =	sbr.rel $0x88, $3  }
0x1: {  	(tag) =	ssettag $0x0;
	lr =	simm.s32 $0x1  }
0x2: {  	[smem:$0x3F92] =	sst lr;
	_ =	strace $0xD0000000  }
0x3: {  	_ = 	snop  }
0x4: {  	_ = 	snop  }
0x5: {  	_ = 	snop  }
0x6: {  	_ = 	snop  }
0x7: {  	_ = 	snop  }
__scs_overlays_trampoline_lowered:
0x8: {  	[smem:$0x3FA1] =	sst s0  }
0x9: {  	[smem:$0x3FA2] =	sst s1  }
0xa: {  	[smem:$0x3FA3] =	sst s2  }
0xb: {  	[smem:$0x3FA4] =	sst s3  }
0xc: {  	[smem:$0x3FA5] =	sst s4  }
0xd: {  	[smem:$0x3FA6] =	sst s5  }
0xe: {  	[smem:$0x3FA7] =	sst s6  }
0xf: {  	[smem:$0x3FA8] =	sst s7  }
0x10: {  	[smem:$0x3FA9] =	sst s8  }
0x11: {  	[smem:$0x3FAA] =	sst s9;
	s0 =	simm.s32 @!p0 $0x0  }
0x12: {  	s1 =	sld [smem:$0x3F90];
	s0 =	simm.s32 @p0 $0x1  }
0x13: {  	[smem:$0x3FAB] =	sst s0;
	s0 =	simm.s32 @!p1 $0x0  }
0x14: {  	s2 =	sld [smem:$0x3F8F];
	s0 =	simm.s32 @p1 $0x1  }
0x15: {  	[smem:$0x3FAC] =	sst s0;
	s0 =	simm.s32 @!p2 $0x0  }
0x16: {  	s3 =	sld [smem:$0x3FDB];
	s0 =	simm.s32 @p2 $0x1  }
0x17: {  	s4 =	simm.s32 $0x1BF5;
	[smem:$0x3FAE] =	sst s0  }
0x18: {  	s0 =	sld [smem:$0x3F91];
	_ =	swait.ge [sflag:s4], $0x0  }
0x19: {  	s7 =	sld [smem:$0x3F92]  }
0x1a: {  	s8 =	sadd.s32 $0xFFFFE003, lr  }
0x1b: {  	s9 =	sadd.s32 $0xFFFFFEF7, lr;
	s5 =	simm.s32 $0xFFFFFFFF;
	p2 =	slt.u32 s8, $0xFFFFF086  }
0x1c: {  	p1 =	slt.u32 s9, $0xF7A;
	s5 =	simm.s32 @!p2 $0x0  }
0x1d: {  	s5 =	simm.s32 @p1 $0x1;
	p0 =	seq.s32 s7, s2  }
0x1e: {  	s7 =	smul.u32 @!p0 $0xF7A, s2;
	p2 =	seq.s32 @!p0 s5, $0x0  }
0x1f: {  	s9 =	smul.u32 $0xF7A, s1;
	s8 =	simm.s32 @!p0 $0x1BF5;
	p2 =	por !p2, p0  }
0x20: {  	[sflag:s8] =	ssyncset.s32 @!p0 $0xFFFFF086;
	s6 =	sadd.s32 @!p0 s3, s7;
	s7 =	simm.s32 @!p0 $0x108  }
0x21: {  	s3 =	sadd.s32 s3, s9;
	s6 =	sadd.s32 @!p0 $0x88, s6;
	s7 =	simm.s32 @p2 $0x1082  }
0x22: {  	[simem:s7], [sflag:s8] =	dma.local @!p0 [hbm:s6], $0xF7A  }
0x23: {  	s9 =	sor.u32 $0xD0000000, s2;
	s6 =	simm.s32 $0x108;
	_ =	swait.ge @!p0 [sflag:s8], $0x0  }
0x24: {  	s3 =	sadd.s32 $0x88, s3;
	s6 =	simm.s32 @!p1 $0x1082;
	[sflag:s4] =	ssyncset.s32 $0xFFFFF086  }
0x25: {  	[simem:s6], [sflag:s4] =	dma.local [hbm:s3], $0xF7A  }
0x26: {  	[smem:$0x3F92] =	sst s1;
	(tag) =	ssettag s2;
	_ =	strace s9  }
0x27: {  	s1 =	sld [smem:$0x3FA2]  }
0x28: {  	s2 =	sld [smem:$0x3FA3]  }
0x29: {  	s4 =	sld [smem:$0x3FA5]  }
0x2a: {  	p0 =	seq.s32 s5, $0x0;
	s5 =	sld [smem:$0x3FA6]  }
0x2b: {  	s6 =	sld [smem:$0x3FA7]  }
0x2c: {  	s7 =	sld [smem:$0x3FA8]  }
0x2d: {  	s3 =	simm.s32 $0x108;
	s8 =	sld [smem:$0x3FA9]  }
0x2e: {  	s3 =	simm.s32 @!p0 $0x1082;
	s9 =	sld [smem:$0x3FAA]  }
0x2f: {  	lr =	sadd.s32 s0, s3;
	s0 =	sld [smem:$0x3FA1]  }
0x30: {  	s3 =	sld [smem:$0x3FA4]  }
0x31: {  	[smem:$0x3FAD] =	sst s10  }
0x32: {  	s10 =	sld [smem:$0x3FAB];
	_ =	sdelay $0x3  }
0x33: {  	p0 =	seq.s32 s10, $0x1;
	s10 =	sld [smem:$0x3FAD];
	_ =	sdelay $0x3  }
0x34: {  	[smem:$0x3FAD] =	sst s10  }
0x35: {  	s10 =	sld [smem:$0x3FAC];
	_ =	sdelay $0x3  }
0x36: {  	p1 =	seq.s32 s10, $0x1;
	s10 =	sld [smem:$0x3FAD];
	_ =	sdelay $0x3  }
0x37: {  	[smem:$0x3FAD] =	sst s10  }
0x38: {  	s10 =	sld [smem:$0x3FAE]  }
0x39: {  	_ = 	snop;
	(pc) =	sbr.ind lr, $3  }
0x3a: {  	_ = 	snop  }
0x3b: {  	_ = 	snop  }
0x3c: {  	p2 =	seq.s32 s10, $0x1;
	s10 =	sld [smem:$0x3FAD]  }
0x3d: {  	_ =	shalt  }
0x3e: {  	_ =	shalt  }
0x3f: {  	_ =	shalt  }
0x40: {  	_ =	shalt  }
0x41: {  	_ =	shalt  }
0x42: {  	_ =	shalt  }
0x43: {  	_ =	shalt  }
0x44: {  	_ =	shalt  }
0x45: {  	_ =	shalt  }
0x46: {  	_ =	shalt  }
0x47: {  	_ =	shalt  }
0x48: {  	_ =	shalt  }
0x49: {  	_ =	shalt  }
0x4a: {  	_ =	shalt  }
0x4b: {  	_ =	shalt  }
0x4c: {  	_ =	shalt  }
0x4d: {  	_ =	shalt  }
0x4e: {  	_ =	shalt  }
0x4f: {  	_ =	shalt  }
0x50: {  	_ =	shalt  }
0x51: {  	_ =	shalt  }
0x52: {  	_ =	shalt  }
0x53: {  	_ =	shalt  }
0x54: {  	_ =	shalt  }
0x55: {  	_ =	shalt  }
0x56: {  	_ =	shalt  }
0x57: {  	_ =	shalt  }
0x58: {  	_ =	shalt  }
0x59: {  	_ =	shalt  }
0x5a: {  	_ =	shalt  }
0x5b: {  	_ =	shalt  }
0x5c: {  	_ =	shalt  }
0x5d: {  	_ =	shalt  }
0x5e: {  	_ =	shalt  }
0x5f: {  	_ =	shalt  }
0x60: {  	_ =	shalt  }
0x61: {  	_ =	shalt  }
0x62: {  	_ =	shalt  }
0x63: {  	_ =	shalt  }
0x64: {  	_ =	shalt  }
0x65: {  	_ =	shalt  }
0x66: {  	_ =	shalt  }
0x67: {  	_ =	shalt  }
0x68: {  	_ =	shalt  }
0x69: {  	_ =	shalt  }
0x6a: {  	_ =	shalt  }
0x6b: {  	_ =	shalt  }
0x6c: {  	_ =	shalt  }
0x6d: {  	_ =	shalt  }
0x6e: {  	_ =	shalt  }
0x6f: {  	_ =	shalt  }
0x70: {  	_ =	shalt  }
0x71: {  	_ =	shalt  }
0x72: {  	_ =	shalt  }
0x73: {  	_ =	shalt  }
0x74: {  	_ =	shalt  }
0x75: {  	_ =	shalt  }
0x76: {  	_ =	shalt  }
0x77: {  	_ =	shalt  }
0x78: {  	_ =	shalt  }
0x79: {  	_ =	shalt  }
0x7a: {  	_ =	shalt  }
0x7b: {  	_ =	shalt  }
0x7c: {  	_ =	shalt  }
0x7d: {  	_ =	shalt  }
0x7e: {  	_ =	shalt  }
0x7f: {  	_ =	shalt  }
0x80: {  	_ =	shalt  }
0x81: {  	_ =	shalt  }
0x82: {  	_ =	shalt  }
0x83: {  	_ =	shalt  }
0x84: {  	_ =	shalt  }
0x85: {  	_ =	shalt  }
0x86: {  	_ =	shalt  }
0x87: {  	_ =	shalt  }
.Lfunc_end0:
.L_simem_size_0:
called_computation_lowered:
.L_overlay_start_0:
0x88: {  	s2 =	sld [smem:$0x3FD9]  }
0x89: {  	s3 =	sld [smem:$0x3FFE];
	_ =	sdelay $0x1  }
0x8a: {  	s1 =	srdreg.scid  }
0x8b: {  	s0 =	sand.u32 $0x1, s1  }
0x8c: {  	s14 =	sshll.u32 s0, $0xA;
	s2 =	sadd.s32 s3, s2  }
0x8d: {  	s2 =	sadd.s32 s2, s14  }
0x8e: {  	[smem:$0x3FB9] =	sst s2  }
0x8f: {  	_ = 	snop  }
0x90: {  	s2 =	sld [smem:$0x3FD0];
	_ =	sdelay $0x2  }
0x91: {  	s15 =	simm.s32 $0xA;
	s4 =	simm.s32 $0x10  }
0x92: {  	[smem:s4], [sflag:s15] =	dma.local [hbm:s2], $0x1  }
0x93: {  	_ =	swait.eq [sflag:s15], $0x1  }
0x94: {  	s16 =	sld [smem:$0x10]  }
0x95: {  	s17 =	sld [smem:$0x11]  }
0x96: {  	s5 =	sld [smem:$0x12];
	[sflag:s15] =	ssyncset.done $0x0  }
0x97: {  	s6 =	sld [smem:$0x13];
	[sflag:s15] =	ssyncadd.s32 $0xFFFFFFFF  }
0x98: {  	s18 =	sld [smem:$0x14];
	(tm) =	ssettm $0x1  }
0x99: {  	s7 =	sld [smem:$0x3FFB];
	_ =	sdelay $0x3  }
0x9a: {  	_ =	strace s7  }
0x9b: {  	s7 =	sld [smem:$0x3FFC];
	_ =	sdelay $0x3  }
0x9c: {  	_ =	strace s7  }
0x9d: {  	s7 =	sld [smem:$0x3FFD];
	_ =	sdelay $0x3  }
0x9e: {  	_ =	strace s7  }
0x9f: {  	_ =	strace $0x8FFFFFFF  }
0xa0: {  	s19 =	sld [smem:$0x3FDB];
	_ =	sdelay $0x1  }
0xa1: {  	s8 =	simm.s32 $_scs_section_size  }
0xa2: {  	s9 =	simm.s32 $_size__tile_overlayer_lowered;
	s10 =	simm.s32 $_tile_overlayer_lowered  }
0xa3: {  	s22 =	simm.s32 $0x1BFF;
	s21 =	sshll.u32 s10, $0x1;
	s7 =	sadd.s32 s8, s19  }
0xa4: {  	s11 =	simm.s32 $0x0;
	s20 =	sshll.u32 s9, $0x1;
	s9 =	sadd.s32 s21, s7  }
0xa5: {  	[timem:s11], [sflag:s22] =	dma.local [hbm:s9], s20  }
0xa6: {  	_ =	swait.ge [sflag:s22], s20  }
0xa7: {  	s8 =	ssub.s32 $0x0, s20;
	[sflag:s22] =	ssyncset.done $0x0  }
0xa8: {  	[sflag:s22] =	ssyncadd.s32 s8;
	_ =	sdelay $0x1  }
0xa9: {  	s23 =	simm.s32 $0x1B8B  }
0xaa: {  	_ =	swait.ge [sflag:s23], $0x1  }
0xab: {  	[sflag:s23] =	ssyncset.done $0x0  }
0xac: {  	s25 =	simm.s32 $0x1B8E;
	s24 =	sld [smem:$0x3FFE];
	[sflag:s23] =	ssyncadd.s32 $0xFFFFFFFF  }
0xad: {  	s26 =	simm.s32 $execute0_lowered;
	[smem:$0x3FD2] =	sst s25  }
0xae: {  	s9 =	sshll.u32 s26, $0x1;
	_ =	strace $0x80000046;
	[dreg:$0x1] =	wrdreg $0xFFFFFFFF  }
0xaf: {  	s28 =	simm.s32 $_size_execute0_lowered;
	s7 =	sadd.s32 s7, s9;
	[dreg:$0x0] =	wrdreg $0x0  }
0xb0: {  	s9 =	sshll.u32 s28, $0x1;
	[dreg:$0x2] =	wrdreg s7  }
0xb1: {  	[dreg:$0x3] =	wrdreg s9  }
0xb2: {  	[dreg:$0x4] =	wrdreg $0xC0  }
0xb3: {  	_ =	task [dreg:s11], $0x5FFFF  }
0xb4: {  	[dreg:$0x1] =	wrdreg $0xFFFFFFFF  }
0xb5: {  	[dreg:$0x0] =	wrdreg $0x60  }
0xb6: {  	[dreg:$0x2] =	wrdreg s24  }
0xb7: {  	[dreg:$0x3] =	wrdreg s18  }
0xb8: {  	[dreg:$0x4] =	wrdreg s16  }
0xb9: {  	[dreg:$0x5] =	wrdreg s6  }
0xba: {  	[dreg:$0x6] =	wrdreg s5  }
0xbb: {  	[dreg:$0x7] =	wrdreg s17  }
0xbc: {  	[dreg:$0x8] =	wrdreg $0xEE800  }
0xbd: {  	[dreg:$0x9] =	wrdreg $0x18C800  }
0xbe: {  	[dreg:$0xa] =	wrdreg $0x9  }
0xbf: {  	_ =	task.clear_ibuf [dreg:s11], $0xBFFFF;
	_ =	strace $0x90000046  }
0xc0: {  	s29 =	simm.s32 $0x9;
	_ =	strace $0x80000048  }
0xc1: {  	_ =	swait.ge [sflag:s29], $0x1  }
0xc2: {  	[sflag:s29] =	ssyncadd.s32 $0xFFFFFFFF  }
0xc3: {  	_ =	strace $0x90000048  }
0xc4: {  	_ =	sfence  }
0xc5: {  	s30 =	sld [smem:$0x0];
	_ =	sdelay $0x2  }
0xc6: {  	s31 =	sshll.u32 s1, $0xD;
	s1 =	sshrl.u32 s1, $0x2  }
0xc7: {  	s3 =	sand.u32 $0x4000, s31;
	s1 =	sadd.s32 s1, s30  }
0xc8: {  	s0 =	sor.u32 s3, s0;
	s1 =	sshll.u32 s1, $0x11  }
0xc9: {  	s0 =	sor.u32 s1, s0  }
0xca: {  	s0 =	sadd.s32 $0x8F2B, s0  }
0xcb: {  	[sflag:s0] =	ssyncadd.remote.s32 $0x1  }
0xcc: {  	_ =	sfence.sel $0xFFFF  }
0xcd: {  	[dreg:$0x0] =	wrdreg $0xFFFFFFFF;
	(pc) =	sbr.abs _section_cstart, $3  }
0xce: {  	[dreg:$0x1] =	wrdreg $0xFFFFFFFF  }
0xcf: {  	_ =	task.clear_ibuf [dreg:s11], $0x2FFFF;
	_ =	strace $0x9FFFFFFF  }
0xd0: {  	(tm) =	ssettm $0x7FFFFFFF  }
0xd1: {  	_ =	shalt  }
tec
execute0_lowered:
.L_overlay_start_1:
0x0: {  	(tag) =	ssettag $0x1  }
0x1: {  	s0 =	rddreg [dreg:$0x0]  }
0x2: {  	s1 =	rddreg [dreg:$0x1]  }
0x3: {  	s5 =	rddreg [dreg:$0x6]  }
0x4: {  	s7 =	rddreg [dreg:$0x7]  }
0x5: {  	s8 =	simm.s32 $0x0;
	s14 =	stileid.u32;
	s4 =	srdreg.scid  }
0x6: {  	s28 =	simm.s32 $0x2100;
	s29 =	simm.s32 $0x2;
	s30 =	simm.s32 $0x2900  }
0x7: {  	s31 =	simm.s32 $0xC700;
	[smem:$0x7FF] =	sst s8;
	s2 =	smul.u32 $0x1390, s14  }
0x8: {  	s9 =	sadd.s32 $0x69800, s0;
	s10 =	sadd.s32 $0x55E00, s0;
	s3 =	smul.u32 $0x2780, s14  }
0x9: {  	s11 =	sadd.s32 $0x90C00, s0;
	s12 =	sadd.s32 $0x7D200, s0;
	s4 =	sand.u32 $0x1, s4  }
0xa: {  	s19 =	smul.u32 $0x9E00, s14;
	s24 =	sadd.s32 $0xB3600, s0;
	s25 =	sadd.s32 $0xA9600, s0  }
0xb: {  	_ =	strace $0x80000047;
	s17 =	ssub.s32 $0x2, s4;
	[dreg:$0x9] =	wrdreg s24  }
0xc: {  	[dreg:$0xa] =	wrdreg s25;
	p0 =	sne.s32 s4, $0x0;
	s2 =	sadd.s32 s2, s0  }
0xd: {  	s13 =	sshrl.u32 s3, $0x3;
	s18 =	sshrl.u32 s17, $0x1;
	s21 =	sadd.s32 s3, s7  }
0xe: {  	s3 =	simm.s32 $0x0;
	s6 =	sadd.s32 s13, s0;
	s0 =	sadd.s32 $0xAE600, s0  }
.Ltmp0:
0xf: {  	s26 =	ssub.s32 s17, s18;
	s17 =	sshrl.u32 s19, $0x3;
	(pc) =	sbr.rel .LBB2_1-.Ltmp0, $4  }
0x10: {  	s19 =	sadd.s32 s19, s5;
	s23 =	sadd.s32 $0x42400, s2;
	s24 =	sadd.s32 $0x1B000, s2  }
0x11: {  	s25 =	sadd.s32 $0x2EA00, s2;
	[dreg:$0xb] =	wrdreg s0;
	s18 =	sadd.s32 s1, s17  }
0x12: {  	s20 =	sadd.s32 $0xA4600, s6;
	s22 =	smax.u32 s26, $0x1;
	s26 =	sadd.s32 $0x7600, s2  }
0x13: {  	s0 =	simm.s32 $0x80;
	s6 =	simm.s32 $0x100;
	s2 =	simm.s32 $0x1  }
.LBB2_14:
0x14: {  	s1 =	sadd.s32 s4, s24;
	[sflag:s29] =	ssyncadd.s32 $0xFFFFE000  }
0x15: {  	[tilespmem:s8], [sflag:$0x2] =	stream.linear.gather [hbm4b:s1+s8], $0x80, $0x38;
	[tilespmem:$0x1B400] =	vst v63  }
0x16: {  	_ =	swait.ge [sflag:s29], $0x80  }
0x17: {  	[sflag:s29] =	ssyncset.done $0x0  }
0x18: {  	s16 =	sadd.s32 s4, s23;
	[sflag:s29] =	ssyncadd.s32 $0xFFFFFF80  }
0x19: {  	[tilespmem:s0], [sflag:$0x2] =	stream.linear.gather [hbm4b:s16+s8], $0x80, $0x38;
	[tilespmem:$0x1B400] =	vst v63  }
0x1a: {  	_ =	swait.ge [sflag:s29], $0x80  }
0x1b: {  	[sflag:s29] =	ssyncset.done $0x0  }
0x1c: {  	[sflag:s29] =	ssyncadd.s32 $0xFFFFFF80  }
0x1d: {  	[tilespmem:s6], [sflag:$0x1] =	stream.indirect.gather [hbm4b:s12+s0], $0x40, s8, s0, $0xb8;
	[tilespmem:$0x1B400] =	vst v63  }
0x1e: {  	_ =	swait.ge [sflag:s2], $0x2000  }
0x1f: {  	[sflag:s2] =	ssyncset.done $0x0  }
0x20: {  	[sflag:s2] =	ssyncadd.s32 $0xFFFFE000  }
0x21: {  	[spmem:s5] =	stream.indirect.scatter.add.f32 [tilespmem:s6], [sflag:$0x2], $0x40, s0, s0, $0xb8;
	[tilespmem:$0x1B400] =	vst v63  }
0x22: {  	_ =	swait.ge [sflag:s29], $0x2000  }
0x23: {  	[sflag:s29] =	ssyncset.done $0x0  }
0x24: {  	s1 =	rddreg [dreg:$0x9];
	[sflag:s29] =	ssyncadd.s32 $0xFFFFE000  }
.LBB2_15:
0x25: {  	[bflag:$0x0] =	sbarrier.arrive $0xFFFF  }
0x26: {  	[tilespmem:s30], [sflag:$0x2] =	stream.linear.gather [spmem:s19], $0x9E00, $0x38;
	[tilespmem:$0x1B400] =	vst v63  }
0x27: {  	s3 =	sadd.s32 $0x1, s3;
	_ =	swait.ge [sflag:s29], $0x9E00  }
0x28: {  	p1 =	sne.s32 s3, s22;
	[sflag:s29] =	ssyncset.done $0x0  }
.Ltmp1:
0x29: {  	s1 =	sadd.s32 s1, s17;
	[sflag:s29] =	ssyncadd.s32 $0xFFFF6200;
	(pc) =	sbr.rel @!p1 .LBB2_16-.Ltmp1, $4  }
0x2a: {  	[hbm4b:s1+s8] =	stream.linear.scatter [tilespmem:s30], [sflag:$0x2], $0x9E00, $0x38;
	[tilespmem:$0x1B400] =	vst v63  }
0x2b: {  	_ =	swait.ge [sflag:s29], $0x9E00  }
0x2c: {  	[sflag:s29] =	ssyncset.done $0x0  }
0x2d: {  	[sflag:s29] =	ssyncadd.s32 $0xFFFF6200  }
.LBB2_1:
0x2e: {  	s1 =	rddreg [dreg:$0x2]  }
0x2f: {  	[tilespmem:s28], [sflag:$0x2] =	stream.linear.gather [hbm4b:s1+s8], $0x800, $0x38;
	[tilespmem:$0x1B400] =	vst v63  }
0x30: {  	_ =	swait.ge [sflag:s29], $0x800  }
0x31: {  	[sflag:s29] =	ssyncset.done $0x0  }
0x32: {  	[sflag:s29] =	ssyncadd.s32 $0xFFFFF800  }
0x33: {  	[tilespmem:s30], [sflag:$0x2] =	stream.linear.gather [hbm4b:s18+s8], $0x9E00, $0x38;
	[tilespmem:$0x1B400] =	vst v63  }
0x34: {  	_ =	swait.ge [sflag:s29], $0x9E00  }
0x35: {  	[sflag:s29] =	ssyncset.done $0x0  }
0x36: {  	[sflag:s29] =	ssyncadd.s32 $0xFFFF6200  }
0x37: {  	[spmem:s19] =	stream.linear.scatter [tilespmem:s30], [sflag:$0x2], $0x9E00, $0x38;
	[tilespmem:$0x1B400] =	vst v63  }
0x38: {  	_ =	swait.ge [sflag:s29], $0x9E00  }
0x39: {  	[sflag:s29] =	ssyncset.done $0x0  }
0x3a: {  	[sflag:s29] =	ssyncadd.s32 $0xFFFF6200  }
0x3b: {  	[tilespmem:s31], [sflag:$0x2] =	stream.linear.gather [hbm4b:s20+s8], $0x2780, $0x38;
	[tilespmem:$0x1B400] =	vst v63  }
0x3c: {  	_ =	swait.ge [sflag:s29], $0x2780  }
0x3d: {  	[sflag:s29] =	ssyncset.done $0x0  }
0x3e: {  	[sflag:s29] =	ssyncadd.s32 $0xFFFFD880  }
0x3f: {  	[spmem:s21] =	stream.linear.scatter [tilespmem:s31], [sflag:$0x2], $0x2780, $0x38;
	[tilespmem:$0x1B400] =	vst v63  }
.Ltmp2:
0x40: {  	_ =	swait.ge [sflag:s29], $0x2780;
	(pc) =	sbr.rel @p0 .LBB2_5-.Ltmp2, $3  }
0x41: {  	[sflag:s29] =	ssyncset.done $0x0  }
0x42: {  	[sflag:s29] =	ssyncadd.s32 $0xFFFFD880  }
0x43: {  	[bflag:$0x0] =	sbarrier.arrive $0xFFFF;
	_ =	sdelay $0x1  }
0x44: {  	s1 =	sadd.s32 $0x0, s26  }
0x45: {  	[tilespmem:s8], [sflag:$0x2] =	stream.linear.gather [hbm4b:s1+s8], $0x80, $0x38;
	[tilespmem:$0x1B400] =	vst v63  }
0x46: {  	_ =	swait.ge [sflag:s29], $0x80  }
0x47: {  	[sflag:s29] =	ssyncset.done $0x0  }
0x48: {  	s16 =	sadd.s32 $0x0, s25;
	[sflag:s29] =	ssyncadd.s32 $0xFFFFFF80  }
0x49: {  	[tilespmem:s0], [sflag:$0x2] =	stream.linear.gather [hbm4b:s16+s8], $0x80, $0x38;
	[tilespmem:$0x1B400] =	vst v63  }
0x4a: {  	_ =	swait.ge [sflag:s29], $0x80  }
0x4b: {  	[sflag:s29] =	ssyncset.done $0x0  }
0x4c: {  	[sflag:s29] =	ssyncadd.s32 $0xFFFFFF80  }
0x4d: {  	[tilespmem:s6], [sflag:$0x1] =	stream.indirect.gather [hbm4b:s9+s0], $0x40, s8, s0, $0xb8;
	[tilespmem:$0x1B400] =	vst v63  }
0x4e: {  	_ =	swait.ge [sflag:s2], $0x2000  }
0x4f: {  	[sflag:s2] =	ssyncset.done $0x0  }
0x50: {  	[sflag:s2] =	ssyncadd.s32 $0xFFFFE000  }
0x51: {  	[spmem:s5] =	stream.indirect.scatter.add.f32 [tilespmem:s6], [sflag:$0x2], $0x40, s0, s0, $0xb8;
	[tilespmem:$0x1B400] =	vst v63  }
0x52: {  	_ =	swait.ge [sflag:s29], $0x2000  }
0x53: {  	[sflag:s29] =	ssyncset.done $0x0  }
0x54: {  	[sflag:s29] =	ssyncadd.s32 $0xFFFFE000  }
0x55: {  	[spmem:s7] =	stream.indirect.scatter.add.f32 [tilespmem:s28], [sflag:$0x2], $0x10, s0, s0, $0xb8;
	[tilespmem:$0x1B400] =	vst v63  }
0x56: {  	_ =	swait.ge [sflag:s29], $0x800  }
0x57: {  	s4 =	simm.s32 $0x10;
	s1 =	simm.s32 $0x20;
	[sflag:s29] =	ssyncset.done $0x0  }
.LBB2_3:
0x58: {  	s14 =	sadd.s32 s4, s26  }
0x59: {  	[sflag:s29] =	ssyncadd.s32 $0xFFFFF800;
	s15 =	smov.u32 s1;
	s16 =	sadd.s32 $0x10, s1  }
0x5a: {  	[tilespmem:s8], [sflag:$0x2] =	stream.linear.gather [hbm4b:s14+s8], $0x80, $0x38;
	[tilespmem:$0x1B400] =	vst v63  }
0x5b: {  	p1 =	seq.s32 s1, $0x1380;
	_ =	swait.ge [sflag:s29], $0x80  }
0x5c: {  	[sflag:s29] =	ssyncset.done $0x0  }
0x5d: {  	s1 =	sadd.s32 s4, s25;
	s4 =	smov.u32 s15;
	[sflag:s29] =	ssyncadd.s32 $0xFFFFFF80  }
0x5e: {  	[tilespmem:s0], [sflag:$0x2] =	stream.linear.gather [hbm4b:s1+s8], $0x80, $0x38;
	[tilespmem:$0x1B400] =	vst v63  }
0x5f: {  	_ =	swait.ge [sflag:s29], $0x80  }
0x60: {  	[sflag:s29] =	ssyncset.done $0x0  }
0x61: {  	[sflag:s29] =	ssyncadd.s32 $0xFFFFFF80  }
0x62: {  	[tilespmem:s6], [sflag:$0x1] =	stream.indirect.gather [hbm4b:s9+s0], $0x40, s8, s0, $0xb8;
	[tilespmem:$0x1B400] =	vst v63  }
0x63: {  	_ =	swait.ge [sflag:s2], $0x2000  }
0x64: {  	[sflag:s2] =	ssyncset.done $0x0  }
0x65: {  	[sflag:s2] =	ssyncadd.s32 $0xFFFFE000  }
0x66: {  	[spmem:s5] =	stream.indirect.scatter.add.f32 [tilespmem:s6], [sflag:$0x2], $0x40, s0, s0, $0xb8;
	[tilespmem:$0x1B400] =	vst v63  }
0x67: {  	_ =	swait.ge [sflag:s29], $0x2000  }
.Ltmp3:
0x68: {  	[sflag:s29] =	ssyncset.done $0x0;
	(pc) =	sbr.rel @!p1 .LBB2_3-.Ltmp3, $4  }
0x69: {  	[sflag:s29] =	ssyncadd.s32 $0xFFFFE000  }
0x6a: {  	[spmem:s7] =	stream.indirect.scatter.add.f32 [tilespmem:s28], [sflag:$0x2], $0x10, s0, s0, $0xb8;
	[tilespmem:$0x1B400] =	vst v63  }
0x6b: {  	_ =	swait.ge [sflag:s29], $0x800  }
0x6c: {  	s1 =	smov.u32 s16;
	[sflag:s29] =	ssyncset.done $0x0  }
0x6d: {  	s1 =	sadd.s32 s4, s26;
	[sflag:s29] =	ssyncadd.s32 $0xFFFFF800  }
0x6e: {  	[tilespmem:s8], [sflag:$0x2] =	stream.linear.gather [hbm4b:s1+s8], $0x80, $0x38;
	[tilespmem:$0x1B400] =	vst v63  }
0x6f: {  	_ =	swait.ge [sflag:s29], $0x80  }
0x70: {  	[sflag:s29] =	ssyncset.done $0x0  }
0x71: {  	s16 =	sadd.s32 s4, s25;
	[sflag:s29] =	ssyncadd.s32 $0xFFFFFF80  }
0x72: {  	[tilespmem:s0], [sflag:$0x2] =	stream.linear.gather [hbm4b:s16+s8], $0x80, $0x38;
	[tilespmem:$0x1B400] =	vst v63  }
0x73: {  	_ =	swait.ge [sflag:s29], $0x80  }
0x74: {  	[sflag:s29] =	ssyncset.done $0x0  }
0x75: {  	[sflag:s29] =	ssyncadd.s32 $0xFFFFFF80  }
0x76: {  	[tilespmem:s6], [sflag:$0x1] =	stream.indirect.gather [hbm4b:s9+s0], $0x40, s8, s0, $0xb8;
	[tilespmem:$0x1B400] =	vst v63  }
0x77: {  	_ =	swait.ge [sflag:s2], $0x2000  }
0x78: {  	[sflag:s2] =	ssyncset.done $0x0  }
0x79: {  	[sflag:s2] =	ssyncadd.s32 $0xFFFFE000  }
0x7a: {  	[spmem:s5] =	stream.indirect.scatter.add.f32 [tilespmem:s6], [sflag:$0x2], $0x40, s0, s0, $0xb8;
	[tilespmem:$0x1B400] =	vst v63  }
0x7b: {  	_ =	swait.ge [sflag:s29], $0x2000  }
0x7c: {  	[sflag:s29] =	ssyncset.done $0x0  }
0x7d: {  	[sflag:s29] =	ssyncadd.s32 $0xFFFFE000  }
0x7e: {  	[spmem:s7] =	stream.indirect.scatter.add.f32 [tilespmem:s28], [sflag:$0x2], $0x10, s0, s0, $0xb8;
	[tilespmem:$0x1B400] =	vst v63  }
.Ltmp4:
0x7f: {  	_ = 	snop;
	(pc) =	sbr.rel .LBB2_8-.Ltmp4, $4  }
0x80: {  	_ =	swait.ge [sflag:s29], $0x800  }
0x81: {  	[sflag:s29] =	ssyncset.done $0x0  }
0x82: {  	s4 =	rddreg [dreg:$0xa];
	[sflag:s29] =	ssyncadd.s32 $0xFFFFF800  }
0x83: {  	s1 =	rddreg [dreg:$0x3]  }
.LBB2_5:
0x84: {  	s1 =	sadd.s32 $0x0, s24  }
0x85: {  	[tilespmem:s8], [sflag:$0x2] =	stream.linear.gather [hbm4b:s1+s8], $0x80, $0x38;
	[tilespmem:$0x1B400] =	vst v63  }
0x86: {  	_ =	swait.ge [sflag:s29], $0x80  }
0x87: {  	[sflag:s29] =	ssyncset.done $0x0  }
0x88: {  	s16 =	sadd.s32 $0x0, s23;
	[sflag:s29] =	ssyncadd.s32 $0xFFFFFF80  }
0x89: {  	[tilespmem:s0], [sflag:$0x2] =	stream.linear.gather [hbm4b:s16+s8], $0x80, $0x38;
	[tilespmem:$0x1B400] =	vst v63  }
0x8a: {  	_ =	swait.ge [sflag:s29], $0x80  }
0x8b: {  	[sflag:s29] =	ssyncset.done $0x0  }
0x8c: {  	[sflag:s29] =	ssyncadd.s32 $0xFFFFFF80  }
0x8d: {  	[tilespmem:s6], [sflag:$0x1] =	stream.indirect.gather [hbm4b:s11+s0], $0x40, s8, s0, $0xb8;
	[tilespmem:$0x1B400] =	vst v63  }
0x8e: {  	_ =	swait.ge [sflag:s2], $0x2000  }
0x8f: {  	[sflag:s2] =	ssyncset.done $0x0  }
0x90: {  	[sflag:s2] =	ssyncadd.s32 $0xFFFFE000  }
0x91: {  	[spmem:s5] =	stream.indirect.scatter.add.f32 [tilespmem:s6], [sflag:$0x2], $0x40, s0, s0, $0xb8;
	[tilespmem:$0x1B400] =	vst v63  }
0x92: {  	_ =	swait.ge [sflag:s29], $0x2000  }
0x93: {  	[sflag:s29] =	ssyncset.done $0x0  }
0x94: {  	[sflag:s29] =	ssyncadd.s32 $0xFFFFE000  }
0x95: {  	[spmem:s7] =	stream.indirect.scatter.add.f32 [tilespmem:s28], [sflag:$0x2], $0x10, s0, s0, $0xb8;
	[tilespmem:$0x1B400] =	vst v63  }
0x96: {  	_ =	swait.ge [sflag:s29], $0x800  }
0x97: {  	s4 =	simm.s32 $0x10;
	s1 =	simm.s32 $0x20;
	[sflag:s29] =	ssyncset.done $0x0  }
.LBB2_6:
0x98: {  	s14 =	sadd.s32 s4, s24  }
0x99: {  	[sflag:s29] =	ssyncadd.s32 $0xFFFFF800;
	s15 =	smov.u32 s1;
	s16 =	sadd.s32 $0x10, s1  }
0x9a: {  	[tilespmem:s8], [sflag:$0x2] =	stream.linear.gather [hbm4b:s14+s8], $0x80, $0x38;
	[tilespmem:$0x1B400] =	vst v63  }
0x9b: {  	p1 =	sne.s32 s1, $0x1380;
	_ =	swait.ge [sflag:s29], $0x80  }
0x9c: {  	[sflag:s29] =	ssyncset.done $0x0  }
0x9d: {  	s1 =	sadd.s32 s4, s23;
	s4 =	smov.u32 s15;
	[sflag:s29] =	ssyncadd.s32 $0xFFFFFF80  }
0x9e: {  	[tilespmem:s0], [sflag:$0x2] =	stream.linear.gather [hbm4b:s1+s8], $0x80, $0x38;
	[tilespmem:$0x1B400] =	vst v63  }
0x9f: {  	_ =	swait.ge [sflag:s29], $0x80  }
0xa0: {  	[sflag:s29] =	ssyncset.done $0x0  }
0xa1: {  	[sflag:s29] =	ssyncadd.s32 $0xFFFFFF80  }
0xa2: {  	[tilespmem:s6], [sflag:$0x1] =	stream.indirect.gather [hbm4b:s11+s0], $0x40, s8, s0, $0xb8;
	[tilespmem:$0x1B400] =	vst v63  }
0xa3: {  	_ =	swait.ge [sflag:s2], $0x2000  }
0xa4: {  	[sflag:s2] =	ssyncset.done $0x0  }
0xa5: {  	[sflag:s2] =	ssyncadd.s32 $0xFFFFE000  }
0xa6: {  	[spmem:s5] =	stream.indirect.scatter.add.f32 [tilespmem:s6], [sflag:$0x2], $0x40, s0, s0, $0xb8;
	[tilespmem:$0x1B400] =	vst v63  }
0xa7: {  	_ =	swait.ge [sflag:s29], $0x2000  }
.Ltmp5:
0xa8: {  	[sflag:s29] =	ssyncset.done $0x0;
	(pc) =	sbr.rel @p1 .LBB2_6-.Ltmp5, $4  }
0xa9: {  	[sflag:s29] =	ssyncadd.s32 $0xFFFFE000  }
0xaa: {  	[spmem:s7] =	stream.indirect.scatter.add.f32 [tilespmem:s28], [sflag:$0x2], $0x10, s0, s0, $0xb8;
	[tilespmem:$0x1B400] =	vst v63  }
0xab: {  	_ =	swait.ge [sflag:s29], $0x800  }
0xac: {  	s1 =	smov.u32 s16;
	[sflag:s29] =	ssyncset.done $0x0  }
0xad: {  	s1 =	sadd.s32 s4, s24;
	[sflag:s29] =	ssyncadd.s32 $0xFFFFF800  }
0xae: {  	[tilespmem:s8], [sflag:$0x2] =	stream.linear.gather [hbm4b:s1+s8], $0x80, $0x38;
	[tilespmem:$0x1B400] =	vst v63  }
0xaf: {  	_ =	swait.ge [sflag:s29], $0x80  }
0xb0: {  	[sflag:s29] =	ssyncset.done $0x0  }
0xb1: {  	s16 =	sadd.s32 s4, s23;
	[sflag:s29] =	ssyncadd.s32 $0xFFFFFF80  }
0xb2: {  	[tilespmem:s0], [sflag:$0x2] =	stream.linear.gather [hbm4b:s16+s8], $0x80, $0x38;
	[tilespmem:$0x1B400] =	vst v63  }
0xb3: {  	_ =	swait.ge [sflag:s29], $0x80  }
0xb4: {  	[sflag:s29] =	ssyncset.done $0x0  }
0xb5: {  	[sflag:s29] =	ssyncadd.s32 $0xFFFFFF80  }
0xb6: {  	[tilespmem:s6], [sflag:$0x1] =	stream.indirect.gather [hbm4b:s11+s0], $0x40, s8, s0, $0xb8;
	[tilespmem:$0x1B400] =	vst v63  }
0xb7: {  	_ =	swait.ge [sflag:s2], $0x2000  }
0xb8: {  	[sflag:s2] =	ssyncset.done $0x0  }
0xb9: {  	[sflag:s2] =	ssyncadd.s32 $0xFFFFE000  }
0xba: {  	[spmem:s5] =	stream.indirect.scatter.add.f32 [tilespmem:s6], [sflag:$0x2], $0x40, s0, s0, $0xb8;
	[tilespmem:$0x1B400] =	vst v63  }
0xbb: {  	_ =	swait.ge [sflag:s29], $0x2000  }
0xbc: {  	[sflag:s29] =	ssyncset.done $0x0  }
0xbd: {  	[sflag:s29] =	ssyncadd.s32 $0xFFFFE000  }
0xbe: {  	[spmem:s7] =	stream.indirect.scatter.add.f32 [tilespmem:s28], [sflag:$0x2], $0x10, s0, s0, $0xb8;
	[tilespmem:$0x1B400] =	vst v63  }
0xbf: {  	_ =	swait.ge [sflag:s29], $0x800  }
0xc0: {  	[sflag:s29] =	ssyncset.done $0x0  }
0xc1: {  	s4 =	rddreg [dreg:$0xb];
	[sflag:s29] =	ssyncadd.s32 $0xFFFFF800  }
0xc2: {  	s1 =	rddreg [dreg:$0x5]  }
.LBB2_8:
0xc3: {  	[bflag:$0x0] =	sbarrier.arrive $0xFFFF  }
0xc4: {  	[tilespmem:s30], [sflag:$0x2] =	stream.linear.gather [spmem:s19], $0x9E00, $0x38;
	[tilespmem:$0x1B400] =	vst v63  }
0xc5: {  	_ =	swait.ge [sflag:s29], $0x9E00  }
0xc6: {  	[sflag:s29] =	ssyncset.done $0x0  }
0xc7: {  	[sflag:s29] =	ssyncadd.s32 $0xFFFF6200  }
0xc8: {  	[tilespmem:s31], [sflag:$0x2] =	stream.linear.gather [spmem:s21], $0x2780, $0x38;
	[tilespmem:$0x1B400] =	vst v63  }
0xc9: {  	_ =	swait.ge [sflag:s29], $0x2780  }
0xca: {  	[sflag:s29] =	ssyncset.done $0x0  }
0xcb: {  	s1 =	sadd.s32 s1, s17;
	s14 =	simm.s32 $0x0;
	[sflag:s29] =	ssyncadd.s32 $0xFFFFD880  }
0xcc: {  	[hbm4b:s1+s14] =	stream.linear.scatter [tilespmem:s30], [sflag:$0x2], $0x9E00, $0x38;
	[tilespmem:$0x1B400] =	vst v63  }
0xcd: {  	_ =	swait.ge [sflag:s29], $0x9E00  }
0xce: {  	[sflag:s29] =	ssyncset.done $0x0  }
0xcf: {  	s16 =	sadd.s32 s4, s13;
	[sflag:s29] =	ssyncadd.s32 $0xFFFF6200  }
0xd0: {  	[hbm4b:s16+s14] =	stream.linear.scatter [tilespmem:s31], [sflag:$0x2], $0x2780, $0x38;
	[tilespmem:$0x1B400] =	vst v63  }
0xd1: {  	_ =	swait.ge [sflag:s29], $0x2780  }
0xd2: {  	[sflag:s29] =	ssyncset.done $0x0  }
0xd3: {  	[sflag:s29] =	ssyncadd.s32 $0xFFFFD880  }
0xd4: {  	[bflag:$0x0] =	sbarrier.arrive $0xFFFF  }
0xd5: {  	[tilespmem:s30], [sflag:$0x2] =	stream.linear.gather [hbm4b:s18+s14], $0x9E00, $0x38;
	[tilespmem:$0x1B400] =	vst v63  }
0xd6: {  	_ =	swait.ge [sflag:s29], $0x9E00  }
0xd7: {  	[sflag:s29] =	ssyncset.done $0x0  }
0xd8: {  	[sflag:s29] =	ssyncadd.s32 $0xFFFF6200  }
0xd9: {  	[spmem:s19] =	stream.linear.scatter [tilespmem:s30], [sflag:$0x2], $0x9E00, $0x38;
	[tilespmem:$0x1B400] =	vst v63  }
.Ltmp6:
0xda: {  	_ =	swait.ge [sflag:s29], $0x9E00;
	(pc) =	sbr.rel @p0 .LBB2_12-.Ltmp6, $3  }
0xdb: {  	[sflag:s29] =	ssyncset.done $0x0  }
0xdc: {  	[sflag:s29] =	ssyncadd.s32 $0xFFFF6200  }
0xdd: {  	[bflag:$0x0] =	sbarrier.arrive $0xFFFF;
	_ =	sdelay $0x1  }
0xde: {  	s1 =	sadd.s32 $0x0, s26  }
0xdf: {  	[tilespmem:s8], [sflag:$0x2] =	stream.linear.gather [hbm4b:s1+s8], $0x80, $0x38;
	[tilespmem:$0x1B400] =	vst v63  }
0xe0: {  	_ =	swait.ge [sflag:s29], $0x80  }
0xe1: {  	[sflag:s29] =	ssyncset.done $0x0  }
0xe2: {  	s16 =	sadd.s32 $0x0, s25;
	[sflag:s29] =	ssyncadd.s32 $0xFFFFFF80  }
0xe3: {  	[tilespmem:s0], [sflag:$0x2] =	stream.linear.gather [hbm4b:s16+s8], $0x80, $0x38;
	[tilespmem:$0x1B400] =	vst v63  }
0xe4: {  	_ =	swait.ge [sflag:s29], $0x80  }
0xe5: {  	[sflag:s29] =	ssyncset.done $0x0  }
0xe6: {  	[sflag:s29] =	ssyncadd.s32 $0xFFFFFF80  }
0xe7: {  	[tilespmem:s6], [sflag:$0x1] =	stream.indirect.gather [hbm4b:s10+s0], $0x40, s8, s0, $0xb8;
	[tilespmem:$0x1B400] =	vst v63  }
0xe8: {  	_ =	swait.ge [sflag:s2], $0x2000  }
0xe9: {  	[sflag:s2] =	ssyncset.done $0x0  }
0xea: {  	[sflag:s2] =	ssyncadd.s32 $0xFFFFE000  }
0xeb: {  	[spmem:s5] =	stream.indirect.scatter.add.f32 [tilespmem:s6], [sflag:$0x2], $0x40, s0, s0, $0xb8;
	[tilespmem:$0x1B400] =	vst v63  }
0xec: {  	_ =	swait.ge [sflag:s29], $0x2000  }
0xed: {  	s4 =	simm.s32 $0x10;
	s1 =	simm.s32 $0x20;
	[sflag:s29] =	ssyncset.done $0x0  }
.LBB2_10:
0xee: {  	s14 =	sadd.s32 s4, s26  }
0xef: {  	[sflag:s29] =	ssyncadd.s32 $0xFFFFE000;
	s15 =	smov.u32 s1;
	s16 =	sadd.s32 $0x10, s1  }
0xf0: {  	[tilespmem:s8], [sflag:$0x2] =	stream.linear.gather [hbm4b:s14+s8], $0x80, $0x38;
	[tilespmem:$0x1B400] =	vst v63  }
0xf1: {  	p1 =	seq.s32 s1, $0x1380;
	_ =	swait.ge [sflag:s29], $0x80  }
0xf2: {  	[sflag:s29] =	ssyncset.done $0x0  }
0xf3: {  	s1 =	sadd.s32 s4, s25;
	s4 =	smov.u32 s15;
	[sflag:s29] =	ssyncadd.s32 $0xFFFFFF80  }
0xf4: {  	[tilespmem:s0], [sflag:$0x2] =	stream.linear.gather [hbm4b:s1+s8], $0x80, $0x38;
	[tilespmem:$0x1B400] =	vst v63  }
0xf5: {  	_ =	swait.ge [sflag:s29], $0x80  }
0xf6: {  	[sflag:s29] =	ssyncset.done $0x0  }
0xf7: {  	[sflag:s29] =	ssyncadd.s32 $0xFFFFFF80  }
0xf8: {  	[tilespmem:s6], [sflag:$0x1] =	stream.indirect.gather [hbm4b:s10+s0], $0x40, s8, s0, $0xb8;
	[tilespmem:$0x1B400] =	vst v63  }
0xf9: {  	_ =	swait.ge [sflag:s2], $0x2000  }
.Ltmp7:
0xfa: {  	[sflag:s2] =	ssyncset.done $0x0;
	(pc) =	sbr.rel @!p1 .LBB2_10-.Ltmp7, $4  }
0xfb: {  	[sflag:s2] =	ssyncadd.s32 $0xFFFFE000  }
0xfc: {  	[spmem:s5] =	stream.indirect.scatter.add.f32 [tilespmem:s6], [sflag:$0x2], $0x40, s0, s0, $0xb8;
	[tilespmem:$0x1B400] =	vst v63  }
0xfd: {  	_ =	swait.ge [sflag:s29], $0x2000  }
0xfe: {  	s1 =	smov.u32 s16;
	[sflag:s29] =	ssyncset.done $0x0  }
0xff: {  	s1 =	sadd.s32 s4, s26;
	[sflag:s29] =	ssyncadd.s32 $0xFFFFE000  }
0x100: {  	[tilespmem:s8], [sflag:$0x2] =	stream.linear.gather [hbm4b:s1+s8], $0x80, $0x38;
	[tilespmem:$0x1B400] =	vst v63  }
0x101: {  	_ =	swait.ge [sflag:s29], $0x80  }
0x102: {  	[sflag:s29] =	ssyncset.done $0x0  }
0x103: {  	s16 =	sadd.s32 s4, s25;
	[sflag:s29] =	ssyncadd.s32 $0xFFFFFF80  }
0x104: {  	[tilespmem:s0], [sflag:$0x2] =	stream.linear.gather [hbm4b:s16+s8], $0x80, $0x38;
	[tilespmem:$0x1B400] =	vst v63  }
0x105: {  	_ =	swait.ge [sflag:s29], $0x80  }
0x106: {  	[sflag:s29] =	ssyncset.done $0x0  }
0x107: {  	[sflag:s29] =	ssyncadd.s32 $0xFFFFFF80  }
0x108: {  	[tilespmem:s6], [sflag:$0x1] =	stream.indirect.gather [hbm4b:s10+s0], $0x40, s8, s0, $0xb8;
	[tilespmem:$0x1B400] =	vst v63  }
0x109: {  	_ =	swait.ge [sflag:s2], $0x2000  }
0x10a: {  	[sflag:s2] =	ssyncset.done $0x0  }
0x10b: {  	[sflag:s2] =	ssyncadd.s32 $0xFFFFE000  }
0x10c: {  	[spmem:s5] =	stream.indirect.scatter.add.f32 [tilespmem:s6], [sflag:$0x2], $0x40, s0, s0, $0xb8;
	[tilespmem:$0x1B400] =	vst v63  }
.Ltmp8:
0x10d: {  	_ = 	snop;
	(pc) =	sbr.rel .LBB2_15-.Ltmp8, $4  }
0x10e: {  	_ =	swait.ge [sflag:s29], $0x2000  }
0x10f: {  	[sflag:s29] =	ssyncset.done $0x0  }
0x110: {  	[sflag:s29] =	ssyncadd.s32 $0xFFFFE000  }
0x111: {  	s1 =	rddreg [dreg:$0x4]  }
.LBB2_12:
0x112: {  	s1 =	sadd.s32 $0x0, s24  }
0x113: {  	[tilespmem:s8], [sflag:$0x2] =	stream.linear.gather [hbm4b:s1+s8], $0x80, $0x38;
	[tilespmem:$0x1B400] =	vst v63  }
0x114: {  	_ =	swait.ge [sflag:s29], $0x80  }
0x115: {  	[sflag:s29] =	ssyncset.done $0x0  }
0x116: {  	s16 =	sadd.s32 $0x0, s23;
	[sflag:s29] =	ssyncadd.s32 $0xFFFFFF80  }
0x117: {  	[tilespmem:s0], [sflag:$0x2] =	stream.linear.gather [hbm4b:s16+s8], $0x80, $0x38;
	[tilespmem:$0x1B400] =	vst v63  }
0x118: {  	_ =	swait.ge [sflag:s29], $0x80  }
0x119: {  	[sflag:s29] =	ssyncset.done $0x0  }
0x11a: {  	[sflag:s29] =	ssyncadd.s32 $0xFFFFFF80  }
0x11b: {  	[tilespmem:s6], [sflag:$0x1] =	stream.indirect.gather [hbm4b:s12+s0], $0x40, s8, s0, $0xb8;
	[tilespmem:$0x1B400] =	vst v63  }
0x11c: {  	_ =	swait.ge [sflag:s2], $0x2000  }
0x11d: {  	[sflag:s2] =	ssyncset.done $0x0  }
0x11e: {  	[sflag:s2] =	ssyncadd.s32 $0xFFFFE000  }
0x11f: {  	[spmem:s5] =	stream.indirect.scatter.add.f32 [tilespmem:s6], [sflag:$0x2], $0x40, s0, s0, $0xb8;
	[tilespmem:$0x1B400] =	vst v63  }
0x120: {  	_ =	swait.ge [sflag:s29], $0x2000  }
0x121: {  	s4 =	simm.s32 $0x10;
	s1 =	simm.s32 $0x20;
	[sflag:s29] =	ssyncset.done $0x0  }
.LBB2_13:
0x122: {  	s14 =	sadd.s32 s4, s24  }
0x123: {  	[sflag:s29] =	ssyncadd.s32 $0xFFFFE000;
	s15 =	smov.u32 s1;
	s16 =	sadd.s32 $0x10, s1  }
0x124: {  	[tilespmem:s8], [sflag:$0x2] =	stream.linear.gather [hbm4b:s14+s8], $0x80, $0x38;
	[tilespmem:$0x1B400] =	vst v63  }
0x125: {  	p1 =	sne.s32 s1, $0x1380;
	_ =	swait.ge [sflag:s29], $0x80  }
0x126: {  	[sflag:s29] =	ssyncset.done $0x0  }
0x127: {  	s1 =	sadd.s32 s4, s23;
	s4 =	smov.u32 s15;
	[sflag:s29] =	ssyncadd.s32 $0xFFFFFF80  }
0x128: {  	[tilespmem:s0], [sflag:$0x2] =	stream.linear.gather [hbm4b:s1+s8], $0x80, $0x38;
	[tilespmem:$0x1B400] =	vst v63  }
0x129: {  	_ =	swait.ge [sflag:s29], $0x80  }
0x12a: {  	[sflag:s29] =	ssyncset.done $0x0  }
0x12b: {  	[sflag:s29] =	ssyncadd.s32 $0xFFFFFF80  }
0x12c: {  	[tilespmem:s6], [sflag:$0x1] =	stream.indirect.gather [hbm4b:s12+s0], $0x40, s8, s0, $0xb8;
	[tilespmem:$0x1B400] =	vst v63  }
0x12d: {  	_ =	swait.ge [sflag:s2], $0x2000  }
.Ltmp9:
0x12e: {  	[sflag:s2] =	ssyncset.done $0x0;
	(pc) =	sbr.rel @p1 .LBB2_13-.Ltmp9, $4  }
0x12f: {  	[sflag:s2] =	ssyncadd.s32 $0xFFFFE000  }
0x130: {  	[spmem:s5] =	stream.indirect.scatter.add.f32 [tilespmem:s6], [sflag:$0x2], $0x40, s0, s0, $0xb8;
	[tilespmem:$0x1B400] =	vst v63  }
0x131: {  	_ =	swait.ge [sflag:s29], $0x2000  }
0x132: {  	s1 =	smov.u32 s16;
	[sflag:s29] =	ssyncset.done $0x0  }
.Ltmp10:
0x133: {  	_ = 	snop;
	(pc) =	sbr.rel .LBB2_14-.Ltmp10, $1  }
0x134: {  	_ =	sdelay $0x3  }
.LBB2_16:
0x135: {  	_ =	sfence.sel $0x180000  }
0x136: {  	[bflag:$0x0] =	sbarrier.arrive $0xFFFF  }
0x137: {  	_ =	strace $0x90000047  }
0x138: {  	s0 =	stileid.u32;
	[bflag:$0x2] =	sbarrier.arrive $0xFFFF  }
0x139: {  	p0 =	sne.s32 s0, $0x0;
	s0 =	rddreg [dreg:$0x8]  }
0x13a: {  	s0 =	sadd.s32 @!p0 $0x100000, s0  }
0x13b: {  	[sflag:s0] =	ssyncadd.tile.s32 @!p0 $0x1;
	_ =	shalt  }
.Lfunc_end2:
_tile_overlayer_lowered:
.L_overlay_start_2:
0x13c: {  	(tag) =	ssettag $0x2  }
0x13d: {  	s0 =	rddreg [dreg:$0x0];
	s2 =	stileid.u32  }
0x13e: {  	s1 =	rddreg [dreg:$0x1];
	p0 =	sne.s32 s2, $0x0  }
0x13f: {  	s3 =	rddreg [dreg:$0x2];
	[bflag:$0x3] =	sbarrier.arrive $0xFFFF;
	s2 =	simm.s32 @!p0 $0x1C02  }
0x140: {  	[timem:s3], [sflag:s2] =	dma.local @!p0 [hbm:s0], s1  }
0x141: {  	s0 =	simm.s32 @!p0 $0x2  }
0x142: {  	_ =	swait.ge @!p0 [sflag:s0], s1  }
0x143: {  	s1 =	ssub.s32 @!p0 $0x0, s1;
	[sflag:s0] =	ssyncset.done @!p0 $0x0  }
0x144: {  	[sflag:s0] =	ssyncadd.s32 @!p0 s1  }
0x145: {  	[bflag:$0x3] =	sbarrier.arrive $0xFFFF  }
0x146: {  	_ =	shalt  }

</sc_bundles>
